<compile_context>
chip_gen: v7x
topology: tpu7x:2x2x1
jax: 0.10.2.dev20260603
libtpu: 0.0.44.dev20260713+nightly
codegen_flags: <defaults>
</compile_context>

<pallas_src>
import functools

import jax
import jax.numpy as jnp
import numpy as np
from jax import lax
from jax.experimental import pallas as pl
from jax.experimental.pallas import tpu as pltpu
from jax.experimental.pallas import tpu_sc as plsc

_N = 262144
_D = 256
_NC = 2
_NS = 16
_NW = _NC * _NS
_L = 16
_RPW = _N // _NW
_R = 64
_NB = _RPW // _R
_CPR = _D // _L

_RC = np.float32(1.5 * 2.0 ** 23)
_HALF = np.float32(0.5)
_THRESH = np.float32(_D / 4.0)

_mesh = plsc.VectorSubcoreMesh(core_axis_name="c", subcore_axis_name="s")


def _quantize_row(xv, yv, r):
    acc = [jnp.zeros((_L,), jnp.float32) for _ in range(2)]
    y1s = []
    y2s = []
    for j in range(_CPR):
        v = xv[r, pl.ds(j * _L, _L)]
        y1 = (v + _RC) - _RC
        r1 = v - y1
        acc[j % 2] = acc[j % 2] + jnp.abs(r1)
        d = jnp.where(r1 >= 0.0, _HALF, -_HALF)
        y1s.append(y1)
        y2s.append(y1 + d)
    cs = plsc.cumsum(acc[0] + acc[1])
    tot = lax.gather(
        cs,
        jnp.full((_L, 1), _L - 1, jnp.int32),
        lax.GatherDimensionNumbers(
            offset_dims=(), collapsed_slice_dims=(0,), start_index_map=(0,)
        ),
        slice_sizes=(1,),
        mode=lax.GatherScatterMode.PROMISE_IN_BOUNDS,
    )
    use2 = tot > _THRESH
    for j in range(_CPR):
        yv[r, pl.ds(j * _L, _L)] = jnp.where(use2, y2s[j], y1s[j])


@functools.partial(
    pl.kernel,
    out_type=jax.ShapeDtypeStruct((_N, _D), jnp.float32),
    mesh=_mesh,
    scratch_types=[
        pltpu.VMEM((_R, _D), jnp.float32),
        pltpu.VMEM((_R, _D), jnp.float32),
        pltpu.VMEM((_R, _D), jnp.float32),
        pltpu.VMEM((_R, _D), jnp.float32),
        pltpu.SemaphoreType.DMA,
        pltpu.SemaphoreType.DMA,
        pltpu.SemaphoreType.DMA,
        pltpu.SemaphoreType.DMA,
    ],
    compiler_params=pltpu.CompilerParams(needs_layout_passes=False),
)
def _dn_quant(x_hbm, out_hbm, xv0, xv1, yv0, yv1, si0, si1, so0, so1):
    wid = lax.axis_index("s") * _NC + lax.axis_index("c")
    base = wid * _RPW
    xv = (xv0, xv1)
    yv = (yv0, yv1)
    si = (si0, si1)
    so = (so0, so1)

    def start_in(i, k):
        pltpu.async_copy(x_hbm.at[pl.ds(base + i * _R, _R)], xv[k], si[k])

    def start_out(i, k):
        pltpu.async_copy(yv[k], out_hbm.at[pl.ds(base + i * _R, _R)], so[k])

    def wait_in(i, k):
        pltpu.make_async_copy(
            x_hbm.at[pl.ds(base + i * _R, _R)], xv[k], si[k]
        ).wait()

    def wait_out(i, k):
        pltpu.make_async_copy(
            yv[k], out_hbm.at[pl.ds(base + i * _R, _R)], so[k]
        ).wait()

    start_in(0, 0)

    def pair_body(t, carry):
        for k in (0, 1):
            i = 2 * t + k

            @pl.when(i + 1 < _NB)
            def _():
                start_in(i + 1, (k + 1) % 2)

            wait_in(i, k)

            @pl.when(i >= 2)
            def _():
                wait_out(i - 2, k)

            @plsc.parallel_loop(0, _R, unroll=2)
            def _(r):
                _quantize_row(xv[k], yv[k], r)
            start_out(i, k)
        return carry

    lax.fori_loop(0, _NB // 2, pair_body, 0)
    wait_out(_NB - 2, 0)
    wait_out(_NB - 1, 1)


def kernel(x):
    return _dn_quant(x)

# --- scband reference (transcript-rebuilt; emitter-appended) ---
"""Pipeline reference for scband-dn-dual-quantizer-59785944760422 (READ-ONLY COPY).

The authoritative reference and input builder live on the scoring server;
editing this copy changes nothing except your own understanding.
"""

import jax, jax.numpy as jnp
import numpy as np


def setup_inputs(seed: int = 0) -> dict:
    key = jax.random.key(seed)
    x = jax.random.normal(key, (262144, 256), dtype=jnp.float32)
    return {"x": x}


def reference(x):
    # D_n^* dual lattice quantizer forward (faithful to torch module).
    # torch.round and jnp.round both use round-half-to-even.
    y1 = jnp.round(x)
    y2 = jnp.round(x - 0.5) + 0.5
    codebooks = jnp.stack((y1, y2), axis=1)  # [N, 2, dim]
    scores = jnp.stack(
        (jnp.linalg.norm(x - y1, axis=1), jnp.linalg.norm(x - y2, axis=1)),
        axis=1,
    )  # [N, 2]
    idx = jnp.argmin(scores, axis=1)  # [N]
    y = codebooks[jnp.arange(codebooks.shape[0]), idx, :]  # gather per-row winner
    return y

if __name__ == "__main__":
    import jax
    _d = setup_inputs()
    print(jax.jit(kernel)(*tuple(_d.values())))

</pallas_src>

<mosaic_0001>
#map = affine_map<(d0, d1) -> (0, 0)>
module attributes {stable_mosaic.version = 14 : i64} {
  func.func @_dn_quant(%arg0: i32, %arg1: i32, %arg2: memref<262144x256xf32, #tpu.memory_space<hbm>>, %arg3: memref<262144x256xf32, #tpu.memory_space<hbm>>, %arg4: memref<64x256xf32, #tpu.memory_space<vmem>>, %arg5: memref<64x256xf32, #tpu.memory_space<vmem>>, %arg6: memref<64x256xf32, #tpu.memory_space<vmem>>, %arg7: memref<64x256xf32, #tpu.memory_space<vmem>>, %arg8: memref<!tpu.dma_semaphore, #tpu.memory_space<semaphore_mem>>, %arg9: memref<!tpu.dma_semaphore, #tpu.memory_space<semaphore_mem>>, %arg10: memref<!tpu.dma_semaphore, #tpu.memory_space<semaphore_mem>>, %arg11: memref<!tpu.dma_semaphore, #tpu.memory_space<semaphore_mem>>) attributes {dimension_semantics = [#tpu.dimension_semantics<core_parallel>, #tpu.dimension_semantics<subcore_parallel>], iteration_bounds = array<i64: 2, 16>, scalar_prefetch = 0 : i64, scratch_operands = 8 : i64, tpu.core_type = #tpu.core_type<sc_vector_subcore>, window_params = [{transform_indices = #map}, {transform_indices = #map}]} {
    %mul3A = arith.constant 2 : i32
    %mul3A_0 = arith.muli %arg1, %mul3A : i32
    %add3A = arith.addi %mul3A_0, %arg0 : i32
    %mul3A_1 = arith.constant 8192 : i32
    %mul3A_2 = arith.muli %add3A, %mul3A_1 : i32
    %add3A_3 = arith.constant 0 : i32
    %add3A_4 = arith.addi %mul3A_2, %add3A_3 : i32
    %dma_start3A = arith.constant 0 : i32
    %dma_start3A_5 = tpu.memref_slice %arg2[%add3A_4, %dma_start3A] : memref<262144x256xf32, #tpu.memory_space<hbm>> -> memref<64x256xf32, #tpu.memory_space<hbm>>
    %dma_start3A_6 = arith.constant 0 : i32
    %dma_start3A_7 = tpu.memref_slice %arg2[%add3A_4, %dma_start3A_6] : memref<262144x256xf32, #tpu.memory_space<hbm>> -> memref<64x256xf32, #tpu.memory_space<hbm>>
    tpu.enqueue_dma source(%dma_start3A_7 : memref<64x256xf32, #tpu.memory_space<hbm>>) target(%arg4 : memref<64x256xf32, #tpu.memory_space<vmem>>) target_semaphore(%arg8 : memref<!tpu.dma_semaphore, #tpu.memory_space<semaphore_mem>>)
    %scan3A = arith.constant 0 : i32
    %scan3A_8 = arith.constant 0 : i32
    %scan3A_9 = arith.constant 64 : i32
    %scan3A_10 = arith.addi %scan3A_8, %scan3A_9 : i32
    %scan3A_11 = arith.constant 1 : i32
    scf.for %scan3A_24 = %scan3A_8 to %scan3A_10 step %scan3A_11  : i32 {
      %mul3A_25 = arith.constant 2 : i32
      %mul3A_26 = arith.muli %mul3A_25, %scan3A_24 : i32
      %add3A_27 = arith.constant 0 : i32
      %add3A_28 = arith.addi %mul3A_26, %add3A_27 : i32
      %add3A_29 = arith.constant 1 : i32
      %add3A_30 = arith.addi %add3A_28, %add3A_29 : i32
      %lt3A = arith.constant 128 : i32
      %lt3A_31 = arith.cmpi slt, %add3A_30, %lt3A : i32
      %convert_element_type3A = arith.extui %lt3A_31 : i1 to i32
      %cond3A = arith.constant 0 : i32
      %cond3A_32 = arith.cmpi ne, %convert_element_type3A, %cond3A : i32
      scf.if %cond3A_32 {
        %add3A_86 = arith.constant 1 : i32
        %add3A_87 = arith.addi %add3A_28, %add3A_86 : i32
        %mul3A_88 = arith.constant 64 : i32
        %mul3A_89 = arith.muli %add3A_87, %mul3A_88 : i32
        %add3A_90 = arith.addi %mul3A_2, %mul3A_89 : i32
        %dma_start3A_91 = arith.constant 0 : i32
        %dma_start3A_92 = tpu.memref_slice %arg2[%add3A_90, %dma_start3A_91] : memref<262144x256xf32, #tpu.memory_space<hbm>> -> memref<64x256xf32, #tpu.memory_space<hbm>>
        %dma_start3A_93 = arith.constant 0 : i32
        %dma_start3A_94 = tpu.memref_slice %arg2[%add3A_90, %dma_start3A_93] : memref<262144x256xf32, #tpu.memory_space<hbm>> -> memref<64x256xf32, #tpu.memory_space<hbm>>
        tpu.enqueue_dma source(%dma_start3A_94 : memref<64x256xf32, #tpu.memory_space<hbm>>) target(%arg5 : memref<64x256xf32, #tpu.memory_space<vmem>>) target_semaphore(%arg9 : memref<!tpu.dma_semaphore, #tpu.memory_space<semaphore_mem>>)
      } else {
      }
      %mul3A_33 = arith.constant 64 : i32
      %mul3A_34 = arith.muli %add3A_28, %mul3A_33 : i32
      %add3A_35 = arith.addi %mul3A_2, %mul3A_34 : i32
      %dma_wait3A_36 = arith.constant 0 : i32
      %dma_wait3A_37 = tpu.memref_slice %arg2[%add3A_35, %dma_wait3A_36] : memref<262144x256xf32, #tpu.memory_space<hbm>> -> memref<64x256xf32, #tpu.memory_space<hbm>>
      %dma_wait3A_38 = arith.constant 0 : i32
      %dma_wait3A_39 = tpu.memref_slice %arg2[%add3A_35, %dma_wait3A_38] : memref<262144x256xf32, #tpu.memory_space<hbm>> -> memref<64x256xf32, #tpu.memory_space<hbm>>
      tpu.wait_dma2 semaphore(%arg8 : memref<!tpu.dma_semaphore, #tpu.memory_space<semaphore_mem>>) src(%dma_wait3A_39 : memref<64x256xf32, #tpu.memory_space<hbm>>) dst(%arg4 : memref<64x256xf32, #tpu.memory_space<vmem>>)
      %ge3A = arith.constant 2 : i32
      %ge3A_40 = arith.cmpi sge, %add3A_28, %ge3A : i32
      %convert_element_type3A_41 = arith.extui %ge3A_40 : i1 to i32
      %cond3A_42 = arith.constant 0 : i32
      %cond3A_43 = arith.cmpi ne, %convert_element_type3A_41, %cond3A_42 : i32
      scf.if %cond3A_43 {
        %sub3A = arith.constant 2 : i32
        %sub3A_86 = arith.subi %add3A_28, %sub3A : i32
        %mul3A_87 = arith.constant 64 : i32
        %mul3A_88 = arith.muli %sub3A_86, %mul3A_87 : i32
        %add3A_89 = arith.addi %mul3A_2, %mul3A_88 : i32
        %dma_wait3A_90 = arith.constant 0 : i32
        %dma_wait3A_91 = tpu.memref_slice %arg3[%add3A_89, %dma_wait3A_90] : memref<262144x256xf32, #tpu.memory_space<hbm>> -> memref<64x256xf32, #tpu.memory_space<hbm>>
        %dma_wait3A_92 = arith.constant 0 : i32
        %dma_wait3A_93 = tpu.memref_slice %arg3[%add3A_89, %dma_wait3A_92] : memref<262144x256xf32, #tpu.memory_space<hbm>> -> memref<64x256xf32, #tpu.memory_space<hbm>>
        tpu.wait_dma2 semaphore(%arg10 : memref<!tpu.dma_semaphore, #tpu.memory_space<semaphore_mem>>) src(%arg6 : memref<64x256xf32, #tpu.memory_space<vmem>>) dst(%dma_wait3A_93 : memref<64x256xf32, #tpu.memory_space<hbm>>)
      } else {
      }
      %parallel_loop3A = arith.constant 0 : i32
      %parallel_loop3A_44 = arith.constant 64 : i32
      %parallel_loop3A_45 = arith.constant 1 : i32
      scf.for %parallel_loop3A_86 = %parallel_loop3A to %parallel_loop3A_44 step %parallel_loop3A_45  : i32 {
        %parallel_loop3A_87 = arith.constant 0.000000e+00 : f32
        %parallel_loop3A_88 = vector.broadcast %parallel_loop3A_87 : f32 to vector<16xf32>
        %parallel_loop3A_89 = arith.constant 0.000000e+00 : f32
        %parallel_loop3A_90 = vector.broadcast %parallel_loop3A_89 : f32 to vector<16xf32>
        %parallel_loop3A_91 = arith.index_cast %parallel_loop3A_86 : i32 to index
        %parallel_loop3A_92 = arith.constant 0 : index
        %parallel_loop3A_93 = tpu.vector_load %arg4[%parallel_loop3A_91, %parallel_loop3A_92] {strides = array<i32>} : memref<64x256xf32, #tpu.memory_space<vmem>>, vector<16xf32>,
        %parallel_loop3A_94 = arith.constant 0x4B400000 : f32
        %parallel_loop3A_95 = vector.broadcast %parallel_loop3A_94 : f32 to vector<16xf32>
        %parallel_loop3A_96 = arith.addf %parallel_loop3A_93, %parallel_loop3A_95 : vector<16xf32>
        %parallel_loop3A_97 = arith.constant 0x4B400000 : f32
        %parallel_loop3A_98 = vector.broadcast %parallel_loop3A_97 : f32 to vector<16xf32>
        %parallel_loop3A_99 = arith.subf %parallel_loop3A_96, %parallel_loop3A_98 : vector<16xf32>
        %parallel_loop3A_100 = arith.subf %parallel_loop3A_93, %parallel_loop3A_99 : vector<16xf32>
        %parallel_loop3A_101 = math.absf %parallel_loop3A_100 : vector<16xf32>
        %parallel_loop3A_102 = arith.addf %parallel_loop3A_88, %parallel_loop3A_101 : vector<16xf32>
        %parallel_loop3A_103 = arith.constant 0.000000e+00 : f32
        %parallel_loop3A_104 = vector.broadcast %parallel_loop3A_103 : f32 to vector<16xf32>
        %parallel_loop3A_105 = arith.cmpf oge, %parallel_loop3A_100, %parallel_loop3A_104 : vector<16xf32>
        %parallel_loop3A_106 = arith.constant 5.000000e-01 : f32
        %parallel_loop3A_107 = arith.constant -5.000000e-01 : f32
        %parallel_loop3A_108 = vector.broadcast %parallel_loop3A_106 : f32 to vector<16xf32>
        %parallel_loop3A_109 = vector.broadcast %parallel_loop3A_107 : f32 to vector<16xf32>
        %parallel_loop3A_110 = arith.select %parallel_loop3A_105, %parallel_loop3A_108, %parallel_loop3A_109 : vector<16xi1>, vector<16xf32>
        %parallel_loop3A_111 = arith.addf %parallel_loop3A_99, %parallel_loop3A_110 : vector<16xf32>
        %parallel_loop3A_112 = arith.index_cast %parallel_loop3A_86 : i32 to index
        %parallel_loop3A_113 = arith.constant 16 : index
        %parallel_loop3A_114 = tpu.vector_load %arg4[%parallel_loop3A_112, %parallel_loop3A_113] {strides = array<i32>} : memref<64x256xf32, #tpu.memory_space<vmem>>, vector<16xf32>,
        %parallel_loop3A_115 = arith.constant 0x4B400000 : f32
        %parallel_loop3A_116 = vector.broadcast %parallel_loop3A_115 : f32 to vector<16xf32>
        %parallel_loop3A_117 = arith.addf %parallel_loop3A_114, %parallel_loop3A_116 : vector<16xf32>
        %parallel_loop3A_118 = arith.constant 0x4B400000 : f32
        %parallel_loop3A_119 = vector.broadcast %parallel_loop3A_118 : f32 to vector<16xf32>
        %parallel_loop3A_120 = arith.subf %parallel_loop3A_117, %parallel_loop3A_119 : vector<16xf32>
        %parallel_loop3A_121 = arith.subf %parallel_loop3A_114, %parallel_loop3A_120 : vector<16xf32>
        %parallel_loop3A_122 = math.absf %parallel_loop3A_121 : vector<16xf32>
        %parallel_loop3A_123 = arith.addf %parallel_loop3A_90, %parallel_loop3A_122 : vector<16xf32>
        %parallel_loop3A_124 = arith.constant 0.000000e+00 : f32
        %parallel_loop3A_125 = vector.broadcast %parallel_loop3A_124 : f32 to vector<16xf32>
        %parallel_loop3A_126 = arith.cmpf oge, %parallel_loop3A_121, %parallel_loop3A_125 : vector<16xf32>
        %parallel_loop3A_127 = arith.constant 5.000000e-01 : f32
        %parallel_loop3A_128 = arith.constant -5.000000e-01 : f32
        %parallel_loop3A_129 = vector.broadcast %parallel_loop3A_127 : f32 to vector<16xf32>
        %parallel_loop3A_130 = vector.broadcast %parallel_loop3A_128 : f32 to vector<16xf32>
        %parallel_loop3A_131 = arith.select %parallel_loop3A_126, %parallel_loop3A_129, %parallel_loop3A_130 : vector<16xi1>, vector<16xf32>
        %parallel_loop3A_132 = arith.addf %parallel_loop3A_120, %parallel_loop3A_131 : vector<16xf32>
        %parallel_loop3A_133 = arith.index_cast %parallel_loop3A_86 : i32 to index
        %parallel_loop3A_134 = arith.constant 32 : index
        %parallel_loop3A_135 = tpu.vector_load %arg4[%parallel_loop3A_133, %parallel_loop3A_134] {strides = array<i32>} : memref<64x256xf32, #tpu.memory_space<vmem>>, vector<16xf32>,
        %parallel_loop3A_136 = arith.constant 0x4B400000 : f32
        %parallel_loop3A_137 = vector.broadcast %parallel_loop3A_136 : f32 to vector<16xf32>
        %parallel_loop3A_138 = arith.addf %parallel_loop3A_135, %parallel_loop3A_137 : vector<16xf32>
        %parallel_loop3A_139 = arith.constant 0x4B400000 : f32
        %parallel_loop3A_140 = vector.broadcast %parallel_loop3A_139 : f32 to vector<16xf32>
        %parallel_loop3A_141 = arith.subf %parallel_loop3A_138, %parallel_loop3A_140 : vector<16xf32>
        %parallel_loop3A_142 = arith.subf %parallel_loop3A_135, %parallel_loop3A_141 : vector<16xf32>
        %parallel_loop3A_143 = math.absf %parallel_loop3A_142 : vector<16xf32>
        %parallel_loop3A_144 = arith.addf %parallel_loop3A_102, %parallel_loop3A_143 : vector<16xf32>
        %parallel_loop3A_145 = arith.constant 0.000000e+00 : f32
        %parallel_loop3A_146 = vector.broadcast %parallel_loop3A_145 : f32 to vector<16xf32>
        %parallel_loop3A_147 = arith.cmpf oge, %parallel_loop3A_142, %parallel_loop3A_146 : vector<16xf32>
        %parallel_loop3A_148 = arith.constant 5.000000e-01 : f32
        %parallel_loop3A_149 = arith.constant -5.000000e-01 : f32
        %parallel_loop3A_150 = vector.broadcast %parallel_loop3A_148 : f32 to vector<16xf32>
        %parallel_loop3A_151 = vector.broadcast %parallel_loop3A_149 : f32 to vector<16xf32>
        %parallel_loop3A_152 = arith.select %parallel_loop3A_147, %parallel_loop3A_150, %parallel_loop3A_151 : vector<16xi1>, vector<16xf32>
        %parallel_loop3A_153 = arith.addf %parallel_loop3A_141, %parallel_loop3A_152 : vector<16xf32>
        %parallel_loop3A_154 = arith.index_cast %parallel_loop3A_86 : i32 to index
        %parallel_loop3A_155 = arith.constant 48 : index
        %parallel_loop3A_156 = tpu.vector_load %arg4[%parallel_loop3A_154, %parallel_loop3A_155] {strides = array<i32>} : memref<64x256xf32, #tpu.memory_space<vmem>>, vector<16xf32>,
        %parallel_loop3A_157 = arith.constant 0x4B400000 : f32
        %parallel_loop3A_158 = vector.broadcast %parallel_loop3A_157 : f32 to vector<16xf32>
        %parallel_loop3A_159 = arith.addf %parallel_loop3A_156, %parallel_loop3A_158 : vector<16xf32>
        %parallel_loop3A_160 = arith.constant 0x4B400000 : f32
        %parallel_loop3A_161 = vector.broadcast %parallel_loop3A_160 : f32 to vector<16xf32>
        %parallel_loop3A_162 = arith.subf %parallel_loop3A_159, %parallel_loop3A_161 : vector<16xf32>
        %parallel_loop3A_163 = arith.subf %parallel_loop3A_156, %parallel_loop3A_162 : vector<16xf32>
        %parallel_loop3A_164 = math.absf %parallel_loop3A_163 : vector<16xf32>
        %parallel_loop3A_165 = arith.addf %parallel_loop3A_123, %parallel_loop3A_164 : vector<16xf32>
        %parallel_loop3A_166 = arith.constant 0.000000e+00 : f32
        %parallel_loop3A_167 = vector.broadcast %parallel_loop3A_166 : f32 to vector<16xf32>
        %parallel_loop3A_168 = arith.cmpf oge, %parallel_loop3A_163, %parallel_loop3A_167 : vector<16xf32>
        %parallel_loop3A_169 = arith.constant 5.000000e-01 : f32
        %parallel_loop3A_170 = arith.constant -5.000000e-01 : f32
        %parallel_loop3A_171 = vector.broadcast %parallel_loop3A_169 : f32 to vector<16xf32>
        %parallel_loop3A_172 = vector.broadcast %parallel_loop3A_170 : f32 to vector<16xf32>
        %parallel_loop3A_173 = arith.select %parallel_loop3A_168, %parallel_loop3A_171, %parallel_loop3A_172 : vector<16xi1>, vector<16xf32>
        %parallel_loop3A_174 = arith.addf %parallel_loop3A_162, %parallel_loop3A_173 : vector<16xf32>
        %parallel_loop3A_175 = arith.index_cast %parallel_loop3A_86 : i32 to index
        %parallel_loop3A_176 = arith.constant 64 : index
        %parallel_loop3A_177 = tpu.vector_load %arg4[%parallel_loop3A_175, %parallel_loop3A_176] {strides = array<i32>} : memref<64x256xf32, #tpu.memory_space<vmem>>, vector<16xf32>,
        %parallel_loop3A_178 = arith.constant 0x4B400000 : f32
        %parallel_loop3A_179 = vector.broadcast %parallel_loop3A_178 : f32 to vector<16xf32>
        %parallel_loop3A_180 = arith.addf %parallel_loop3A_177, %parallel_loop3A_179 : vector<16xf32>
        %parallel_loop3A_181 = arith.constant 0x4B400000 : f32
        %parallel_loop3A_182 = vector.broadcast %parallel_loop3A_181 : f32 to vector<16xf32>
        %parallel_loop3A_183 = arith.subf %parallel_loop3A_180, %parallel_loop3A_182 : vector<16xf32>
        %parallel_loop3A_184 = arith.subf %parallel_loop3A_177, %parallel_loop3A_183 : vector<16xf32>
        %parallel_loop3A_185 = math.absf %parallel_loop3A_184 : vector<16xf32>
        %parallel_loop3A_186 = arith.addf %parallel_loop3A_144, %parallel_loop3A_185 : vector<16xf32>
        %parallel_loop3A_187 = arith.constant 0.000000e+00 : f32
        %parallel_loop3A_188 = vector.broadcast %parallel_loop3A_187 : f32 to vector<16xf32>
        %parallel_loop3A_189 = arith.cmpf oge, %parallel_loop3A_184, %parallel_loop3A_188 : vector<16xf32>
        %parallel_loop3A_190 = arith.constant 5.000000e-01 : f32
        %parallel_loop3A_191 = arith.constant -5.000000e-01 : f32
        %parallel_loop3A_192 = vector.broadcast %parallel_loop3A_190 : f32 to vector<16xf32>
        %parallel_loop3A_193 = vector.broadcast %parallel_loop3A_191 : f32 to vector<16xf32>
        %parallel_loop3A_194 = arith.select %parallel_loop3A_189, %parallel_loop3A_192, %parallel_loop3A_193 : vector<16xi1>, vector<16xf32>
        %parallel_loop3A_195 = arith.addf %parallel_loop3A_183, %parallel_loop3A_194 : vector<16xf32>
        %parallel_loop3A_196 = arith.index_cast %parallel_loop3A_86 : i32 to index
        %parallel_loop3A_197 = arith.constant 80 : index
        %parallel_loop3A_198 = tpu.vector_load %arg4[%parallel_loop3A_196, %parallel_loop3A_197] {strides = array<i32>} : memref<64x256xf32, #tpu.memory_space<vmem>>, vector<16xf32>,
        %parallel_loop3A_199 = arith.constant 0x4B400000 : f32
        %parallel_loop3A_200 = vector.broadcast %parallel_loop3A_199 : f32 to vector<16xf32>
        %parallel_loop3A_201 = arith.addf %parallel_loop3A_198, %parallel_loop3A_200 : vector<16xf32>
        %parallel_loop3A_202 = arith.constant 0x4B400000 : f32
        %parallel_loop3A_203 = vector.broadcast %parallel_loop3A_202 : f32 to vector<16xf32>
        %parallel_loop3A_204 = arith.subf %parallel_loop3A_201, %parallel_loop3A_203 : vector<16xf32>
        %parallel_loop3A_205 = arith.subf %parallel_loop3A_198, %parallel_loop3A_204 : vector<16xf32>
        %parallel_loop3A_206 = math.absf %parallel_loop3A_205 : vector<16xf32>
        %parallel_loop3A_207 = arith.addf %parallel_loop3A_165, %parallel_loop3A_206 : vector<16xf32>
        %parallel_loop3A_208 = arith.constant 0.000000e+00 : f32
        %parallel_loop3A_209 = vector.broadcast %parallel_loop3A_208 : f32 to vector<16xf32>
        %parallel_loop3A_210 = arith.cmpf oge, %parallel_loop3A_205, %parallel_loop3A_209 : vector<16xf32>
        %parallel_loop3A_211 = arith.constant 5.000000e-01 : f32
        %parallel_loop3A_212 = arith.constant -5.000000e-01 : f32
        %parallel_loop3A_213 = vector.broadcast %parallel_loop3A_211 : f32 to vector<16xf32>
        %parallel_loop3A_214 = vector.broadcast %parallel_loop3A_212 : f32 to vector<16xf32>
        %parallel_loop3A_215 = arith.select %parallel_loop3A_210, %parallel_loop3A_213, %parallel_loop3A_214 : vector<16xi1>, vector<16xf32>
        %parallel_loop3A_216 = arith.addf %parallel_loop3A_204, %parallel_loop3A_215 : vector<16xf32>
        %parallel_loop3A_217 = arith.index_cast %parallel_loop3A_86 : i32 to index
        %parallel_loop3A_218 = arith.constant 96 : index
        %parallel_loop3A_219 = tpu.vector_load %arg4[%parallel_loop3A_217, %parallel_loop3A_218] {strides = array<i32>} : memref<64x256xf32, #tpu.memory_space<vmem>>, vector<16xf32>,
        %parallel_loop3A_220 = arith.constant 0x4B400000 : f32
        %parallel_loop3A_221 = vector.broadcast %parallel_loop3A_220 : f32 to vector<16xf32>
        %parallel_loop3A_222 = arith.addf %parallel_loop3A_219, %parallel_loop3A_221 : vector<16xf32>
        %parallel_loop3A_223 = arith.constant 0x4B400000 : f32
        %parallel_loop3A_224 = vector.broadcast %parallel_loop3A_223 : f32 to vector<16xf32>
        %parallel_loop3A_225 = arith.subf %parallel_loop3A_222, %parallel_loop3A_224 : vector<16xf32>
        %parallel_loop3A_226 = arith.subf %parallel_loop3A_219, %parallel_loop3A_225 : vector<16xf32>
        %parallel_loop3A_227 = math.absf %parallel_loop3A_226 : vector<16xf32>
        %parallel_loop3A_228 = arith.addf %parallel_loop3A_186, %parallel_loop3A_227 : vector<16xf32>
        %parallel_loop3A_229 = arith.constant 0.000000e+00 : f32
        %parallel_loop3A_230 = vector.broadcast %parallel_loop3A_229 : f32 to vector<16xf32>
        %parallel_loop3A_231 = arith.cmpf oge, %parallel_loop3A_226, %parallel_loop3A_230 : vector<16xf32>
        %parallel_loop3A_232 = arith.constant 5.000000e-01 : f32
        %parallel_loop3A_233 = arith.constant -5.000000e-01 : f32
        %parallel_loop3A_234 = vector.broadcast %parallel_loop3A_232 : f32 to vector<16xf32>
        %parallel_loop3A_235 = vector.broadcast %parallel_loop3A_233 : f32 to vector<16xf32>
        %parallel_loop3A_236 = arith.select %parallel_loop3A_231, %parallel_loop3A_234, %parallel_loop3A_235 : vector<16xi1>, vector<16xf32>
        %parallel_loop3A_237 = arith.addf %parallel_loop3A_225, %parallel_loop3A_236 : vector<16xf32>
        %parallel_loop3A_238 = arith.index_cast %parallel_loop3A_86 : i32 to index
        %parallel_loop3A_239 = arith.constant 112 : index
        %parallel_loop3A_240 = tpu.vector_load %arg4[%parallel_loop3A_238, %parallel_loop3A_239] {strides = array<i32>} : memref<64x256xf32, #tpu.memory_space<vmem>>, vector<16xf32>,
        %parallel_loop3A_241 = arith.constant 0x4B400000 : f32
        %parallel_loop3A_242 = vector.broadcast %parallel_loop3A_241 : f32 to vector<16xf32>
        %parallel_loop3A_243 = arith.addf %parallel_loop3A_240, %parallel_loop3A_242 : vector<16xf32>
        %parallel_loop3A_244 = arith.constant 0x4B400000 : f32
        %parallel_loop3A_245 = vector.broadcast %parallel_loop3A_244 : f32 to vector<16xf32>
        %parallel_loop3A_246 = arith.subf %parallel_loop3A_243, %parallel_loop3A_245 : vector<16xf32>
        %parallel_loop3A_247 = arith.subf %parallel_loop3A_240, %parallel_loop3A_246 : vector<16xf32>
        %parallel_loop3A_248 = math.absf %parallel_loop3A_247 : vector<16xf32>
        %parallel_loop3A_249 = arith.addf %parallel_loop3A_207, %parallel_loop3A_248 : vector<16xf32>
        %parallel_loop3A_250 = arith.constant 0.000000e+00 : f32
        %parallel_loop3A_251 = vector.broadcast %parallel_loop3A_250 : f32 to vector<16xf32>
        %parallel_loop3A_252 = arith.cmpf oge, %parallel_loop3A_247, %parallel_loop3A_251 : vector<16xf32>
        %parallel_loop3A_253 = arith.constant 5.000000e-01 : f32
        %parallel_loop3A_254 = arith.constant -5.000000e-01 : f32
        %parallel_loop3A_255 = vector.broadcast %parallel_loop3A_253 : f32 to vector<16xf32>
        %parallel_loop3A_256 = vector.broadcast %parallel_loop3A_254 : f32 to vector<16xf32>
        %parallel_loop3A_257 = arith.select %parallel_loop3A_252, %parallel_loop3A_255, %parallel_loop3A_256 : vector<16xi1>, vector<16xf32>
        %parallel_loop3A_258 = arith.addf %parallel_loop3A_246, %parallel_loop3A_257 : vector<16xf32>
        %parallel_loop3A_259 = arith.index_cast %parallel_loop3A_86 : i32 to index
        %parallel_loop3A_260 = arith.constant 128 : index
        %parallel_loop3A_261 = tpu.vector_load %arg4[%parallel_loop3A_259, %parallel_loop3A_260] {strides = array<i32>} : memref<64x256xf32, #tpu.memory_space<vmem>>, vector<16xf32>,
        %parallel_loop3A_262 = arith.constant 0x4B400000 : f32
        %parallel_loop3A_263 = vector.broadcast %parallel_loop3A_262 : f32 to vector<16xf32>
        %parallel_loop3A_264 = arith.addf %parallel_loop3A_261, %parallel_loop3A_263 : vector<16xf32>
        %parallel_loop3A_265 = arith.constant 0x4B400000 : f32
        %parallel_loop3A_266 = vector.broadcast %parallel_loop3A_265 : f32 to vector<16xf32>
        %parallel_loop3A_267 = arith.subf %parallel_loop3A_264, %parallel_loop3A_266 : vector<16xf32>
        %parallel_loop3A_268 = arith.subf %parallel_loop3A_261, %parallel_loop3A_267 : vector<16xf32>
        %parallel_loop3A_269 = math.absf %parallel_loop3A_268 : vector<16xf32>
        %parallel_loop3A_270 = arith.addf %parallel_loop3A_228, %parallel_loop3A_269 : vector<16xf32>
        %parallel_loop3A_271 = arith.constant 0.000000e+00 : f32
        %parallel_loop3A_272 = vector.broadcast %parallel_loop3A_271 : f32 to vector<16xf32>
        %parallel_loop3A_273 = arith.cmpf oge, %parallel_loop3A_268, %parallel_loop3A_272 : vector<16xf32>
        %parallel_loop3A_274 = arith.constant 5.000000e-01 : f32
        %parallel_loop3A_275 = arith.constant -5.000000e-01 : f32
        %parallel_loop3A_276 = vector.broadcast %parallel_loop3A_274 : f32 to vector<16xf32>
        %parallel_loop3A_277 = vector.broadcast %parallel_loop3A_275 : f32 to vector<16xf32>
        %parallel_loop3A_278 = arith.select %parallel_loop3A_273, %parallel_loop3A_276, %parallel_loop3A_277 : vector<16xi1>, vector<16xf32>
        %parallel_loop3A_279 = arith.addf %parallel_loop3A_267, %parallel_loop3A_278 : vector<16xf32>
        %parallel_loop3A_280 = arith.index_cast %parallel_loop3A_86 : i32 to index
        %parallel_loop3A_281 = arith.constant 144 : index
        %parallel_loop3A_282 = tpu.vector_load %arg4[%parallel_loop3A_280, %parallel_loop3A_281] {strides = array<i32>} : memref<64x256xf32, #tpu.memory_space<vmem>>, vector<16xf32>,
        %parallel_loop3A_283 = arith.constant 0x4B400000 : f32
        %parallel_loop3A_284 = vector.broadcast %parallel_loop3A_283 : f32 to vector<16xf32>
        %parallel_loop3A_285 = arith.addf %parallel_loop3A_282, %parallel_loop3A_284 : vector<16xf32>
        %parallel_loop3A_286 = arith.constant 0x4B400000 : f32
        %parallel_loop3A_287 = vector.broadcast %parallel_loop3A_286 : f32 to vector<16xf32>
        %parallel_loop3A_288 = arith.subf %parallel_loop3A_285, %parallel_loop3A_287 : vector<16xf32>
        %parallel_loop3A_289 = arith.subf %parallel_loop3A_282, %parallel_loop3A_288 : vector<16xf32>
        %parallel_loop3A_290 = math.absf %parallel_loop3A_289 : vector<16xf32>
        %parallel_loop3A_291 = arith.addf %parallel_loop3A_249, %parallel_loop3A_290 : vector<16xf32>
        %parallel_loop3A_292 = arith.constant 0.000000e+00 : f32
        %parallel_loop3A_293 = vector.broadcast %parallel_loop3A_292 : f32 to vector<16xf32>
        %parallel_loop3A_294 = arith.cmpf oge, %parallel_loop3A_289, %parallel_loop3A_293 : vector<16xf32>
        %parallel_loop3A_295 = arith.constant 5.000000e-01 : f32
        %parallel_loop3A_296 = arith.constant -5.000000e-01 : f32
        %parallel_loop3A_297 = vector.broadcast %parallel_loop3A_295 : f32 to vector<16xf32>
        %parallel_loop3A_298 = vector.broadcast %parallel_loop3A_296 : f32 to vector<16xf32>
        %parallel_loop3A_299 = arith.select %parallel_loop3A_294, %parallel_loop3A_297, %parallel_loop3A_298 : vector<16xi1>, vector<16xf32>
        %parallel_loop3A_300 = arith.addf %parallel_loop3A_288, %parallel_loop3A_299 : vector<16xf32>
        %parallel_loop3A_301 = arith.index_cast %parallel_loop3A_86 : i32 to index
        %parallel_loop3A_302 = arith.constant 160 : index
        %parallel_loop3A_303 = tpu.vector_load %arg4[%parallel_loop3A_301, %parallel_loop3A_302] {strides = array<i32>} : memref<64x256xf32, #tpu.memory_space<vmem>>, vector<16xf32>,
        %parallel_loop3A_304 = arith.constant 0x4B400000 : f32
        %parallel_loop3A_305 = vector.broadcast %parallel_loop3A_304 : f32 to vector<16xf32>
        %parallel_loop3A_306 = arith.addf %parallel_loop3A_303, %parallel_loop3A_305 : vector<16xf32>
        %parallel_loop3A_307 = arith.constant 0x4B400000 : f32
        %parallel_loop3A_308 = vector.broadcast %parallel_loop3A_307 : f32 to vector<16xf32>
        %parallel_loop3A_309 = arith.subf %parallel_loop3A_306, %parallel_loop3A_308 : vector<16xf32>
        %parallel_loop3A_310 = arith.subf %parallel_loop3A_303, %parallel_loop3A_309 : vector<16xf32>
        %parallel_loop3A_311 = math.absf %parallel_loop3A_310 : vector<16xf32>
        %parallel_loop3A_312 = arith.addf %parallel_loop3A_270, %parallel_loop3A_311 : vector<16xf32>
        %parallel_loop3A_313 = arith.constant 0.000000e+00 : f32
        %parallel_loop3A_314 = vector.broadcast %parallel_loop3A_313 : f32 to vector<16xf32>
        %parallel_loop3A_315 = arith.cmpf oge, %parallel_loop3A_310, %parallel_loop3A_314 : vector<16xf32>
        %parallel_loop3A_316 = arith.constant 5.000000e-01 : f32
        %parallel_loop3A_317 = arith.constant -5.000000e-01 : f32
        %parallel_loop3A_318 = vector.broadcast %parallel_loop3A_316 : f32 to vector<16xf32>
        %parallel_loop3A_319 = vector.broadcast %parallel_loop3A_317 : f32 to vector<16xf32>
        %parallel_loop3A_320 = arith.select %parallel_loop3A_315, %parallel_loop3A_318, %parallel_loop3A_319 : vector<16xi1>, vector<16xf32>
        %parallel_loop3A_321 = arith.addf %parallel_loop3A_309, %parallel_loop3A_320 : vector<16xf32>
        %parallel_loop3A_322 = arith.index_cast %parallel_loop3A_86 : i32 to index
        %parallel_loop3A_323 = arith.constant 176 : index
        %parallel_loop3A_324 = tpu.vector_load %arg4[%parallel_loop3A_322, %parallel_loop3A_323] {strides = array<i32>} : memref<64x256xf32, #tpu.memory_space<vmem>>, vector<16xf32>,
        %parallel_loop3A_325 = arith.constant 0x4B400000 : f32
        %parallel_loop3A_326 = vector.broadcast %parallel_loop3A_325 : f32 to vector<16xf32>
        %parallel_loop3A_327 = arith.addf %parallel_loop3A_324, %parallel_loop3A_326 : vector<16xf32>
        %parallel_loop3A_328 = arith.constant 0x4B400000 : f32
        %parallel_loop3A_329 = vector.broadcast %parallel_loop3A_328 : f32 to vector<16xf32>
        %parallel_loop3A_330 = arith.subf %parallel_loop3A_327, %parallel_loop3A_329 : vector<16xf32>
        %parallel_loop3A_331 = arith.subf %parallel_loop3A_324, %parallel_loop3A_330 : vector<16xf32>
        %parallel_loop3A_332 = math.absf %parallel_loop3A_331 : vector<16xf32>
        %parallel_loop3A_333 = arith.addf %parallel_loop3A_291, %parallel_loop3A_332 : vector<16xf32>
        %parallel_loop3A_334 = arith.constant 0.000000e+00 : f32
        %parallel_loop3A_335 = vector.broadcast %parallel_loop3A_334 : f32 to vector<16xf32>
        %parallel_loop3A_336 = arith.cmpf oge, %parallel_loop3A_331, %parallel_loop3A_335 : vector<16xf32>
        %parallel_loop3A_337 = arith.constant 5.000000e-01 : f32
        %parallel_loop3A_338 = arith.constant -5.000000e-01 : f32
        %parallel_loop3A_339 = vector.broadcast %parallel_loop3A_337 : f32 to vector<16xf32>
        %parallel_loop3A_340 = vector.broadcast %parallel_loop3A_338 : f32 to vector<16xf32>
        %parallel_loop3A_341 = arith.select %parallel_loop3A_336, %parallel_loop3A_339, %parallel_loop3A_340 : vector<16xi1>, vector<16xf32>
        %parallel_loop3A_342 = arith.addf %parallel_loop3A_330, %parallel_loop3A_341 : vector<16xf32>
        %parallel_loop3A_343 = arith.index_cast %parallel_loop3A_86 : i32 to index
        %parallel_loop3A_344 = arith.constant 192 : index
        %parallel_loop3A_345 = tpu.vector_load %arg4[%parallel_loop3A_343, %parallel_loop3A_344] {strides = array<i32>} : memref<64x256xf32, #tpu.memory_space<vmem>>, vector<16xf32>,
        %parallel_loop3A_346 = arith.constant 0x4B400000 : f32
        %parallel_loop3A_347 = vector.broadcast %parallel_loop3A_346 : f32 to vector<16xf32>
        %parallel_loop3A_348 = arith.addf %parallel_loop3A_345, %parallel_loop3A_347 : vector<16xf32>
        %parallel_loop3A_349 = arith.constant 0x4B400000 : f32
        %parallel_loop3A_350 = vector.broadcast %parallel_loop3A_349 : f32 to vector<16xf32>
        %parallel_loop3A_351 = arith.subf %parallel_loop3A_348, %parallel_loop3A_350 : vector<16xf32>
        %parallel_loop3A_352 = arith.subf %parallel_loop3A_345, %parallel_loop3A_351 : vector<16xf32>
        %parallel_loop3A_353 = math.absf %parallel_loop3A_352 : vector<16xf32>
        %parallel_loop3A_354 = arith.addf %parallel_loop3A_312, %parallel_loop3A_353 : vector<16xf32>
        %parallel_loop3A_355 = arith.constant 0.000000e+00 : f32
        %parallel_loop3A_356 = vector.broadcast %parallel_loop3A_355 : f32 to vector<16xf32>
        %parallel_loop3A_357 = arith.cmpf oge, %parallel_loop3A_352, %parallel_loop3A_356 : vector<16xf32>
        %parallel_loop3A_358 = arith.constant 5.000000e-01 : f32
        %parallel_loop3A_359 = arith.constant -5.000000e-01 : f32
        %parallel_loop3A_360 = vector.broadcast %parallel_loop3A_358 : f32 to vector<16xf32>
        %parallel_loop3A_361 = vector.broadcast %parallel_loop3A_359 : f32 to vector<16xf32>
        %parallel_loop3A_362 = arith.select %parallel_loop3A_357, %parallel_loop3A_360, %parallel_loop3A_361 : vector<16xi1>, vector<16xf32>
        %parallel_loop3A_363 = arith.addf %parallel_loop3A_351, %parallel_loop3A_362 : vector<16xf32>
        %parallel_loop3A_364 = arith.index_cast %parallel_loop3A_86 : i32 to index
        %parallel_loop3A_365 = arith.constant 208 : index
        %parallel_loop3A_366 = tpu.vector_load %arg4[%parallel_loop3A_364, %parallel_loop3A_365] {strides = array<i32>} : memref<64x256xf32, #tpu.memory_space<vmem>>, vector<16xf32>,
        %parallel_loop3A_367 = arith.constant 0x4B400000 : f32
        %parallel_loop3A_368 = vector.broadcast %parallel_loop3A_367 : f32 to vector<16xf32>
        %parallel_loop3A_369 = arith.addf %parallel_loop3A_366, %parallel_loop3A_368 : vector<16xf32>
        %parallel_loop3A_370 = arith.constant 0x4B400000 : f32
        %parallel_loop3A_371 = vector.broadcast %parallel_loop3A_370 : f32 to vector<16xf32>
        %parallel_loop3A_372 = arith.subf %parallel_loop3A_369, %parallel_loop3A_371 : vector<16xf32>
        %parallel_loop3A_373 = arith.subf %parallel_loop3A_366, %parallel_loop3A_372 : vector<16xf32>
        %parallel_loop3A_374 = math.absf %parallel_loop3A_373 : vector<16xf32>
        %parallel_loop3A_375 = arith.addf %parallel_loop3A_333, %parallel_loop3A_374 : vector<16xf32>
        %parallel_loop3A_376 = arith.constant 0.000000e+00 : f32
        %parallel_loop3A_377 = vector.broadcast %parallel_loop3A_376 : f32 to vector<16xf32>
        %parallel_loop3A_378 = arith.cmpf oge, %parallel_loop3A_373, %parallel_loop3A_377 : vector<16xf32>
        %parallel_loop3A_379 = arith.constant 5.000000e-01 : f32
        %parallel_loop3A_380 = arith.constant -5.000000e-01 : f32
        %parallel_loop3A_381 = vector.broadcast %parallel_loop3A_379 : f32 to vector<16xf32>
        %parallel_loop3A_382 = vector.broadcast %parallel_loop3A_380 : f32 to vector<16xf32>
        %parallel_loop3A_383 = arith.select %parallel_loop3A_378, %parallel_loop3A_381, %parallel_loop3A_382 : vector<16xi1>, vector<16xf32>
        %parallel_loop3A_384 = arith.addf %parallel_loop3A_372, %parallel_loop3A_383 : vector<16xf32>
        %parallel_loop3A_385 = arith.index_cast %parallel_loop3A_86 : i32 to index
        %parallel_loop3A_386 = arith.constant 224 : index
        %parallel_loop3A_387 = tpu.vector_load %arg4[%parallel_loop3A_385, %parallel_loop3A_386] {strides = array<i32>} : memref<64x256xf32, #tpu.memory_space<vmem>>, vector<16xf32>,
        %parallel_loop3A_388 = arith.constant 0x4B400000 : f32
        %parallel_loop3A_389 = vector.broadcast %parallel_loop3A_388 : f32 to vector<16xf32>
        %parallel_loop3A_390 = arith.addf %parallel_loop3A_387, %parallel_loop3A_389 : vector<16xf32>
        %parallel_loop3A_391 = arith.constant 0x4B400000 : f32
        %parallel_loop3A_392 = vector.broadcast %parallel_loop3A_391 : f32 to vector<16xf32>
        %parallel_loop3A_393 = arith.subf %parallel_loop3A_390, %parallel_loop3A_392 : vector<16xf32>
        %parallel_loop3A_394 = arith.subf %parallel_loop3A_387, %parallel_loop3A_393 : vector<16xf32>
        %parallel_loop3A_395 = math.absf %parallel_loop3A_394 : vector<16xf32>
        %parallel_loop3A_396 = arith.addf %parallel_loop3A_354, %parallel_loop3A_395 : vector<16xf32>
        %parallel_loop3A_397 = arith.constant 0.000000e+00 : f32
        %parallel_loop3A_398 = vector.broadcast %parallel_loop3A_397 : f32 to vector<16xf32>
        %parallel_loop3A_399 = arith.cmpf oge, %parallel_loop3A_394, %parallel_loop3A_398 : vector<16xf32>
        %parallel_loop3A_400 = arith.constant 5.000000e-01 : f32
        %parallel_loop3A_401 = arith.constant -5.000000e-01 : f32
        %parallel_loop3A_402 = vector.broadcast %parallel_loop3A_400 : f32 to vector<16xf32>
        %parallel_loop3A_403 = vector.broadcast %parallel_loop3A_401 : f32 to vector<16xf32>
        %parallel_loop3A_404 = arith.select %parallel_loop3A_399, %parallel_loop3A_402, %parallel_loop3A_403 : vector<16xi1>, vector<16xf32>
        %parallel_loop3A_405 = arith.addf %parallel_loop3A_393, %parallel_loop3A_404 : vector<16xf32>
        %parallel_loop3A_406 = arith.index_cast %parallel_loop3A_86 : i32 to index
        %parallel_loop3A_407 = arith.constant 240 : index
        %parallel_loop3A_408 = tpu.vector_load %arg4[%parallel_loop3A_406, %parallel_loop3A_407] {strides = array<i32>} : memref<64x256xf32, #tpu.memory_space<vmem>>, vector<16xf32>,
        %parallel_loop3A_409 = arith.constant 0x4B400000 : f32
        %parallel_loop3A_410 = vector.broadcast %parallel_loop3A_409 : f32 to vector<16xf32>
        %parallel_loop3A_411 = arith.addf %parallel_loop3A_408, %parallel_loop3A_410 : vector<16xf32>
        %parallel_loop3A_412 = arith.constant 0x4B400000 : f32
        %parallel_loop3A_413 = vector.broadcast %parallel_loop3A_412 : f32 to vector<16xf32>
        %parallel_loop3A_414 = arith.subf %parallel_loop3A_411, %parallel_loop3A_413 : vector<16xf32>
        %parallel_loop3A_415 = arith.subf %parallel_loop3A_408, %parallel_loop3A_414 : vector<16xf32>
        %parallel_loop3A_416 = math.absf %parallel_loop3A_415 : vector<16xf32>
        %parallel_loop3A_417 = arith.addf %parallel_loop3A_375, %parallel_loop3A_416 : vector<16xf32>
        %parallel_loop3A_418 = arith.constant 0.000000e+00 : f32
        %parallel_loop3A_419 = vector.broadcast %parallel_loop3A_418 : f32 to vector<16xf32>
        %parallel_loop3A_420 = arith.cmpf oge, %parallel_loop3A_415, %parallel_loop3A_419 : vector<16xf32>
        %parallel_loop3A_421 = arith.constant 5.000000e-01 : f32
        %parallel_loop3A_422 = arith.constant -5.000000e-01 : f32
        %parallel_loop3A_423 = vector.broadcast %parallel_loop3A_421 : f32 to vector<16xf32>
        %parallel_loop3A_424 = vector.broadcast %parallel_loop3A_422 : f32 to vector<16xf32>
        %parallel_loop3A_425 = arith.select %parallel_loop3A_420, %parallel_loop3A_423, %parallel_loop3A_424 : vector<16xi1>, vector<16xf32>
        %parallel_loop3A_426 = arith.addf %parallel_loop3A_414, %parallel_loop3A_425 : vector<16xf32>
        %parallel_loop3A_427 = arith.addf %parallel_loop3A_396, %parallel_loop3A_417 : vector<16xf32>
        %parallel_loop3A_428 = arith.constant true
        %parallel_loop3A_429 = vector.broadcast %parallel_loop3A_428 : i1 to vector<16xi1>
        %parallel_loop3A_430 = tpu.scan <sum>, %parallel_loop3A_427 masked %parallel_loop3A_429 : vector<16xf32>, vector<16xi1> -> vector<16xf32>
        %parallel_loop3A_431 = arith.constant 15 : i32
        %parallel_loop3A_432 = vector.broadcast %parallel_loop3A_431 : i32 to vector<16x1xi32>
        %parallel_loop3A_433 = vector.shape_cast %parallel_loop3A_432 : vector<16x1xi32> to vector<16xi32>
        %parallel_loop3A_434 = tpu.dynamic_gather %parallel_loop3A_430[%parallel_loop3A_433] in [0] : vector<16xf32>, vector<16xi32> -> vector<16xf32>
        %parallel_loop3A_435 = arith.constant 6.400000e+01 : f32
        %parallel_loop3A_436 = vector.broadcast %parallel_loop3A_435 : f32 to vector<16xf32>
        %parallel_loop3A_437 = arith.cmpf ogt, %parallel_loop3A_434, %parallel_loop3A_436 : vector<16xf32>
        %parallel_loop3A_438 = arith.select %parallel_loop3A_437, %parallel_loop3A_111, %parallel_loop3A_99 : vector<16xi1>, vector<16xf32>
        %parallel_loop3A_439 = arith.index_cast %parallel_loop3A_86 : i32 to index
        %parallel_loop3A_440 = arith.constant 0 : index
        %parallel_loop3A_441 = tpu.vector_load %arg6[%parallel_loop3A_439, %parallel_loop3A_440] {strides = array<i32>} : memref<64x256xf32, #tpu.memory_space<vmem>>, vector<16xf32>,
        tpu.vector_store %arg6[%parallel_loop3A_439, %parallel_loop3A_440], %parallel_loop3A_438 {strides = array<i32>} : memref<64x256xf32, #tpu.memory_space<vmem>>, vector<16xf32>,
        %parallel_loop3A_442 = arith.select %parallel_loop3A_437, %parallel_loop3A_132, %parallel_loop3A_120 : vector<16xi1>, vector<16xf32>
        %parallel_loop3A_443 = arith.index_cast %parallel_loop3A_86 : i32 to index
        %parallel_loop3A_444 = arith.constant 16 : index
        %parallel_loop3A_445 = tpu.vector_load %arg6[%parallel_loop3A_443, %parallel_loop3A_444] {strides = array<i32>} : memref<64x256xf32, #tpu.memory_space<vmem>>, vector<16xf32>,
        tpu.vector_store %arg6[%parallel_loop3A_443, %parallel_loop3A_444], %parallel_loop3A_442 {strides = array<i32>} : memref<64x256xf32, #tpu.memory_space<vmem>>, vector<16xf32>,
        %parallel_loop3A_446 = arith.select %parallel_loop3A_437, %parallel_loop3A_153, %parallel_loop3A_141 : vector<16xi1>, vector<16xf32>
        %parallel_loop3A_447 = arith.index_cast %parallel_loop3A_86 : i32 to index
        %parallel_loop3A_448 = arith.constant 32 : index
        %parallel_loop3A_449 = tpu.vector_load %arg6[%parallel_loop3A_447, %parallel_loop3A_448] {strides = array<i32>} : memref<64x256xf32, #tpu.memory_space<vmem>>, vector<16xf32>,
        tpu.vector_store %arg6[%parallel_loop3A_447, %parallel_loop3A_448], %parallel_loop3A_446 {strides = array<i32>} : memref<64x256xf32, #tpu.memory_space<vmem>>, vector<16xf32>,
        %parallel_loop3A_450 = arith.select %parallel_loop3A_437, %parallel_loop3A_174, %parallel_loop3A_162 : vector<16xi1>, vector<16xf32>
        %parallel_loop3A_451 = arith.index_cast %parallel_loop3A_86 : i32 to index
        %parallel_loop3A_452 = arith.constant 48 : index
        %parallel_loop3A_453 = tpu.vector_load %arg6[%parallel_loop3A_451, %parallel_loop3A_452] {strides = array<i32>} : memref<64x256xf32, #tpu.memory_space<vmem>>, vector<16xf32>,
        tpu.vector_store %arg6[%parallel_loop3A_451, %parallel_loop3A_452], %parallel_loop3A_450 {strides = array<i32>} : memref<64x256xf32, #tpu.memory_space<vmem>>, vector<16xf32>,
        %parallel_loop3A_454 = arith.select %parallel_loop3A_437, %parallel_loop3A_195, %parallel_loop3A_183 : vector<16xi1>, vector<16xf32>
        %parallel_loop3A_455 = arith.index_cast %parallel_loop3A_86 : i32 to index
        %parallel_loop3A_456 = arith.constant 64 : index
        %parallel_loop3A_457 = tpu.vector_load %arg6[%parallel_loop3A_455, %parallel_loop3A_456] {strides = array<i32>} : memref<64x256xf32, #tpu.memory_space<vmem>>, vector<16xf32>,
        tpu.vector_store %arg6[%parallel_loop3A_455, %parallel_loop3A_456], %parallel_loop3A_454 {strides = array<i32>} : memref<64x256xf32, #tpu.memory_space<vmem>>, vector<16xf32>,
        %parallel_loop3A_458 = arith.select %parallel_loop3A_437, %parallel_loop3A_216, %parallel_loop3A_204 : vector<16xi1>, vector<16xf32>
        %parallel_loop3A_459 = arith.index_cast %parallel_loop3A_86 : i32 to index
        %parallel_loop3A_460 = arith.constant 80 : index
        %parallel_loop3A_461 = tpu.vector_load %arg6[%parallel_loop3A_459, %parallel_loop3A_460] {strides = array<i32>} : memref<64x256xf32, #tpu.memory_space<vmem>>, vector<16xf32>,
        tpu.vector_store %arg6[%parallel_loop3A_459, %parallel_loop3A_460], %parallel_loop3A_458 {strides = array<i32>} : memref<64x256xf32, #tpu.memory_space<vmem>>, vector<16xf32>,
        %parallel_loop3A_462 = arith.select %parallel_loop3A_437, %parallel_loop3A_237, %parallel_loop3A_225 : vector<16xi1>, vector<16xf32>
        %parallel_loop3A_463 = arith.index_cast %parallel_loop3A_86 : i32 to index
        %parallel_loop3A_464 = arith.constant 96 : index
        %parallel_loop3A_465 = tpu.vector_load %arg6[%parallel_loop3A_463, %parallel_loop3A_464] {strides = array<i32>} : memref<64x256xf32, #tpu.memory_space<vmem>>, vector<16xf32>,
        tpu.vector_store %arg6[%parallel_loop3A_463, %parallel_loop3A_464], %parallel_loop3A_462 {strides = array<i32>} : memref<64x256xf32, #tpu.memory_space<vmem>>, vector<16xf32>,
        %parallel_loop3A_466 = arith.select %parallel_loop3A_437, %parallel_loop3A_258, %parallel_loop3A_246 : vector<16xi1>, vector<16xf32>
        %parallel_loop3A_467 = arith.index_cast %parallel_loop3A_86 : i32 to index
        %parallel_loop3A_468 = arith.constant 112 : index
        %parallel_loop3A_469 = tpu.vector_load %arg6[%parallel_loop3A_467, %parallel_loop3A_468] {strides = array<i32>} : memref<64x256xf32, #tpu.memory_space<vmem>>, vector<16xf32>,
        tpu.vector_store %arg6[%parallel_loop3A_467, %parallel_loop3A_468], %parallel_loop3A_466 {strides = array<i32>} : memref<64x256xf32, #tpu.memory_space<vmem>>, vector<16xf32>,
        %parallel_loop3A_470 = arith.select %parallel_loop3A_437, %parallel_loop3A_279, %parallel_loop3A_267 : vector<16xi1>, vector<16xf32>
        %parallel_loop3A_471 = arith.index_cast %parallel_loop3A_86 : i32 to index
        %parallel_loop3A_472 = arith.constant 128 : index
        %parallel_loop3A_473 = tpu.vector_load %arg6[%parallel_loop3A_471, %parallel_loop3A_472] {strides = array<i32>} : memref<64x256xf32, #tpu.memory_space<vmem>>, vector<16xf32>,
        tpu.vector_store %arg6[%parallel_loop3A_471, %parallel_loop3A_472], %parallel_loop3A_470 {strides = array<i32>} : memref<64x256xf32, #tpu.memory_space<vmem>>, vector<16xf32>,
        %parallel_loop3A_474 = arith.select %parallel_loop3A_437, %parallel_loop3A_300, %parallel_loop3A_288 : vector<16xi1>, vector<16xf32>
        %parallel_loop3A_475 = arith.index_cast %parallel_loop3A_86 : i32 to index
        %parallel_loop3A_476 = arith.constant 144 : index
        %parallel_loop3A_477 = tpu.vector_load %arg6[%parallel_loop3A_475, %parallel_loop3A_476] {strides = array<i32>} : memref<64x256xf32, #tpu.memory_space<vmem>>, vector<16xf32>,
        tpu.vector_store %arg6[%parallel_loop3A_475, %parallel_loop3A_476], %parallel_loop3A_474 {strides = array<i32>} : memref<64x256xf32, #tpu.memory_space<vmem>>, vector<16xf32>,
        %parallel_loop3A_478 = arith.select %parallel_loop3A_437, %parallel_loop3A_321, %parallel_loop3A_309 : vector<16xi1>, vector<16xf32>
        %parallel_loop3A_479 = arith.index_cast %parallel_loop3A_86 : i32 to index
        %parallel_loop3A_480 = arith.constant 160 : index
        %parallel_loop3A_481 = tpu.vector_load %arg6[%parallel_loop3A_479, %parallel_loop3A_480] {strides = array<i32>} : memref<64x256xf32, #tpu.memory_space<vmem>>, vector<16xf32>,
        tpu.vector_store %arg6[%parallel_loop3A_479, %parallel_loop3A_480], %parallel_loop3A_478 {strides = array<i32>} : memref<64x256xf32, #tpu.memory_space<vmem>>, vector<16xf32>,
        %parallel_loop3A_482 = arith.select %parallel_loop3A_437, %parallel_loop3A_342, %parallel_loop3A_330 : vector<16xi1>, vector<16xf32>
        %parallel_loop3A_483 = arith.index_cast %parallel_loop3A_86 : i32 to index
        %parallel_loop3A_484 = arith.constant 176 : index
        %parallel_loop3A_485 = tpu.vector_load %arg6[%parallel_loop3A_483, %parallel_loop3A_484] {strides = array<i32>} : memref<64x256xf32, #tpu.memory_space<vmem>>, vector<16xf32>,
        tpu.vector_store %arg6[%parallel_loop3A_483, %parallel_loop3A_484], %parallel_loop3A_482 {strides = array<i32>} : memref<64x256xf32, #tpu.memory_space<vmem>>, vector<16xf32>,
        %parallel_loop3A_486 = arith.select %parallel_loop3A_437, %parallel_loop3A_363, %parallel_loop3A_351 : vector<16xi1>, vector<16xf32>
        %parallel_loop3A_487 = arith.index_cast %parallel_loop3A_86 : i32 to index
        %parallel_loop3A_488 = arith.constant 192 : index
        %parallel_loop3A_489 = tpu.vector_load %arg6[%parallel_loop3A_487, %parallel_loop3A_488] {strides = array<i32>} : memref<64x256xf32, #tpu.memory_space<vmem>>, vector<16xf32>,
        tpu.vector_store %arg6[%parallel_loop3A_487, %parallel_loop3A_488], %parallel_loop3A_486 {strides = array<i32>} : memref<64x256xf32, #tpu.memory_space<vmem>>, vector<16xf32>,
        %parallel_loop3A_490 = arith.select %parallel_loop3A_437, %parallel_loop3A_384, %parallel_loop3A_372 : vector<16xi1>, vector<16xf32>
        %parallel_loop3A_491 = arith.index_cast %parallel_loop3A_86 : i32 to index
        %parallel_loop3A_492 = arith.constant 208 : index
        %parallel_loop3A_493 = tpu.vector_load %arg6[%parallel_loop3A_491, %parallel_loop3A_492] {strides = array<i32>} : memref<64x256xf32, #tpu.memory_space<vmem>>, vector<16xf32>,
        tpu.vector_store %arg6[%parallel_loop3A_491, %parallel_loop3A_492], %parallel_loop3A_490 {strides = array<i32>} : memref<64x256xf32, #tpu.memory_space<vmem>>, vector<16xf32>,
        %parallel_loop3A_494 = arith.select %parallel_loop3A_437, %parallel_loop3A_405, %parallel_loop3A_393 : vector<16xi1>, vector<16xf32>
        %parallel_loop3A_495 = arith.index_cast %parallel_loop3A_86 : i32 to index
        %parallel_loop3A_496 = arith.constant 224 : index
        %parallel_loop3A_497 = tpu.vector_load %arg6[%parallel_loop3A_495, %parallel_loop3A_496] {strides = array<i32>} : memref<64x256xf32, #tpu.memory_space<vmem>>, vector<16xf32>,
        tpu.vector_store %arg6[%parallel_loop3A_495, %parallel_loop3A_496], %parallel_loop3A_494 {strides = array<i32>} : memref<64x256xf32, #tpu.memory_space<vmem>>, vector<16xf32>,
        %parallel_loop3A_498 = arith.select %parallel_loop3A_437, %parallel_loop3A_426, %parallel_loop3A_414 : vector<16xi1>, vector<16xf32>
        %parallel_loop3A_499 = arith.index_cast %parallel_loop3A_86 : i32 to index
        %parallel_loop3A_500 = arith.constant 240 : index
        %parallel_loop3A_501 = tpu.vector_load %arg6[%parallel_loop3A_499, %parallel_loop3A_500] {strides = array<i32>} : memref<64x256xf32, #tpu.memory_space<vmem>>, vector<16xf32>,
        tpu.vector_store %arg6[%parallel_loop3A_499, %parallel_loop3A_500], %parallel_loop3A_498 {strides = array<i32>} : memref<64x256xf32, #tpu.memory_space<vmem>>, vector<16xf32>,
      } {sc.loop_unroll_factor = 2 : i64, sc.parallel_access}
      %mul3A_46 = arith.constant 64 : i32
      %mul3A_47 = arith.muli %add3A_28, %mul3A_46 : i32
      %add3A_48 = arith.addi %mul3A_2, %mul3A_47 : i32
      %dma_start3A_49 = arith.constant 0 : i32
      %dma_start3A_50 = tpu.memref_slice %arg3[%add3A_48, %dma_start3A_49] : memref<262144x256xf32, #tpu.memory_space<hbm>> -> memref<64x256xf32, #tpu.memory_space<hbm>>
      %dma_start3A_51 = arith.constant 0 : i32
      %dma_start3A_52 = tpu.memref_slice %arg3[%add3A_48, %dma_start3A_51] : memref<262144x256xf32, #tpu.memory_space<hbm>> -> memref<64x256xf32, #tpu.memory_space<hbm>>
      tpu.enqueue_dma source(%arg6 : memref<64x256xf32, #tpu.memory_space<vmem>>) target(%dma_start3A_52 : memref<64x256xf32, #tpu.memory_space<hbm>>) target_semaphore(%arg10 : memref<!tpu.dma_semaphore, #tpu.memory_space<semaphore_mem>>)
      %mul3A_53 = arith.constant 2 : i32
      %mul3A_54 = arith.muli %mul3A_53, %scan3A_24 : i32
      %add3A_55 = arith.constant 1 : i32
      %add3A_56 = arith.addi %mul3A_54, %add3A_55 : i32
      %add3A_57 = arith.constant 1 : i32
      %add3A_58 = arith.addi %add3A_56, %add3A_57 : i32
      %lt3A_59 = arith.constant 128 : i32
      %lt3A_60 = arith.cmpi slt, %add3A_58, %lt3A_59 : i32
      %convert_element_type3A_61 = arith.extui %lt3A_60 : i1 to i32
      %cond3A_62 = arith.constant 0 : i32
      %cond3A_63 = arith.cmpi ne, %convert_element_type3A_61, %cond3A_62 : i32
      scf.if %cond3A_63 {
        %add3A_86 = arith.constant 1 : i32
        %add3A_87 = arith.addi %add3A_56, %add3A_86 : i32
        %mul3A_88 = arith.constant 64 : i32
        %mul3A_89 = arith.muli %add3A_87, %mul3A_88 : i32
        %add3A_90 = arith.addi %mul3A_2, %mul3A_89 : i32
        %dma_start3A_91 = arith.constant 0 : i32
        %dma_start3A_92 = tpu.memref_slice %arg2[%add3A_90, %dma_start3A_91] : memref<262144x256xf32, #tpu.memory_space<hbm>> -> memref<64x256xf32, #tpu.memory_space<hbm>>
        %dma_start3A_93 = arith.constant 0 : i32
        %dma_start3A_94 = tpu.memref_slice %arg2[%add3A_90, %dma_start3A_93] : memref<262144x256xf32, #tpu.memory_space<hbm>> -> memref<64x256xf32, #tpu.memory_space<hbm>>
        tpu.enqueue_dma source(%dma_start3A_94 : memref<64x256xf32, #tpu.memory_space<hbm>>) target(%arg4 : memref<64x256xf32, #tpu.memory_space<vmem>>) target_semaphore(%arg8 : memref<!tpu.dma_semaphore, #tpu.memory_space<semaphore_mem>>)
      } else {
      }
      %mul3A_64 = arith.constant 64 : i32
      %mul3A_65 = arith.muli %add3A_56, %mul3A_64 : i32
      %add3A_66 = arith.addi %mul3A_2, %mul3A_65 : i32
      %dma_wait3A_67 = arith.constant 0 : i32
      %dma_wait3A_68 = tpu.memref_slice %arg2[%add3A_66, %dma_wait3A_67] : memref<262144x256xf32, #tpu.memory_space<hbm>> -> memref<64x256xf32, #tpu.memory_space<hbm>>
      %dma_wait3A_69 = arith.constant 0 : i32
      %dma_wait3A_70 = tpu.memref_slice %arg2[%add3A_66, %dma_wait3A_69] : memref<262144x256xf32, #tpu.memory_space<hbm>> -> memref<64x256xf32, #tpu.memory_space<hbm>>
      tpu.wait_dma2 semaphore(%arg9 : memref<!tpu.dma_semaphore, #tpu.memory_space<semaphore_mem>>) src(%dma_wait3A_70 : memref<64x256xf32, #tpu.memory_space<hbm>>) dst(%arg5 : memref<64x256xf32, #tpu.memory_space<vmem>>)
      %ge3A_71 = arith.constant 2 : i32
      %ge3A_72 = arith.cmpi sge, %add3A_56, %ge3A_71 : i32
      %convert_element_type3A_73 = arith.extui %ge3A_72 : i1 to i32
      %cond3A_74 = arith.constant 0 : i32
      %cond3A_75 = arith.cmpi ne, %convert_element_type3A_73, %cond3A_74 : i32
      scf.if %cond3A_75 {
        %sub3A = arith.constant 2 : i32
        %sub3A_86 = arith.subi %add3A_56, %sub3A : i32
        %mul3A_87 = arith.constant 64 : i32
        %mul3A_88 = arith.muli %sub3A_86, %mul3A_87 : i32
        %add3A_89 = arith.addi %mul3A_2, %mul3A_88 : i32
        %dma_wait3A_90 = arith.constant 0 : i32
        %dma_wait3A_91 = tpu.memref_slice %arg3[%add3A_89, %dma_wait3A_90] : memref<262144x256xf32, #tpu.memory_space<hbm>> -> memref<64x256xf32, #tpu.memory_space<hbm>>
        %dma_wait3A_92 = arith.constant 0 : i32
        %dma_wait3A_93 = tpu.memref_slice %arg3[%add3A_89, %dma_wait3A_92] : memref<262144x256xf32, #tpu.memory_space<hbm>> -> memref<64x256xf32, #tpu.memory_space<hbm>>
        tpu.wait_dma2 semaphore(%arg11 : memref<!tpu.dma_semaphore, #tpu.memory_space<semaphore_mem>>) src(%arg7 : memref<64x256xf32, #tpu.memory_space<vmem>>) dst(%dma_wait3A_93 : memref<64x256xf32, #tpu.memory_space<hbm>>)
      } else {
      }
      %parallel_loop3A_76 = arith.constant 0 : i32
      %parallel_loop3A_77 = arith.constant 64 : i32
      %parallel_loop3A_78 = arith.constant 1 : i32
      scf.for %parallel_loop3A_86 = %parallel_loop3A_76 to %parallel_loop3A_77 step %parallel_loop3A_78  : i32 {
        %parallel_loop3A_87 = arith.constant 0.000000e+00 : f32
        %parallel_loop3A_88 = vector.broadcast %parallel_loop3A_87 : f32 to vector<16xf32>
        %parallel_loop3A_89 = arith.constant 0.000000e+00 : f32
        %parallel_loop3A_90 = vector.broadcast %parallel_loop3A_89 : f32 to vector<16xf32>
        %parallel_loop3A_91 = arith.index_cast %parallel_loop3A_86 : i32 to index
        %parallel_loop3A_92 = arith.constant 0 : index
        %parallel_loop3A_93 = tpu.vector_load %arg5[%parallel_loop3A_91, %parallel_loop3A_92] {strides = array<i32>} : memref<64x256xf32, #tpu.memory_space<vmem>>, vector<16xf32>,
        %parallel_loop3A_94 = arith.constant 0x4B400000 : f32
        %parallel_loop3A_95 = vector.broadcast %parallel_loop3A_94 : f32 to vector<16xf32>
        %parallel_loop3A_96 = arith.addf %parallel_loop3A_93, %parallel_loop3A_95 : vector<16xf32>
        %parallel_loop3A_97 = arith.constant 0x4B400000 : f32
        %parallel_loop3A_98 = vector.broadcast %parallel_loop3A_97 : f32 to vector<16xf32>
        %parallel_loop3A_99 = arith.subf %parallel_loop3A_96, %parallel_loop3A_98 : vector<16xf32>
        %parallel_loop3A_100 = arith.subf %parallel_loop3A_93, %parallel_loop3A_99 : vector<16xf32>
        %parallel_loop3A_101 = math.absf %parallel_loop3A_100 : vector<16xf32>
        %parallel_loop3A_102 = arith.addf %parallel_loop3A_88, %parallel_loop3A_101 : vector<16xf32>
        %parallel_loop3A_103 = arith.constant 0.000000e+00 : f32
        %parallel_loop3A_104 = vector.broadcast %parallel_loop3A_103 : f32 to vector<16xf32>
        %parallel_loop3A_105 = arith.cmpf oge, %parallel_loop3A_100, %parallel_loop3A_104 : vector<16xf32>
        %parallel_loop3A_106 = arith.constant 5.000000e-01 : f32
        %parallel_loop3A_107 = arith.constant -5.000000e-01 : f32
        %parallel_loop3A_108 = vector.broadcast %parallel_loop3A_106 : f32 to vector<16xf32>
        %parallel_loop3A_109 = vector.broadcast %parallel_loop3A_107 : f32 to vector<16xf32>
        %parallel_loop3A_110 = arith.select %parallel_loop3A_105, %parallel_loop3A_108, %parallel_loop3A_109 : vector<16xi1>, vector<16xf32>
        %parallel_loop3A_111 = arith.addf %parallel_loop3A_99, %parallel_loop3A_110 : vector<16xf32>
        %parallel_loop3A_112 = arith.index_cast %parallel_loop3A_86 : i32 to index
        %parallel_loop3A_113 = arith.constant 16 : index
        %parallel_loop3A_114 = tpu.vector_load %arg5[%parallel_loop3A_112, %parallel_loop3A_113] {strides = array<i32>} : memref<64x256xf32, #tpu.memory_space<vmem>>, vector<16xf32>,
        %parallel_loop3A_115 = arith.constant 0x4B400000 : f32
        %parallel_loop3A_116 = vector.broadcast %parallel_loop3A_115 : f32 to vector<16xf32>
        %parallel_loop3A_117 = arith.addf %parallel_loop3A_114, %parallel_loop3A_116 : vector<16xf32>
        %parallel_loop3A_118 = arith.constant 0x4B400000 : f32
        %parallel_loop3A_119 = vector.broadcast %parallel_loop3A_118 : f32 to vector<16xf32>
        %parallel_loop3A_120 = arith.subf %parallel_loop3A_117, %parallel_loop3A_119 : vector<16xf32>
        %parallel_loop3A_121 = arith.subf %parallel_loop3A_114, %parallel_loop3A_120 : vector<16xf32>
        %parallel_loop3A_122 = math.absf %parallel_loop3A_121 : vector<16xf32>
        %parallel_loop3A_123 = arith.addf %parallel_loop3A_90, %parallel_loop3A_122 : vector<16xf32>
        %parallel_loop3A_124 = arith.constant 0.000000e+00 : f32
        %parallel_loop3A_125 = vector.broadcast %parallel_loop3A_124 : f32 to vector<16xf32>
        %parallel_loop3A_126 = arith.cmpf oge, %parallel_loop3A_121, %parallel_loop3A_125 : vector<16xf32>
        %parallel_loop3A_127 = arith.constant 5.000000e-01 : f32
        %parallel_loop3A_128 = arith.constant -5.000000e-01 : f32
        %parallel_loop3A_129 = vector.broadcast %parallel_loop3A_127 : f32 to vector<16xf32>
        %parallel_loop3A_130 = vector.broadcast %parallel_loop3A_128 : f32 to vector<16xf32>
        %parallel_loop3A_131 = arith.select %parallel_loop3A_126, %parallel_loop3A_129, %parallel_loop3A_130 : vector<16xi1>, vector<16xf32>
        %parallel_loop3A_132 = arith.addf %parallel_loop3A_120, %parallel_loop3A_131 : vector<16xf32>
        %parallel_loop3A_133 = arith.index_cast %parallel_loop3A_86 : i32 to index
        %parallel_loop3A_134 = arith.constant 32 : index
        %parallel_loop3A_135 = tpu.vector_load %arg5[%parallel_loop3A_133, %parallel_loop3A_134] {strides = array<i32>} : memref<64x256xf32, #tpu.memory_space<vmem>>, vector<16xf32>,
        %parallel_loop3A_136 = arith.constant 0x4B400000 : f32
        %parallel_loop3A_137 = vector.broadcast %parallel_loop3A_136 : f32 to vector<16xf32>
        %parallel_loop3A_138 = arith.addf %parallel_loop3A_135, %parallel_loop3A_137 : vector<16xf32>
        %parallel_loop3A_139 = arith.constant 0x4B400000 : f32
        %parallel_loop3A_140 = vector.broadcast %parallel_loop3A_139 : f32 to vector<16xf32>
        %parallel_loop3A_141 = arith.subf %parallel_loop3A_138, %parallel_loop3A_140 : vector<16xf32>
        %parallel_loop3A_142 = arith.subf %parallel_loop3A_135, %parallel_loop3A_141 : vector<16xf32>
        %parallel_loop3A_143 = math.absf %parallel_loop3A_142 : vector<16xf32>
        %parallel_loop3A_144 = arith.addf %parallel_loop3A_102, %parallel_loop3A_143 : vector<16xf32>
        %parallel_loop3A_145 = arith.constant 0.000000e+00 : f32
        %parallel_loop3A_146 = vector.broadcast %parallel_loop3A_145 : f32 to vector<16xf32>
        %parallel_loop3A_147 = arith.cmpf oge, %parallel_loop3A_142, %parallel_loop3A_146 : vector<16xf32>
        %parallel_loop3A_148 = arith.constant 5.000000e-01 : f32
        %parallel_loop3A_149 = arith.constant -5.000000e-01 : f32
        %parallel_loop3A_150 = vector.broadcast %parallel_loop3A_148 : f32 to vector<16xf32>
        %parallel_loop3A_151 = vector.broadcast %parallel_loop3A_149 : f32 to vector<16xf32>
        %parallel_loop3A_152 = arith.select %parallel_loop3A_147, %parallel_loop3A_150, %parallel_loop3A_151 : vector<16xi1>, vector<16xf32>
        %parallel_loop3A_153 = arith.addf %parallel_loop3A_141, %parallel_loop3A_152 : vector<16xf32>
        %parallel_loop3A_154 = arith.index_cast %parallel_loop3A_86 : i32 to index
        %parallel_loop3A_155 = arith.constant 48 : index
        %parallel_loop3A_156 = tpu.vector_load %arg5[%parallel_loop3A_154, %parallel_loop3A_155] {strides = array<i32>} : memref<64x256xf32, #tpu.memory_space<vmem>>, vector<16xf32>,
        %parallel_loop3A_157 = arith.constant 0x4B400000 : f32
        %parallel_loop3A_158 = vector.broadcast %parallel_loop3A_157 : f32 to vector<16xf32>
        %parallel_loop3A_159 = arith.addf %parallel_loop3A_156, %parallel_loop3A_158 : vector<16xf32>
        %parallel_loop3A_160 = arith.constant 0x4B400000 : f32
        %parallel_loop3A_161 = vector.broadcast %parallel_loop3A_160 : f32 to vector<16xf32>
        %parallel_loop3A_162 = arith.subf %parallel_loop3A_159, %parallel_loop3A_161 : vector<16xf32>
        %parallel_loop3A_163 = arith.subf %parallel_loop3A_156, %parallel_loop3A_162 : vector<16xf32>
        %parallel_loop3A_164 = math.absf %parallel_loop3A_163 : vector<16xf32>
        %parallel_loop3A_165 = arith.addf %parallel_loop3A_123, %parallel_loop3A_164 : vector<16xf32>
        %parallel_loop3A_166 = arith.constant 0.000000e+00 : f32
        %parallel_loop3A_167 = vector.broadcast %parallel_loop3A_166 : f32 to vector<16xf32>
        %parallel_loop3A_168 = arith.cmpf oge, %parallel_loop3A_163, %parallel_loop3A_167 : vector<16xf32>
        %parallel_loop3A_169 = arith.constant 5.000000e-01 : f32
        %parallel_loop3A_170 = arith.constant -5.000000e-01 : f32
        %parallel_loop3A_171 = vector.broadcast %parallel_loop3A_169 : f32 to vector<16xf32>
        %parallel_loop3A_172 = vector.broadcast %parallel_loop3A_170 : f32 to vector<16xf32>
        %parallel_loop3A_173 = arith.select %parallel_loop3A_168, %parallel_loop3A_171, %parallel_loop3A_172 : vector<16xi1>, vector<16xf32>
        %parallel_loop3A_174 = arith.addf %parallel_loop3A_162, %parallel_loop3A_173 : vector<16xf32>
        %parallel_loop3A_175 = arith.index_cast %parallel_loop3A_86 : i32 to index
        %parallel_loop3A_176 = arith.constant 64 : index
        %parallel_loop3A_177 = tpu.vector_load %arg5[%parallel_loop3A_175, %parallel_loop3A_176] {strides = array<i32>} : memref<64x256xf32, #tpu.memory_space<vmem>>, vector<16xf32>,
        %parallel_loop3A_178 = arith.constant 0x4B400000 : f32
        %parallel_loop3A_179 = vector.broadcast %parallel_loop3A_178 : f32 to vector<16xf32>
        %parallel_loop3A_180 = arith.addf %parallel_loop3A_177, %parallel_loop3A_179 : vector<16xf32>
        %parallel_loop3A_181 = arith.constant 0x4B400000 : f32
        %parallel_loop3A_182 = vector.broadcast %parallel_loop3A_181 : f32 to vector<16xf32>
        %parallel_loop3A_183 = arith.subf %parallel_loop3A_180, %parallel_loop3A_182 : vector<16xf32>
        %parallel_loop3A_184 = arith.subf %parallel_loop3A_177, %parallel_loop3A_183 : vector<16xf32>
        %parallel_loop3A_185 = math.absf %parallel_loop3A_184 : vector<16xf32>
        %parallel_loop3A_186 = arith.addf %parallel_loop3A_144, %parallel_loop3A_185 : vector<16xf32>
        %parallel_loop3A_187 = arith.constant 0.000000e+00 : f32
        %parallel_loop3A_188 = vector.broadcast %parallel_loop3A_187 : f32 to vector<16xf32>
        %parallel_loop3A_189 = arith.cmpf oge, %parallel_loop3A_184, %parallel_loop3A_188 : vector<16xf32>
        %parallel_loop3A_190 = arith.constant 5.000000e-01 : f32
        %parallel_loop3A_191 = arith.constant -5.000000e-01 : f32
        %parallel_loop3A_192 = vector.broadcast %parallel_loop3A_190 : f32 to vector<16xf32>
        %parallel_loop3A_193 = vector.broadcast %parallel_loop3A_191 : f32 to vector<16xf32>
        %parallel_loop3A_194 = arith.select %parallel_loop3A_189, %parallel_loop3A_192, %parallel_loop3A_193 : vector<16xi1>, vector<16xf32>
        %parallel_loop3A_195 = arith.addf %parallel_loop3A_183, %parallel_loop3A_194 : vector<16xf32>
        %parallel_loop3A_196 = arith.index_cast %parallel_loop3A_86 : i32 to index
        %parallel_loop3A_197 = arith.constant 80 : index
        %parallel_loop3A_198 = tpu.vector_load %arg5[%parallel_loop3A_196, %parallel_loop3A_197] {strides = array<i32>} : memref<64x256xf32, #tpu.memory_space<vmem>>, vector<16xf32>,
        %parallel_loop3A_199 = arith.constant 0x4B400000 : f32
        %parallel_loop3A_200 = vector.broadcast %parallel_loop3A_199 : f32 to vector<16xf32>
        %parallel_loop3A_201 = arith.addf %parallel_loop3A_198, %parallel_loop3A_200 : vector<16xf32>
        %parallel_loop3A_202 = arith.constant 0x4B400000 : f32
        %parallel_loop3A_203 = vector.broadcast %parallel_loop3A_202 : f32 to vector<16xf32>
        %parallel_loop3A_204 = arith.subf %parallel_loop3A_201, %parallel_loop3A_203 : vector<16xf32>
        %parallel_loop3A_205 = arith.subf %parallel_loop3A_198, %parallel_loop3A_204 : vector<16xf32>
        %parallel_loop3A_206 = math.absf %parallel_loop3A_205 : vector<16xf32>
        %parallel_loop3A_207 = arith.addf %parallel_loop3A_165, %parallel_loop3A_206 : vector<16xf32>
        %parallel_loop3A_208 = arith.constant 0.000000e+00 : f32
        %parallel_loop3A_209 = vector.broadcast %parallel_loop3A_208 : f32 to vector<16xf32>
        %parallel_loop3A_210 = arith.cmpf oge, %parallel_loop3A_205, %parallel_loop3A_209 : vector<16xf32>
        %parallel_loop3A_211 = arith.constant 5.000000e-01 : f32
        %parallel_loop3A_212 = arith.constant -5.000000e-01 : f32
        %parallel_loop3A_213 = vector.broadcast %parallel_loop3A_211 : f32 to vector<16xf32>
        %parallel_loop3A_214 = vector.broadcast %parallel_loop3A_212 : f32 to vector<16xf32>
        %parallel_loop3A_215 = arith.select %parallel_loop3A_210, %parallel_loop3A_213, %parallel_loop3A_214 : vector<16xi1>, vector<16xf32>
        %parallel_loop3A_216 = arith.addf %parallel_loop3A_204, %parallel_loop3A_215 : vector<16xf32>
        %parallel_loop3A_217 = arith.index_cast %parallel_loop3A_86 : i32 to index
        %parallel_loop3A_218 = arith.constant 96 : index
        %parallel_loop3A_219 = tpu.vector_load %arg5[%parallel_loop3A_217, %parallel_loop3A_218] {strides = array<i32>} : memref<64x256xf32, #tpu.memory_space<vmem>>, vector<16xf32>,
        %parallel_loop3A_220 = arith.constant 0x4B400000 : f32
        %parallel_loop3A_221 = vector.broadcast %parallel_loop3A_220 : f32 to vector<16xf32>
        %parallel_loop3A_222 = arith.addf %parallel_loop3A_219, %parallel_loop3A_221 : vector<16xf32>
        %parallel_loop3A_223 = arith.constant 0x4B400000 : f32
        %parallel_loop3A_224 = vector.broadcast %parallel_loop3A_223 : f32 to vector<16xf32>
        %parallel_loop3A_225 = arith.subf %parallel_loop3A_222, %parallel_loop3A_224 : vector<16xf32>
        %parallel_loop3A_226 = arith.subf %parallel_loop3A_219, %parallel_loop3A_225 : vector<16xf32>
        %parallel_loop3A_227 = math.absf %parallel_loop3A_226 : vector<16xf32>
        %parallel_loop3A_228 = arith.addf %parallel_loop3A_186, %parallel_loop3A_227 : vector<16xf32>
        %parallel_loop3A_229 = arith.constant 0.000000e+00 : f32
        %parallel_loop3A_230 = vector.broadcast %parallel_loop3A_229 : f32 to vector<16xf32>
        %parallel_loop3A_231 = arith.cmpf oge, %parallel_loop3A_226, %parallel_loop3A_230 : vector<16xf32>
        %parallel_loop3A_232 = arith.constant 5.000000e-01 : f32
        %parallel_loop3A_233 = arith.constant -5.000000e-01 : f32
        %parallel_loop3A_234 = vector.broadcast %parallel_loop3A_232 : f32 to vector<16xf32>
        %parallel_loop3A_235 = vector.broadcast %parallel_loop3A_233 : f32 to vector<16xf32>
        %parallel_loop3A_236 = arith.select %parallel_loop3A_231, %parallel_loop3A_234, %parallel_loop3A_235 : vector<16xi1>, vector<16xf32>
        %parallel_loop3A_237 = arith.addf %parallel_loop3A_225, %parallel_loop3A_236 : vector<16xf32>
        %parallel_loop3A_238 = arith.index_cast %parallel_loop3A_86 : i32 to index
        %parallel_loop3A_239 = arith.constant 112 : index
        %parallel_loop3A_240 = tpu.vector_load %arg5[%parallel_loop3A_238, %parallel_loop3A_239] {strides = array<i32>} : memref<64x256xf32, #tpu.memory_space<vmem>>, vector<16xf32>,
        %parallel_loop3A_241 = arith.constant 0x4B400000 : f32
        %parallel_loop3A_242 = vector.broadcast %parallel_loop3A_241 : f32 to vector<16xf32>
        %parallel_loop3A_243 = arith.addf %parallel_loop3A_240, %parallel_loop3A_242 : vector<16xf32>
        %parallel_loop3A_244 = arith.constant 0x4B400000 : f32
        %parallel_loop3A_245 = vector.broadcast %parallel_loop3A_244 : f32 to vector<16xf32>
        %parallel_loop3A_246 = arith.subf %parallel_loop3A_243, %parallel_loop3A_245 : vector<16xf32>
        %parallel_loop3A_247 = arith.subf %parallel_loop3A_240, %parallel_loop3A_246 : vector<16xf32>
        %parallel_loop3A_248 = math.absf %parallel_loop3A_247 : vector<16xf32>
        %parallel_loop3A_249 = arith.addf %parallel_loop3A_207, %parallel_loop3A_248 : vector<16xf32>
        %parallel_loop3A_250 = arith.constant 0.000000e+00 : f32
        %parallel_loop3A_251 = vector.broadcast %parallel_loop3A_250 : f32 to vector<16xf32>
        %parallel_loop3A_252 = arith.cmpf oge, %parallel_loop3A_247, %parallel_loop3A_251 : vector<16xf32>
        %parallel_loop3A_253 = arith.constant 5.000000e-01 : f32
        %parallel_loop3A_254 = arith.constant -5.000000e-01 : f32
        %parallel_loop3A_255 = vector.broadcast %parallel_loop3A_253 : f32 to vector<16xf32>
        %parallel_loop3A_256 = vector.broadcast %parallel_loop3A_254 : f32 to vector<16xf32>
        %parallel_loop3A_257 = arith.select %parallel_loop3A_252, %parallel_loop3A_255, %parallel_loop3A_256 : vector<16xi1>, vector<16xf32>
        %parallel_loop3A_258 = arith.addf %parallel_loop3A_246, %parallel_loop3A_257 : vector<16xf32>
        %parallel_loop3A_259 = arith.index_cast %parallel_loop3A_86 : i32 to index
        %parallel_loop3A_260 = arith.constant 128 : index
        %parallel_loop3A_261 = tpu.vector_load %arg5[%parallel_loop3A_259, %parallel_loop3A_260] {strides = array<i32>} : memref<64x256xf32, #tpu.memory_space<vmem>>, vector<16xf32>,
        %parallel_loop3A_262 = arith.constant 0x4B400000 : f32
        %parallel_loop3A_263 = vector.broadcast %parallel_loop3A_262 : f32 to vector<16xf32>
        %parallel_loop3A_264 = arith.addf %parallel_loop3A_261, %parallel_loop3A_263 : vector<16xf32>
        %parallel_loop3A_265 = arith.constant 0x4B400000 : f32
        %parallel_loop3A_266 = vector.broadcast %parallel_loop3A_265 : f32 to vector<16xf32>
        %parallel_loop3A_267 = arith.subf %parallel_loop3A_264, %parallel_loop3A_266 : vector<16xf32>
        %parallel_loop3A_268 = arith.subf %parallel_loop3A_261, %parallel_loop3A_267 : vector<16xf32>
        %parallel_loop3A_269 = math.absf %parallel_loop3A_268 : vector<16xf32>
        %parallel_loop3A_270 = arith.addf %parallel_loop3A_228, %parallel_loop3A_269 : vector<16xf32>
        %parallel_loop3A_271 = arith.constant 0.000000e+00 : f32
        %parallel_loop3A_272 = vector.broadcast %parallel_loop3A_271 : f32 to vector<16xf32>
        %parallel_loop3A_273 = arith.cmpf oge, %parallel_loop3A_268, %parallel_loop3A_272 : vector<16xf32>
        %parallel_loop3A_274 = arith.constant 5.000000e-01 : f32
        %parallel_loop3A_275 = arith.constant -5.000000e-01 : f32
        %parallel_loop3A_276 = vector.broadcast %parallel_loop3A_274 : f32 to vector<16xf32>
        %parallel_loop3A_277 = vector.broadcast %parallel_loop3A_275 : f32 to vector<16xf32>
        %parallel_loop3A_278 = arith.select %parallel_loop3A_273, %parallel_loop3A_276, %parallel_loop3A_277 : vector<16xi1>, vector<16xf32>
        %parallel_loop3A_279 = arith.addf %parallel_loop3A_267, %parallel_loop3A_278 : vector<16xf32>
        %parallel_loop3A_280 = arith.index_cast %parallel_loop3A_86 : i32 to index
        %parallel_loop3A_281 = arith.constant 144 : index
        %parallel_loop3A_282 = tpu.vector_load %arg5[%parallel_loop3A_280, %parallel_loop3A_281] {strides = array<i32>} : memref<64x256xf32, #tpu.memory_space<vmem>>, vector<16xf32>,
        %parallel_loop3A_283 = arith.constant 0x4B400000 : f32
        %parallel_loop3A_284 = vector.broadcast %parallel_loop3A_283 : f32 to vector<16xf32>
        %parallel_loop3A_285 = arith.addf %parallel_loop3A_282, %parallel_loop3A_284 : vector<16xf32>
        %parallel_loop3A_286 = arith.constant 0x4B400000 : f32
        %parallel_loop3A_287 = vector.broadcast %parallel_loop3A_286 : f32 to vector<16xf32>
        %parallel_loop3A_288 = arith.subf %parallel_loop3A_285, %parallel_loop3A_287 : vector<16xf32>
        %parallel_loop3A_289 = arith.subf %parallel_loop3A_282, %parallel_loop3A_288 : vector<16xf32>
        %parallel_loop3A_290 = math.absf %parallel_loop3A_289 : vector<16xf32>
        %parallel_loop3A_291 = arith.addf %parallel_loop3A_249, %parallel_loop3A_290 : vector<16xf32>
        %parallel_loop3A_292 = arith.constant 0.000000e+00 : f32
        %parallel_loop3A_293 = vector.broadcast %parallel_loop3A_292 : f32 to vector<16xf32>
        %parallel_loop3A_294 = arith.cmpf oge, %parallel_loop3A_289, %parallel_loop3A_293 : vector<16xf32>
        %parallel_loop3A_295 = arith.constant 5.000000e-01 : f32
        %parallel_loop3A_296 = arith.constant -5.000000e-01 : f32
        %parallel_loop3A_297 = vector.broadcast %parallel_loop3A_295 : f32 to vector<16xf32>
        %parallel_loop3A_298 = vector.broadcast %parallel_loop3A_296 : f32 to vector<16xf32>
        %parallel_loop3A_299 = arith.select %parallel_loop3A_294, %parallel_loop3A_297, %parallel_loop3A_298 : vector<16xi1>, vector<16xf32>
        %parallel_loop3A_300 = arith.addf %parallel_loop3A_288, %parallel_loop3A_299 : vector<16xf32>
        %parallel_loop3A_301 = arith.index_cast %parallel_loop3A_86 : i32 to index
        %parallel_loop3A_302 = arith.constant 160 : index
        %parallel_loop3A_303 = tpu.vector_load %arg5[%parallel_loop3A_301, %parallel_loop3A_302] {strides = array<i32>} : memref<64x256xf32, #tpu.memory_space<vmem>>, vector<16xf32>,
        %parallel_loop3A_304 = arith.constant 0x4B400000 : f32
        %parallel_loop3A_305 = vector.broadcast %parallel_loop3A_304 : f32 to vector<16xf32>
        %parallel_loop3A_306 = arith.addf %parallel_loop3A_303, %parallel_loop3A_305 : vector<16xf32>
        %parallel_loop3A_307 = arith.constant 0x4B400000 : f32
        %parallel_loop3A_308 = vector.broadcast %parallel_loop3A_307 : f32 to vector<16xf32>
        %parallel_loop3A_309 = arith.subf %parallel_loop3A_306, %parallel_loop3A_308 : vector<16xf32>
        %parallel_loop3A_310 = arith.subf %parallel_loop3A_303, %parallel_loop3A_309 : vector<16xf32>
        %parallel_loop3A_311 = math.absf %parallel_loop3A_310 : vector<16xf32>
        %parallel_loop3A_312 = arith.addf %parallel_loop3A_270, %parallel_loop3A_311 : vector<16xf32>
        %parallel_loop3A_313 = arith.constant 0.000000e+00 : f32
        %parallel_loop3A_314 = vector.broadcast %parallel_loop3A_313 : f32 to vector<16xf32>
        %parallel_loop3A_315 = arith.cmpf oge, %parallel_loop3A_310, %parallel_loop3A_314 : vector<16xf32>
        %parallel_loop3A_316 = arith.constant 5.000000e-01 : f32
        %parallel_loop3A_317 = arith.constant -5.000000e-01 : f32
        %parallel_loop3A_318 = vector.broadcast %parallel_loop3A_316 : f32 to vector<16xf32>
        %parallel_loop3A_319 = vector.broadcast %parallel_loop3A_317 : f32 to vector<16xf32>
        %parallel_loop3A_320 = arith.select %parallel_loop3A_315, %parallel_loop3A_318, %parallel_loop3A_319 : vector<16xi1>, vector<16xf32>
        %parallel_loop3A_321 = arith.addf %parallel_loop3A_309, %parallel_loop3A_320 : vector<16xf32>
        %parallel_loop3A_322 = arith.index_cast %parallel_loop3A_86 : i32 to index
        %parallel_loop3A_323 = arith.constant 176 : index
        %parallel_loop3A_324 = tpu.vector_load %arg5[%parallel_loop3A_322, %parallel_loop3A_323] {strides = array<i32>} : memref<64x256xf32, #tpu.memory_space<vmem>>, vector<16xf32>,
        %parallel_loop3A_325 = arith.constant 0x4B400000 : f32
        %parallel_loop3A_326 = vector.broadcast %parallel_loop3A_325 : f32 to vector<16xf32>
        %parallel_loop3A_327 = arith.addf %parallel_loop3A_324, %parallel_loop3A_326 : vector<16xf32>
        %parallel_loop3A_328 = arith.constant 0x4B400000 : f32
        %parallel_loop3A_329 = vector.broadcast %parallel_loop3A_328 : f32 to vector<16xf32>
        %parallel_loop3A_330 = arith.subf %parallel_loop3A_327, %parallel_loop3A_329 : vector<16xf32>
        %parallel_loop3A_331 = arith.subf %parallel_loop3A_324, %parallel_loop3A_330 : vector<16xf32>
        %parallel_loop3A_332 = math.absf %parallel_loop3A_331 : vector<16xf32>
        %parallel_loop3A_333 = arith.addf %parallel_loop3A_291, %parallel_loop3A_332 : vector<16xf32>
        %parallel_loop3A_334 = arith.constant 0.000000e+00 : f32
        %parallel_loop3A_335 = vector.broadcast %parallel_loop3A_334 : f32 to vector<16xf32>
        %parallel_loop3A_336 = arith.cmpf oge, %parallel_loop3A_331, %parallel_loop3A_335 : vector<16xf32>
        %parallel_loop3A_337 = arith.constant 5.000000e-01 : f32
        %parallel_loop3A_338 = arith.constant -5.000000e-01 : f32
        %parallel_loop3A_339 = vector.broadcast %parallel_loop3A_337 : f32 to vector<16xf32>
        %parallel_loop3A_340 = vector.broadcast %parallel_loop3A_338 : f32 to vector<16xf32>
        %parallel_loop3A_341 = arith.select %parallel_loop3A_336, %parallel_loop3A_339, %parallel_loop3A_340 : vector<16xi1>, vector<16xf32>
        %parallel_loop3A_342 = arith.addf %parallel_loop3A_330, %parallel_loop3A_341 : vector<16xf32>
        %parallel_loop3A_343 = arith.index_cast %parallel_loop3A_86 : i32 to index
        %parallel_loop3A_344 = arith.constant 192 : index
        %parallel_loop3A_345 = tpu.vector_load %arg5[%parallel_loop3A_343, %parallel_loop3A_344] {strides = array<i32>} : memref<64x256xf32, #tpu.memory_space<vmem>>, vector<16xf32>,
        %parallel_loop3A_346 = arith.constant 0x4B400000 : f32
        %parallel_loop3A_347 = vector.broadcast %parallel_loop3A_346 : f32 to vector<16xf32>
        %parallel_loop3A_348 = arith.addf %parallel_loop3A_345, %parallel_loop3A_347 : vector<16xf32>
        %parallel_loop3A_349 = arith.constant 0x4B400000 : f32
        %parallel_loop3A_350 = vector.broadcast %parallel_loop3A_349 : f32 to vector<16xf32>
        %parallel_loop3A_351 = arith.subf %parallel_loop3A_348, %parallel_loop3A_350 : vector<16xf32>
        %parallel_loop3A_352 = arith.subf %parallel_loop3A_345, %parallel_loop3A_351 : vector<16xf32>
        %parallel_loop3A_353 = math.absf %parallel_loop3A_352 : vector<16xf32>
        %parallel_loop3A_354 = arith.addf %parallel_loop3A_312, %parallel_loop3A_353 : vector<16xf32>
        %parallel_loop3A_355 = arith.constant 0.000000e+00 : f32
        %parallel_loop3A_356 = vector.broadcast %parallel_loop3A_355 : f32 to vector<16xf32>
        %parallel_loop3A_357 = arith.cmpf oge, %parallel_loop3A_352, %parallel_loop3A_356 : vector<16xf32>
        %parallel_loop3A_358 = arith.constant 5.000000e-01 : f32
        %parallel_loop3A_359 = arith.constant -5.000000e-01 : f32
        %parallel_loop3A_360 = vector.broadcast %parallel_loop3A_358 : f32 to vector<16xf32>
        %parallel_loop3A_361 = vector.broadcast %parallel_loop3A_359 : f32 to vector<16xf32>
        %parallel_loop3A_362 = arith.select %parallel_loop3A_357, %parallel_loop3A_360, %parallel_loop3A_361 : vector<16xi1>, vector<16xf32>
        %parallel_loop3A_363 = arith.addf %parallel_loop3A_351, %parallel_loop3A_362 : vector<16xf32>
        %parallel_loop3A_364 = arith.index_cast %parallel_loop3A_86 : i32 to index
        %parallel_loop3A_365 = arith.constant 208 : index
        %parallel_loop3A_366 = tpu.vector_load %arg5[%parallel_loop3A_364, %parallel_loop3A_365] {strides = array<i32>} : memref<64x256xf32, #tpu.memory_space<vmem>>, vector<16xf32>,
        %parallel_loop3A_367 = arith.constant 0x4B400000 : f32
        %parallel_loop3A_368 = vector.broadcast %parallel_loop3A_367 : f32 to vector<16xf32>
        %parallel_loop3A_369 = arith.addf %parallel_loop3A_366, %parallel_loop3A_368 : vector<16xf32>
        %parallel_loop3A_370 = arith.constant 0x4B400000 : f32
        %parallel_loop3A_371 = vector.broadcast %parallel_loop3A_370 : f32 to vector<16xf32>
        %parallel_loop3A_372 = arith.subf %parallel_loop3A_369, %parallel_loop3A_371 : vector<16xf32>
        %parallel_loop3A_373 = arith.subf %parallel_loop3A_366, %parallel_loop3A_372 : vector<16xf32>
        %parallel_loop3A_374 = math.absf %parallel_loop3A_373 : vector<16xf32>
        %parallel_loop3A_375 = arith.addf %parallel_loop3A_333, %parallel_loop3A_374 : vector<16xf32>
        %parallel_loop3A_376 = arith.constant 0.000000e+00 : f32
        %parallel_loop3A_377 = vector.broadcast %parallel_loop3A_376 : f32 to vector<16xf32>
        %parallel_loop3A_378 = arith.cmpf oge, %parallel_loop3A_373, %parallel_loop3A_377 : vector<16xf32>
        %parallel_loop3A_379 = arith.constant 5.000000e-01 : f32
        %parallel_loop3A_380 = arith.constant -5.000000e-01 : f32
        %parallel_loop3A_381 = vector.broadcast %parallel_loop3A_379 : f32 to vector<16xf32>
        %parallel_loop3A_382 = vector.broadcast %parallel_loop3A_380 : f32 to vector<16xf32>
        %parallel_loop3A_383 = arith.select %parallel_loop3A_378, %parallel_loop3A_381, %parallel_loop3A_382 : vector<16xi1>, vector<16xf32>
        %parallel_loop3A_384 = arith.addf %parallel_loop3A_372, %parallel_loop3A_383 : vector<16xf32>
        %parallel_loop3A_385 = arith.index_cast %parallel_loop3A_86 : i32 to index
        %parallel_loop3A_386 = arith.constant 224 : index
        %parallel_loop3A_387 = tpu.vector_load %arg5[%parallel_loop3A_385, %parallel_loop3A_386] {strides = array<i32>} : memref<64x256xf32, #tpu.memory_space<vmem>>, vector<16xf32>,
        %parallel_loop3A_388 = arith.constant 0x4B400000 : f32
        %parallel_loop3A_389 = vector.broadcast %parallel_loop3A_388 : f32 to vector<16xf32>
        %parallel_loop3A_390 = arith.addf %parallel_loop3A_387, %parallel_loop3A_389 : vector<16xf32>
        %parallel_loop3A_391 = arith.constant 0x4B400000 : f32
        %parallel_loop3A_392 = vector.broadcast %parallel_loop3A_391 : f32 to vector<16xf32>
        %parallel_loop3A_393 = arith.subf %parallel_loop3A_390, %parallel_loop3A_392 : vector<16xf32>
        %parallel_loop3A_394 = arith.subf %parallel_loop3A_387, %parallel_loop3A_393 : vector<16xf32>
        %parallel_loop3A_395 = math.absf %parallel_loop3A_394 : vector<16xf32>
        %parallel_loop3A_396 = arith.addf %parallel_loop3A_354, %parallel_loop3A_395 : vector<16xf32>
        %parallel_loop3A_397 = arith.constant 0.000000e+00 : f32
        %parallel_loop3A_398 = vector.broadcast %parallel_loop3A_397 : f32 to vector<16xf32>
        %parallel_loop3A_399 = arith.cmpf oge, %parallel_loop3A_394, %parallel_loop3A_398 : vector<16xf32>
        %parallel_loop3A_400 = arith.constant 5.000000e-01 : f32
        %parallel_loop3A_401 = arith.constant -5.000000e-01 : f32
        %parallel_loop3A_402 = vector.broadcast %parallel_loop3A_400 : f32 to vector<16xf32>
        %parallel_loop3A_403 = vector.broadcast %parallel_loop3A_401 : f32 to vector<16xf32>
        %parallel_loop3A_404 = arith.select %parallel_loop3A_399, %parallel_loop3A_402, %parallel_loop3A_403 : vector<16xi1>, vector<16xf32>
        %parallel_loop3A_405 = arith.addf %parallel_loop3A_393, %parallel_loop3A_404 : vector<16xf32>
        %parallel_loop3A_406 = arith.index_cast %parallel_loop3A_86 : i32 to index
        %parallel_loop3A_407 = arith.constant 240 : index
        %parallel_loop3A_408 = tpu.vector_load %arg5[%parallel_loop3A_406, %parallel_loop3A_407] {strides = array<i32>} : memref<64x256xf32, #tpu.memory_space<vmem>>, vector<16xf32>,
        %parallel_loop3A_409 = arith.constant 0x4B400000 : f32
        %parallel_loop3A_410 = vector.broadcast %parallel_loop3A_409 : f32 to vector<16xf32>
        %parallel_loop3A_411 = arith.addf %parallel_loop3A_408, %parallel_loop3A_410 : vector<16xf32>
        %parallel_loop3A_412 = arith.constant 0x4B400000 : f32
        %parallel_loop3A_413 = vector.broadcast %parallel_loop3A_412 : f32 to vector<16xf32>
        %parallel_loop3A_414 = arith.subf %parallel_loop3A_411, %parallel_loop3A_413 : vector<16xf32>
        %parallel_loop3A_415 = arith.subf %parallel_loop3A_408, %parallel_loop3A_414 : vector<16xf32>
        %parallel_loop3A_416 = math.absf %parallel_loop3A_415 : vector<16xf32>
        %parallel_loop3A_417 = arith.addf %parallel_loop3A_375, %parallel_loop3A_416 : vector<16xf32>
        %parallel_loop3A_418 = arith.constant 0.000000e+00 : f32
        %parallel_loop3A_419 = vector.broadcast %parallel_loop3A_418 : f32 to vector<16xf32>
        %parallel_loop3A_420 = arith.cmpf oge, %parallel_loop3A_415, %parallel_loop3A_419 : vector<16xf32>
        %parallel_loop3A_421 = arith.constant 5.000000e-01 : f32
        %parallel_loop3A_422 = arith.constant -5.000000e-01 : f32
        %parallel_loop3A_423 = vector.broadcast %parallel_loop3A_421 : f32 to vector<16xf32>
        %parallel_loop3A_424 = vector.broadcast %parallel_loop3A_422 : f32 to vector<16xf32>
        %parallel_loop3A_425 = arith.select %parallel_loop3A_420, %parallel_loop3A_423, %parallel_loop3A_424 : vector<16xi1>, vector<16xf32>
        %parallel_loop3A_426 = arith.addf %parallel_loop3A_414, %parallel_loop3A_425 : vector<16xf32>
        %parallel_loop3A_427 = arith.addf %parallel_loop3A_396, %parallel_loop3A_417 : vector<16xf32>
        %parallel_loop3A_428 = arith.constant true
        %parallel_loop3A_429 = vector.broadcast %parallel_loop3A_428 : i1 to vector<16xi1>
        %parallel_loop3A_430 = tpu.scan <sum>, %parallel_loop3A_427 masked %parallel_loop3A_429 : vector<16xf32>, vector<16xi1> -> vector<16xf32>
        %parallel_loop3A_431 = arith.constant 15 : i32
        %parallel_loop3A_432 = vector.broadcast %parallel_loop3A_431 : i32 to vector<16x1xi32>
        %parallel_loop3A_433 = vector.shape_cast %parallel_loop3A_432 : vector<16x1xi32> to vector<16xi32>
        %parallel_loop3A_434 = tpu.dynamic_gather %parallel_loop3A_430[%parallel_loop3A_433] in [0] : vector<16xf32>, vector<16xi32> -> vector<16xf32>
        %parallel_loop3A_435 = arith.constant 6.400000e+01 : f32
        %parallel_loop3A_436 = vector.broadcast %parallel_loop3A_435 : f32 to vector<16xf32>
        %parallel_loop3A_437 = arith.cmpf ogt, %parallel_loop3A_434, %parallel_loop3A_436 : vector<16xf32>
        %parallel_loop3A_438 = arith.select %parallel_loop3A_437, %parallel_loop3A_111, %parallel_loop3A_99 : vector<16xi1>, vector<16xf32>
        %parallel_loop3A_439 = arith.index_cast %parallel_loop3A_86 : i32 to index
        %parallel_loop3A_440 = arith.constant 0 : index
        %parallel_loop3A_441 = tpu.vector_load %arg7[%parallel_loop3A_439, %parallel_loop3A_440] {strides = array<i32>} : memref<64x256xf32, #tpu.memory_space<vmem>>, vector<16xf32>,
        tpu.vector_store %arg7[%parallel_loop3A_439, %parallel_loop3A_440], %parallel_loop3A_438 {strides = array<i32>} : memref<64x256xf32, #tpu.memory_space<vmem>>, vector<16xf32>,
        %parallel_loop3A_442 = arith.select %parallel_loop3A_437, %parallel_loop3A_132, %parallel_loop3A_120 : vector<16xi1>, vector<16xf32>
        %parallel_loop3A_443 = arith.index_cast %parallel_loop3A_86 : i32 to index
        %parallel_loop3A_444 = arith.constant 16 : index
        %parallel_loop3A_445 = tpu.vector_load %arg7[%parallel_loop3A_443, %parallel_loop3A_444] {strides = array<i32>} : memref<64x256xf32, #tpu.memory_space<vmem>>, vector<16xf32>,
        tpu.vector_store %arg7[%parallel_loop3A_443, %parallel_loop3A_444], %parallel_loop3A_442 {strides = array<i32>} : memref<64x256xf32, #tpu.memory_space<vmem>>, vector<16xf32>,
        %parallel_loop3A_446 = arith.select %parallel_loop3A_437, %parallel_loop3A_153, %parallel_loop3A_141 : vector<16xi1>, vector<16xf32>
        %parallel_loop3A_447 = arith.index_cast %parallel_loop3A_86 : i32 to index
        %parallel_loop3A_448 = arith.constant 32 : index
        %parallel_loop3A_449 = tpu.vector_load %arg7[%parallel_loop3A_447, %parallel_loop3A_448] {strides = array<i32>} : memref<64x256xf32, #tpu.memory_space<vmem>>, vector<16xf32>,
        tpu.vector_store %arg7[%parallel_loop3A_447, %parallel_loop3A_448], %parallel_loop3A_446 {strides = array<i32>} : memref<64x256xf32, #tpu.memory_space<vmem>>, vector<16xf32>,
        %parallel_loop3A_450 = arith.select %parallel_loop3A_437, %parallel_loop3A_174, %parallel_loop3A_162 : vector<16xi1>, vector<16xf32>
        %parallel_loop3A_451 = arith.index_cast %parallel_loop3A_86 : i32 to index
        %parallel_loop3A_452 = arith.constant 48 : index
        %parallel_loop3A_453 = tpu.vector_load %arg7[%parallel_loop3A_451, %parallel_loop3A_452] {strides = array<i32>} : memref<64x256xf32, #tpu.memory_space<vmem>>, vector<16xf32>,
        tpu.vector_store %arg7[%parallel_loop3A_451, %parallel_loop3A_452], %parallel_loop3A_450 {strides = array<i32>} : memref<64x256xf32, #tpu.memory_space<vmem>>, vector<16xf32>,
        %parallel_loop3A_454 = arith.select %parallel_loop3A_437, %parallel_loop3A_195, %parallel_loop3A_183 : vector<16xi1>, vector<16xf32>
        %parallel_loop3A_455 = arith.index_cast %parallel_loop3A_86 : i32 to index
        %parallel_loop3A_456 = arith.constant 64 : index
        %parallel_loop3A_457 = tpu.vector_load %arg7[%parallel_loop3A_455, %parallel_loop3A_456] {strides = array<i32>} : memref<64x256xf32, #tpu.memory_space<vmem>>, vector<16xf32>,
        tpu.vector_store %arg7[%parallel_loop3A_455, %parallel_loop3A_456], %parallel_loop3A_454 {strides = array<i32>} : memref<64x256xf32, #tpu.memory_space<vmem>>, vector<16xf32>,
        %parallel_loop3A_458 = arith.select %parallel_loop3A_437, %parallel_loop3A_216, %parallel_loop3A_204 : vector<16xi1>, vector<16xf32>
        %parallel_loop3A_459 = arith.index_cast %parallel_loop3A_86 : i32 to index
        %parallel_loop3A_460 = arith.constant 80 : index
        %parallel_loop3A_461 = tpu.vector_load %arg7[%parallel_loop3A_459, %parallel_loop3A_460] {strides = array<i32>} : memref<64x256xf32, #tpu.memory_space<vmem>>, vector<16xf32>,
        tpu.vector_store %arg7[%parallel_loop3A_459, %parallel_loop3A_460], %parallel_loop3A_458 {strides = array<i32>} : memref<64x256xf32, #tpu.memory_space<vmem>>, vector<16xf32>,
        %parallel_loop3A_462 = arith.select %parallel_loop3A_437, %parallel_loop3A_237, %parallel_loop3A_225 : vector<16xi1>, vector<16xf32>
        %parallel_loop3A_463 = arith.index_cast %parallel_loop3A_86 : i32 to index
        %parallel_loop3A_464 = arith.constant 96 : index
        %parallel_loop3A_465 = tpu.vector_load %arg7[%parallel_loop3A_463, %parallel_loop3A_464] {strides = array<i32>} : memref<64x256xf32, #tpu.memory_space<vmem>>, vector<16xf32>,
        tpu.vector_store %arg7[%parallel_loop3A_463, %parallel_loop3A_464], %parallel_loop3A_462 {strides = array<i32>} : memref<64x256xf32, #tpu.memory_space<vmem>>, vector<16xf32>,
        %parallel_loop3A_466 = arith.select %parallel_loop3A_437, %parallel_loop3A_258, %parallel_loop3A_246 : vector<16xi1>, vector<16xf32>
        %parallel_loop3A_467 = arith.index_cast %parallel_loop3A_86 : i32 to index
        %parallel_loop3A_468 = arith.constant 112 : index
        %parallel_loop3A_469 = tpu.vector_load %arg7[%parallel_loop3A_467, %parallel_loop3A_468] {strides = array<i32>} : memref<64x256xf32, #tpu.memory_space<vmem>>, vector<16xf32>,
        tpu.vector_store %arg7[%parallel_loop3A_467, %parallel_loop3A_468], %parallel_loop3A_466 {strides = array<i32>} : memref<64x256xf32, #tpu.memory_space<vmem>>, vector<16xf32>,
        %parallel_loop3A_470 = arith.select %parallel_loop3A_437, %parallel_loop3A_279, %parallel_loop3A_267 : vector<16xi1>, vector<16xf32>
        %parallel_loop3A_471 = arith.index_cast %parallel_loop3A_86 : i32 to index
        %parallel_loop3A_472 = arith.constant 128 : index
        %parallel_loop3A_473 = tpu.vector_load %arg7[%parallel_loop3A_471, %parallel_loop3A_472] {strides = array<i32>} : memref<64x256xf32, #tpu.memory_space<vmem>>, vector<16xf32>,
        tpu.vector_store %arg7[%parallel_loop3A_471, %parallel_loop3A_472], %parallel_loop3A_470 {strides = array<i32>} : memref<64x256xf32, #tpu.memory_space<vmem>>, vector<16xf32>,
        %parallel_loop3A_474 = arith.select %parallel_loop3A_437, %parallel_loop3A_300, %parallel_loop3A_288 : vector<16xi1>, vector<16xf32>
        %parallel_loop3A_475 = arith.index_cast %parallel_loop3A_86 : i32 to index
        %parallel_loop3A_476 = arith.constant 144 : index
        %parallel_loop3A_477 = tpu.vector_load %arg7[%parallel_loop3A_475, %parallel_loop3A_476] {strides = array<i32>} : memref<64x256xf32, #tpu.memory_space<vmem>>, vector<16xf32>,
        tpu.vector_store %arg7[%parallel_loop3A_475, %parallel_loop3A_476], %parallel_loop3A_474 {strides = array<i32>} : memref<64x256xf32, #tpu.memory_space<vmem>>, vector<16xf32>,
        %parallel_loop3A_478 = arith.select %parallel_loop3A_437, %parallel_loop3A_321, %parallel_loop3A_309 : vector<16xi1>, vector<16xf32>
        %parallel_loop3A_479 = arith.index_cast %parallel_loop3A_86 : i32 to index
        %parallel_loop3A_480 = arith.constant 160 : index
        %parallel_loop3A_481 = tpu.vector_load %arg7[%parallel_loop3A_479, %parallel_loop3A_480] {strides = array<i32>} : memref<64x256xf32, #tpu.memory_space<vmem>>, vector<16xf32>,
        tpu.vector_store %arg7[%parallel_loop3A_479, %parallel_loop3A_480], %parallel_loop3A_478 {strides = array<i32>} : memref<64x256xf32, #tpu.memory_space<vmem>>, vector<16xf32>,
        %parallel_loop3A_482 = arith.select %parallel_loop3A_437, %parallel_loop3A_342, %parallel_loop3A_330 : vector<16xi1>, vector<16xf32>
        %parallel_loop3A_483 = arith.index_cast %parallel_loop3A_86 : i32 to index
        %parallel_loop3A_484 = arith.constant 176 : index
        %parallel_loop3A_485 = tpu.vector_load %arg7[%parallel_loop3A_483, %parallel_loop3A_484] {strides = array<i32>} : memref<64x256xf32, #tpu.memory_space<vmem>>, vector<16xf32>,
        tpu.vector_store %arg7[%parallel_loop3A_483, %parallel_loop3A_484], %parallel_loop3A_482 {strides = array<i32>} : memref<64x256xf32, #tpu.memory_space<vmem>>, vector<16xf32>,
        %parallel_loop3A_486 = arith.select %parallel_loop3A_437, %parallel_loop3A_363, %parallel_loop3A_351 : vector<16xi1>, vector<16xf32>
        %parallel_loop3A_487 = arith.index_cast %parallel_loop3A_86 : i32 to index
        %parallel_loop3A_488 = arith.constant 192 : index
        %parallel_loop3A_489 = tpu.vector_load %arg7[%parallel_loop3A_487, %parallel_loop3A_488] {strides = array<i32>} : memref<64x256xf32, #tpu.memory_space<vmem>>, vector<16xf32>,
        tpu.vector_store %arg7[%parallel_loop3A_487, %parallel_loop3A_488], %parallel_loop3A_486 {strides = array<i32>} : memref<64x256xf32, #tpu.memory_space<vmem>>, vector<16xf32>,
        %parallel_loop3A_490 = arith.select %parallel_loop3A_437, %parallel_loop3A_384, %parallel_loop3A_372 : vector<16xi1>, vector<16xf32>
        %parallel_loop3A_491 = arith.index_cast %parallel_loop3A_86 : i32 to index
        %parallel_loop3A_492 = arith.constant 208 : index
        %parallel_loop3A_493 = tpu.vector_load %arg7[%parallel_loop3A_491, %parallel_loop3A_492] {strides = array<i32>} : memref<64x256xf32, #tpu.memory_space<vmem>>, vector<16xf32>,
        tpu.vector_store %arg7[%parallel_loop3A_491, %parallel_loop3A_492], %parallel_loop3A_490 {strides = array<i32>} : memref<64x256xf32, #tpu.memory_space<vmem>>, vector<16xf32>,
        %parallel_loop3A_494 = arith.select %parallel_loop3A_437, %parallel_loop3A_405, %parallel_loop3A_393 : vector<16xi1>, vector<16xf32>
        %parallel_loop3A_495 = arith.index_cast %parallel_loop3A_86 : i32 to index
        %parallel_loop3A_496 = arith.constant 224 : index
        %parallel_loop3A_497 = tpu.vector_load %arg7[%parallel_loop3A_495, %parallel_loop3A_496] {strides = array<i32>} : memref<64x256xf32, #tpu.memory_space<vmem>>, vector<16xf32>,
        tpu.vector_store %arg7[%parallel_loop3A_495, %parallel_loop3A_496], %parallel_loop3A_494 {strides = array<i32>} : memref<64x256xf32, #tpu.memory_space<vmem>>, vector<16xf32>,
        %parallel_loop3A_498 = arith.select %parallel_loop3A_437, %parallel_loop3A_426, %parallel_loop3A_414 : vector<16xi1>, vector<16xf32>
        %parallel_loop3A_499 = arith.index_cast %parallel_loop3A_86 : i32 to index
        %parallel_loop3A_500 = arith.constant 240 : index
        %parallel_loop3A_501 = tpu.vector_load %arg7[%parallel_loop3A_499, %parallel_loop3A_500] {strides = array<i32>} : memref<64x256xf32, #tpu.memory_space<vmem>>, vector<16xf32>,
        tpu.vector_store %arg7[%parallel_loop3A_499, %parallel_loop3A_500], %parallel_loop3A_498 {strides = array<i32>} : memref<64x256xf32, #tpu.memory_space<vmem>>, vector<16xf32>,
      } {sc.loop_unroll_factor = 2 : i64, sc.parallel_access}
      %mul3A_79 = arith.constant 64 : i32
      %mul3A_80 = arith.muli %add3A_56, %mul3A_79 : i32
      %add3A_81 = arith.addi %mul3A_2, %mul3A_80 : i32
      %dma_start3A_82 = arith.constant 0 : i32
      %dma_start3A_83 = tpu.memref_slice %arg3[%add3A_81, %dma_start3A_82] : memref<262144x256xf32, #tpu.memory_space<hbm>> -> memref<64x256xf32, #tpu.memory_space<hbm>>
      %dma_start3A_84 = arith.constant 0 : i32
      %dma_start3A_85 = tpu.memref_slice %arg3[%add3A_81, %dma_start3A_84] : memref<262144x256xf32, #tpu.memory_space<hbm>> -> memref<64x256xf32, #tpu.memory_space<hbm>>
      tpu.enqueue_dma source(%arg7 : memref<64x256xf32, #tpu.memory_space<vmem>>) target(%dma_start3A_85 : memref<64x256xf32, #tpu.memory_space<hbm>>) target_semaphore(%arg11 : memref<!tpu.dma_semaphore, #tpu.memory_space<semaphore_mem>>)
    }
    %scan3A_12 = arith.constant 64 : i32
    %add3A_13 = arith.constant 8064 : i32
    %add3A_14 = arith.addi %mul3A_2, %add3A_13 : i32
    %dma_wait3A = arith.constant 0 : i32
    %dma_wait3A_15 = tpu.memref_slice %arg3[%add3A_14, %dma_wait3A] : memref<262144x256xf32, #tpu.memory_space<hbm>> -> memref<64x256xf32, #tpu.memory_space<hbm>>
    %dma_wait3A_16 = arith.constant 0 : i32
    %dma_wait3A_17 = tpu.memref_slice %arg3[%add3A_14, %dma_wait3A_16] : memref<262144x256xf32, #tpu.memory_space<hbm>> -> memref<64x256xf32, #tpu.memory_space<hbm>>
    tpu.wait_dma2 semaphore(%arg10 : memref<!tpu.dma_semaphore, #tpu.memory_space<semaphore_mem>>) src(%arg6 : memref<64x256xf32, #tpu.memory_space<vmem>>) dst(%dma_wait3A_17 : memref<64x256xf32, #tpu.memory_space<hbm>>)
    %add3A_18 = arith.constant 8128 : i32
    %add3A_19 = arith.addi %mul3A_2, %add3A_18 : i32
    %dma_wait3A_20 = arith.constant 0 : i32
    %dma_wait3A_21 = tpu.memref_slice %arg3[%add3A_19, %dma_wait3A_20] : memref<262144x256xf32, #tpu.memory_space<hbm>> -> memref<64x256xf32, #tpu.memory_space<hbm>>
    %dma_wait3A_22 = arith.constant 0 : i32
    %dma_wait3A_23 = tpu.memref_slice %arg3[%add3A_19, %dma_wait3A_22] : memref<262144x256xf32, #tpu.memory_space<hbm>> -> memref<64x256xf32, #tpu.memory_space<hbm>>
    tpu.wait_dma2 semaphore(%arg11 : memref<!tpu.dma_semaphore, #tpu.memory_space<semaphore_mem>>) src(%arg7 : memref<64x256xf32, #tpu.memory_space<vmem>>) dst(%dma_wait3A_23 : memref<64x256xf32, #tpu.memory_space<hbm>>)
    return
  }
}

</mosaic_0001>

<sc_bundles>
// kernel: kernel.3.cloned.1.call-start
scs
__scs_entry_jumppad:
0x0: {  	(pc) =	sbr.rel $0x88, $3  }
0x1: {  	(tag) =	ssettag $0x0;
	lr =	simm.s32 $0x1  }
0x2: {  	[smem:$0x3FA0] =	sst lr;
	_ =	strace $0xD0000000  }
0x3: {  	_ = 	snop  }
0x4: {  	_ = 	snop  }
0x5: {  	_ = 	snop  }
0x6: {  	_ = 	snop  }
0x7: {  	_ = 	snop  }
__scs_overlays_trampoline_lowered:
0x8: {  	[smem:$0x3FAF] =	sst s0  }
0x9: {  	[smem:$0x3FB0] =	sst s1  }
0xa: {  	[smem:$0x3FB1] =	sst s2  }
0xb: {  	[smem:$0x3FB2] =	sst s3  }
0xc: {  	[smem:$0x3FB3] =	sst s4  }
0xd: {  	[smem:$0x3FB4] =	sst s5  }
0xe: {  	[smem:$0x3FB5] =	sst s6  }
0xf: {  	[smem:$0x3FB6] =	sst s7  }
0x10: {  	[smem:$0x3FB7] =	sst s8  }
0x11: {  	[smem:$0x3FB8] =	sst s9;
	s0 =	simm.s32 @!p0 $0x0  }
0x12: {  	s1 =	sld [smem:$0x3F9E];
	s0 =	simm.s32 @p0 $0x1  }
0x13: {  	[smem:$0x3FB9] =	sst s0;
	s0 =	simm.s32 @!p1 $0x0  }
0x14: {  	s2 =	sld [smem:$0x3F9D];
	s0 =	simm.s32 @p1 $0x1  }
0x15: {  	[smem:$0x3FBA] =	sst s0;
	s0 =	simm.s32 @!p2 $0x0  }
0x16: {  	s3 =	sld [smem:$0x3FDB];
	s0 =	simm.s32 @p2 $0x1  }
0x17: {  	s4 =	simm.s32 $0x1BF5;
	[smem:$0x3FBC] =	sst s0  }
0x18: {  	s0 =	sld [smem:$0x3F9F];
	_ =	swait.ge [sflag:s4], $0x0  }
0x19: {  	s7 =	sld [smem:$0x3FA0]  }
0x1a: {  	s8 =	sadd.s32 $0xFFFFE003, lr  }
0x1b: {  	s9 =	sadd.s32 $0xFFFFFEF7, lr;
	s5 =	simm.s32 $0xFFFFFFFF;
	p2 =	slt.u32 s8, $0xFFFFF086  }
0x1c: {  	p1 =	slt.u32 s9, $0xF7A;
	s5 =	simm.s32 @!p2 $0x0  }
0x1d: {  	s5 =	simm.s32 @p1 $0x1;
	p0 =	seq.s32 s7, s2  }
0x1e: {  	s7 =	smul.u32 @!p0 $0xF7A, s2;
	p2 =	seq.s32 @!p0 s5, $0x0  }
0x1f: {  	s9 =	smul.u32 $0xF7A, s1;
	s8 =	simm.s32 @!p0 $0x1BF5;
	p2 =	por !p2, p0  }
0x20: {  	[sflag:s8] =	ssyncset.s32 @!p0 $0xFFFFF086;
	s6 =	sadd.s32 @!p0 s3, s7;
	s7 =	simm.s32 @!p0 $0x108  }
0x21: {  	s3 =	sadd.s32 s3, s9;
	s6 =	sadd.s32 @!p0 $0x88, s6;
	s7 =	simm.s32 @p2 $0x1082  }
0x22: {  	[simem:s7], [sflag:s8] =	dma.local @!p0 [hbm:s6], $0xF7A  }
0x23: {  	s9 =	sor.u32 $0xD0000000, s2;
	s6 =	simm.s32 $0x108;
	_ =	swait.ge @!p0 [sflag:s8], $0x0  }
0x24: {  	s3 =	sadd.s32 $0x88, s3;
	s6 =	simm.s32 @!p1 $0x1082;
	[sflag:s4] =	ssyncset.s32 $0xFFFFF086  }
0x25: {  	[simem:s6], [sflag:s4] =	dma.local [hbm:s3], $0xF7A  }
0x26: {  	[smem:$0x3FA0] =	sst s1;
	(tag) =	ssettag s2;
	_ =	strace s9  }
0x27: {  	s1 =	sld [smem:$0x3FB0]  }
0x28: {  	s2 =	sld [smem:$0x3FB1]  }
0x29: {  	s4 =	sld [smem:$0x3FB3]  }
0x2a: {  	p0 =	seq.s32 s5, $0x0;
	s5 =	sld [smem:$0x3FB4]  }
0x2b: {  	s6 =	sld [smem:$0x3FB5]  }
0x2c: {  	s7 =	sld [smem:$0x3FB6]  }
0x2d: {  	s3 =	simm.s32 $0x108;
	s8 =	sld [smem:$0x3FB7]  }
0x2e: {  	s3 =	simm.s32 @!p0 $0x1082;
	s9 =	sld [smem:$0x3FB8]  }
0x2f: {  	lr =	sadd.s32 s0, s3;
	s0 =	sld [smem:$0x3FAF]  }
0x30: {  	s3 =	sld [smem:$0x3FB2]  }
0x31: {  	[smem:$0x3FBB] =	sst s10  }
0x32: {  	s10 =	sld [smem:$0x3FB9];
	_ =	sdelay $0x3  }
0x33: {  	p0 =	seq.s32 s10, $0x1;
	s10 =	sld [smem:$0x3FBB];
	_ =	sdelay $0x3  }
0x34: {  	[smem:$0x3FBB] =	sst s10  }
0x35: {  	s10 =	sld [smem:$0x3FBA];
	_ =	sdelay $0x3  }
0x36: {  	p1 =	seq.s32 s10, $0x1;
	s10 =	sld [smem:$0x3FBB];
	_ =	sdelay $0x3  }
0x37: {  	[smem:$0x3FBB] =	sst s10  }
0x38: {  	s10 =	sld [smem:$0x3FBC]  }
0x39: {  	_ = 	snop;
	(pc) =	sbr.ind lr, $3  }
0x3a: {  	_ = 	snop  }
0x3b: {  	_ = 	snop  }
0x3c: {  	p2 =	seq.s32 s10, $0x1;
	s10 =	sld [smem:$0x3FBB]  }
0x3d: {  	_ =	shalt  }
0x3e: {  	_ =	shalt  }
0x3f: {  	_ =	shalt  }
0x40: {  	_ =	shalt  }
0x41: {  	_ =	shalt  }
0x42: {  	_ =	shalt  }
0x43: {  	_ =	shalt  }
0x44: {  	_ =	shalt  }
0x45: {  	_ =	shalt  }
0x46: {  	_ =	shalt  }
0x47: {  	_ =	shalt  }
0x48: {  	_ =	shalt  }
0x49: {  	_ =	shalt  }
0x4a: {  	_ =	shalt  }
0x4b: {  	_ =	shalt  }
0x4c: {  	_ =	shalt  }
0x4d: {  	_ =	shalt  }
0x4e: {  	_ =	shalt  }
0x4f: {  	_ =	shalt  }
0x50: {  	_ =	shalt  }
0x51: {  	_ =	shalt  }
0x52: {  	_ =	shalt  }
0x53: {  	_ =	shalt  }
0x54: {  	_ =	shalt  }
0x55: {  	_ =	shalt  }
0x56: {  	_ =	shalt  }
0x57: {  	_ =	shalt  }
0x58: {  	_ =	shalt  }
0x59: {  	_ =	shalt  }
0x5a: {  	_ =	shalt  }
0x5b: {  	_ =	shalt  }
0x5c: {  	_ =	shalt  }
0x5d: {  	_ =	shalt  }
0x5e: {  	_ =	shalt  }
0x5f: {  	_ =	shalt  }
0x60: {  	_ =	shalt  }
0x61: {  	_ =	shalt  }
0x62: {  	_ =	shalt  }
0x63: {  	_ =	shalt  }
0x64: {  	_ =	shalt  }
0x65: {  	_ =	shalt  }
0x66: {  	_ =	shalt  }
0x67: {  	_ =	shalt  }
0x68: {  	_ =	shalt  }
0x69: {  	_ =	shalt  }
0x6a: {  	_ =	shalt  }
0x6b: {  	_ =	shalt  }
0x6c: {  	_ =	shalt  }
0x6d: {  	_ =	shalt  }
0x6e: {  	_ =	shalt  }
0x6f: {  	_ =	shalt  }
0x70: {  	_ =	shalt  }
0x71: {  	_ =	shalt  }
0x72: {  	_ =	shalt  }
0x73: {  	_ =	shalt  }
0x74: {  	_ =	shalt  }
0x75: {  	_ =	shalt  }
0x76: {  	_ =	shalt  }
0x77: {  	_ =	shalt  }
0x78: {  	_ =	shalt  }
0x79: {  	_ =	shalt  }
0x7a: {  	_ =	shalt  }
0x7b: {  	_ =	shalt  }
0x7c: {  	_ =	shalt  }
0x7d: {  	_ =	shalt  }
0x7e: {  	_ =	shalt  }
0x7f: {  	_ =	shalt  }
0x80: {  	_ =	shalt  }
0x81: {  	_ =	shalt  }
0x82: {  	_ =	shalt  }
0x83: {  	_ =	shalt  }
0x84: {  	_ =	shalt  }
0x85: {  	_ =	shalt  }
0x86: {  	_ =	shalt  }
0x87: {  	_ =	shalt  }
.Lfunc_end0:
.L_simem_size_0:
called_computation_lowered:
.L_overlay_start_0:
0x88: {  	s2 =	sld [smem:$0x3FD9]  }
0x89: {  	s3 =	sld [smem:$0x3FFE];
	_ =	sdelay $0x1  }
0x8a: {  	s1 =	srdreg.scid  }
0x8b: {  	s0 =	sand.u32 $0x1, s1  }
0x8c: {  	s18 =	sshll.u32 s0, $0xA;
	s2 =	sadd.s32 s3, s2  }
0x8d: {  	s2 =	sadd.s32 s2, s18  }
0x8e: {  	[smem:$0x3FC7] =	sst s2  }
0x8f: {  	_ = 	snop  }
0x90: {  	s2 =	sld [smem:$0x3FC9]  }
0x91: {  	s19 =	sld [smem:$0x3FD0];
	(tm) =	ssettm $0x1  }
0x92: {  	s4 =	sld [smem:$0x3FFB];
	_ =	sdelay $0x3  }
0x93: {  	_ =	strace s4  }
0x94: {  	s4 =	sld [smem:$0x3FFC];
	_ =	sdelay $0x3  }
0x95: {  	_ =	strace s4  }
0x96: {  	s4 =	sld [smem:$0x3FFD];
	_ =	sdelay $0x3  }
0x97: {  	_ =	strace s4  }
0x98: {  	_ =	strace $0x8FFFFFFF  }
0x99: {  	s20 =	sld [smem:$0x3FDB];
	_ =	sdelay $0x1  }
0x9a: {  	s5 =	simm.s32 $_scs_section_size  }
0x9b: {  	s6 =	simm.s32 $_size__tile_overlayer_lowered;
	s7 =	simm.s32 $_tile_overlayer_lowered  }
0x9c: {  	s23 =	simm.s32 $0x1BFF;
	s22 =	sshll.u32 s7, $0x1;
	s4 =	sadd.s32 s5, s20  }
0x9d: {  	s8 =	simm.s32 $0x0;
	s21 =	sshll.u32 s6, $0x1;
	s6 =	sadd.s32 s22, s4  }
0x9e: {  	[timem:s8], [sflag:s23] =	dma.local [hbm:s6], s21  }
0x9f: {  	_ =	swait.ge [sflag:s23], s21  }
0xa0: {  	s5 =	ssub.s32 $0x0, s21;
	[sflag:s23] =	ssyncset.done $0x0  }
0xa1: {  	[sflag:s23] =	ssyncadd.s32 s5;
	_ =	sdelay $0x1  }
0xa2: {  	s24 =	simm.s32 $0x1B8B  }
0xa3: {  	_ =	swait.ge [sflag:s24], $0x1  }
0xa4: {  	[sflag:s24] =	ssyncset.done $0x0  }
0xa5: {  	s25 =	simm.s32 $0x1B8E;
	[sflag:s24] =	ssyncadd.s32 $0xFFFFFFFF  }
0xa6: {  	s26 =	simm.s32 $execute0_lowered;
	[smem:$0x3FD2] =	sst s25  }
0xa7: {  	s5 =	sshll.u32 s26, $0x1;
	_ =	strace $0x80000046;
	[dreg:$0x1] =	wrdreg $0xFFFFFFFF  }
0xa8: {  	s28 =	simm.s32 $_size_execute0_lowered;
	s4 =	sadd.s32 s4, s5;
	[dreg:$0x0] =	wrdreg $0x0  }
0xa9: {  	s5 =	sshll.u32 s28, $0x1;
	[dreg:$0x2] =	wrdreg s4  }
0xaa: {  	[dreg:$0x3] =	wrdreg s5  }
0xab: {  	[dreg:$0x4] =	wrdreg $0xC0  }
0xac: {  	_ =	task [dreg:s8], $0x5FFFF  }
0xad: {  	[dreg:$0x1] =	wrdreg $0xFFFFFFFF  }
0xae: {  	[dreg:$0x0] =	wrdreg $0x60  }
0xaf: {  	[dreg:$0x2] =	wrdreg s2  }
0xb0: {  	[dreg:$0x3] =	wrdreg s19  }
0xb1: {  	[dreg:$0x4] =	wrdreg $0x9  }
0xb2: {  	_ =	task.clear_ibuf [dreg:s8], $0x5FFFF;
	_ =	strace $0x90000046  }
0xb3: {  	s29 =	simm.s32 $0x9;
	_ =	strace $0x80000048  }
0xb4: {  	_ =	swait.ge [sflag:s29], $0x1  }
0xb5: {  	[sflag:s29] =	ssyncadd.s32 $0xFFFFFFFF  }
0xb6: {  	_ =	strace $0x90000048  }
0xb7: {  	_ =	sfence  }
0xb8: {  	s30 =	sld [smem:$0x0];
	_ =	sdelay $0x2  }
0xb9: {  	s31 =	sshll.u32 s1, $0xD;
	s1 =	sshrl.u32 s1, $0x2  }
0xba: {  	s3 =	sand.u32 $0x4000, s31;
	s1 =	sadd.s32 s1, s30  }
0xbb: {  	s0 =	sor.u32 s3, s0;
	s1 =	sshll.u32 s1, $0x11  }
0xbc: {  	s0 =	sor.u32 s1, s0  }
0xbd: {  	s0 =	sadd.s32 $0x8F2B, s0  }
0xbe: {  	[sflag:s0] =	ssyncadd.remote.s32 $0x1  }
0xbf: {  	_ =	sfence.sel $0xFFFF  }
0xc0: {  	[dreg:$0x0] =	wrdreg $0xFFFFFFFF;
	(pc) =	sbr.abs _section_cstart, $3  }
0xc1: {  	[dreg:$0x1] =	wrdreg $0xFFFFFFFF  }
0xc2: {  	_ =	task.clear_ibuf [dreg:s8], $0x2FFFF;
	_ =	strace $0x9FFFFFFF  }
0xc3: {  	(tm) =	ssettm $0x7FFFFFFF  }
tec
execute0_lowered:
.L_overlay_start_1:
0x0: {  	(tag) =	ssettag $0x1  }
0x1: {  	s1 =	rddreg [dreg:$0x0]  }
0x2: {  	s3 =	rddreg [dreg:$0x1]  }
0x3: {  	s0 =	rddreg [dreg:$0x2];
	s5 =	srdreg.scid  }
0x4: {  	s4 =	simm.s32 $0x0;
	s2 =	stileid.u32;
	s10 =	simm.s32 $0x4000  }
0x5: {  	s11 =	simm.s32 $0x1;
	s12 =	simm.s32 $0x8000;
	s13 =	simm.s32 $0x2  }
0x6: {  	s14 =	simm.s32 $0x4;
	s15 =	simm.s32 $0xC000;
	s16 =	simm.s32 $0x3  }
0x7: {  	s17 =	simm.s32 $0x0;
	s5 =	sand.u32 $0x1, s5;
	s7 =	sshll.u32 s2, $0x13  }
0x8: {  	[smem:$0x7FF] =	sst s4;
	s6 =	ssub.s32 $0x2, s5;
	s5 =	sshll.u32 s5, $0x12  }
0x9: {  	_ =	strace $0x80000047;
	s8 =	sshrl.u32 s6, $0x1;
	s7 =	sor.u32 s5, s7  }
0xa: {  	s9 =	ssub.s32 s6, s8;
	s5 =	sadd.s32 s1, s7;
	s6 =	sor.u32 $0x800, s7  }
0xb: {  	v0 =	vimm.f32 $-5.000000000e-01;
	s7 =	sadd.s32 s3, s7;
	s8 =	sadd.s32 $0x1000, s5;
	s9 =	smax.u32 s9, $0x1  }
.LBB2_1:
0xc: {  	[tilespmem:s4], [sflag:$0x1] =	stream.linear.gather [hbm4b:s5+s4], $0x4000, $0x38;
	[tilespmem:$0x10000] =	vst v63  }
0xd: {  	s18 =	simm.s32 $0x0  }
.LBB2_2:
0xe: {  	s20 =	sshll.u32 s18, $0xC  }
0xf: {  	s19 =	sadd.s32 s6, s20  }
0x10: {  	s21 =	sadd.s32 s1, s19  }
0x11: {  	[tilespmem:s10], [sflag:$0x2] =	stream.linear.gather [hbm4b:s21+s4], $0x4000, $0x38;
	[tilespmem:$0x10000] =	vst v63  }
0x12: {  	_ =	swait.ge [sflag:s11], $0x4000  }
0x13: {  	p0 =	seq.s32 s18, $0x0;
	[sflag:s11] =	ssyncset.done $0x0  }
0x14: {  	s21 =	simm.s32 @!p0 $0x3;
	[sflag:s11] =	ssyncadd.s32 $0xFFFFC000  }
0x15: {  	s22 =	simm.s32 $0x0;
	_ =	swait.ge @!p0 [sflag:s21], $0x4000  }
0x16: {  	s23 =	sand.u32 $0x3800, s22;
	s22 =	sand.u32 $0x300, s22;
	[sflag:s21] =	ssyncset.done @!p0 $0x0  }
0x17: {  	[sflag:s21] =	ssyncadd.s32 @!p0 $0xFFFFC000;
	s21 =	sor.u32 s22, s23  }
0x18: {  	v1 =	vld [tilespmem:s21+$0x4E0]  }
0x19: {  	v2 =	vld [tilespmem:s21+$0x4F0]  }
0x1a: {  	v4 =	vld [tilespmem:s21+$0x4C0]  }
0x1b: {  	v5 =	vld [tilespmem:s21+$0x4D0]  }
0x1c: {  	v6 =	vld [tilespmem:s21+$0x4A0]  }
0x1d: {  	v7 =	vld [tilespmem:s21+$0x4B0]  }
0x1e: {  	v15 =	vld [tilespmem:s21+$0x480]  }
0x1f: {  	v16 =	vld [tilespmem:s21+$0x490]  }
0x20: {  	v18 =	vld [tilespmem:s21+$0xE0]  }
0x21: {  	v24 =	vld [tilespmem:s21+$0xF0]  }
0x22: {  	v25 =	vld [tilespmem:s21+$0xC0]  }
0x23: {  	v26 =	vld [tilespmem:s21+$0xD0]  }
0x24: {  	v27 =	vld [tilespmem:s21+$0x80]  }
0x25: {  	v28 =	vld [tilespmem:s21+$0x90];
	v3 =	vadd.f32 $1.258291200e+07, v1;
	v8 =	vadd.f32 $1.258291200e+07, v4  }
0x26: {  	v29 =	vld [tilespmem:s21+$0xA0];
	v9 =	vadd.f32 $1.258291200e+07, v2;
	v10 =	vadd.f32 $1.258291200e+07, v6  }
0x27: {  	v30 =	vld [tilespmem:s21+$0xB0];
	v11 =	vadd.f32 $1.258291200e+07, v5;
	v12 =	vadd.f32 $1.258291200e+07, v15  }
0x28: {  	v13 =	vadd.f32 $1.258291200e+07, v7;
	v14 =	vadd.f32 $1.258291200e+07, v18  }
0x29: {  	v17 =	vadd.f32 $1.258291200e+07, v16;
	v31 =	vadd.f32 $1.258291200e+07, v25  }
0x2a: {  	v32 =	vadd.f32 $1.258291200e+07, v24;
	v33 =	vadd.f32 $1.258291200e+07, v27  }
0x2b: {  	v34 =	vadd.f32 $1.258291200e+07, v26;
	v35 =	vadd.f32 $1.258291200e+07, v28  }
0x2c: {  	v36 =	vadd.f32 $1.258291200e+07, v29;
	v37 =	vadd.f32 $1.258291200e+07, v30  }
0x2d: {  	v38 =	vadd.f32 $-1.258291200e+07, v3;
	v39 =	vadd.f32 $-1.258291200e+07, v8  }
0x2e: {  	v3 =	vadd.f32 $-1.258291200e+07, v9;
	v9 =	vadd.f32 $-1.258291200e+07, v10  }
0x2f: {  	v8 =	vadd.f32 $-1.258291200e+07, v11;
	v23 =	vadd.f32 $-1.258291200e+07, v12  }
0x30: {  	v11 =	vadd.f32 $-1.258291200e+07, v13;
	v21 =	vadd.f32 $-1.258291200e+07, v14  }
0x31: {  	v60 =	vadd.f32 $-1.258291200e+07, v17;
	v19 =	vadd.f32 $-1.258291200e+07, v31  }
0x32: {  	v22 =	vadd.f32 $-1.258291200e+07, v32;
	v14 =	vadd.f32 $-1.258291200e+07, v33  }
0x33: {  	v20 =	vadd.f32 $-1.258291200e+07, v34;
	v13 =	vadd.f32 $-1.258291200e+07, v35  }
0x34: {  	v10 =	vadd.f32 $-1.258291200e+07, v36;
	v17 =	vadd.f32 $-1.258291200e+07, v37  }
0x35: {  	v1 =	vsub.f32 v1, v38;
	v6 =	vsub.f32 v6, v9  }
0x36: {  	v31 =	vsub.f32 v4, v39;
	v4 =	vsub.f32 v18, v21  }
0x37: {  	v18 =	vsub.f32 v27, v14;
	v15 =	vsub.f32 v15, v23  }
0x38: {  	v27 =	vsub.f32 v29, v10;
	v28 =	vsub.f32 v28, v13  }
0x39: {  	v29 =	vsub.f32 v30, v17;
	v25 =	vsub.f32 v25, v19  }
0x3a: {  	v26 =	vsub.f32 v26, v20;
	v24 =	vsub.f32 v24, v22  }
0x3b: {  	[tilespmem:$0x1FED0] =	vst v9;
	v9 =	vimm.s32 $0x0;
	v16 =	vsub.f32 v16, v60;
	v52 =	vsub.f32 v7, v11  }
0x3c: {  	[tilespmem:$0x1FFD0] =	vst v38;
	v54 =	vsub.f32 v5, v8;
	v2 =	vsub.f32 v2, v3;
	v30 =	vand.u32 $0x7FFFFFFF, v18  }
0x3d: {  	[tilespmem:$0x1FEF0] =	vst v39;
	v41 =	vand.u32 $0x7FFFFFFF, v27;
	v42 =	vand.u32 $0x7FFFFFFF, v28;
	v43 =	vand.u32 $0x7FFFFFFF, v29  }
0x3e: {  	[tilespmem:$0x1FFB0] =	vst v8;
	vm0 =	vge.f32 v1, $0.0e+00;
	v45 =	vand.u32 $0x7FFFFFFF, v25;
	v46 =	vand.u32 $0x7FFFFFFF, v26  }
0x3f: {  	[tilespmem:$0x1FEE0] =	vst v11;
	vm2 =	vge.f32 v6, $0.0e+00;
	v47 =	vand.u32 $0x7FFFFFFF, v4;
	v9 =	vsel vm0, $0xFFFFFFFF, v9  }
0x40: {  	v48 =	vand.u32 $0x7FFFFFFF, v24;
	v49 =	vand.u32 $0x7FFFFFFF, v15;
	v51 =	vand.u32 $0x7FFFFFFF, v16;
	[tilespmem:$0x1FF00] =	vst v9  }
0x41: {  	vm13 =	vge.f32 v18, $0.0e+00;
	v6 =	vand.u32 $0x7FFFFFFF, v6;
	v30 =	vadd.f32 v41, v30;
	v18 =	vld [tilespmem:s21+$0x20]  }
0x42: {  	v53 =	vand.u32 $0x7FFFFFFF, v52;
	vm14 =	vge.f32 v28, $0.0e+00;
	v44 =	vadd.f32 v43, v42;
	v55 =	vld [tilespmem:s21+$0x30]  }
0x43: {  	vm9 =	vge.f32 v27, $0.0e+00;
	vm12 =	vge.f32 v29, $0.0e+00;
	v30 =	vadd.f32 v45, v30;
	v27 =	vld [tilespmem:s21+$0x40]  }
0x44: {  	vm4 =	vge.f32 v52, $0.0e+00;
	vm1 =	vge.f32 v2, $0.0e+00;
	v32 =	vadd.f32 v46, v44;
	v28 =	vld [tilespmem:s21+$0x50]  }
0x45: {  	vm0 =	vge.f32 v4, $0.0e+00;
	v58 =	vld [tilespmem:s21+$0x400];
	v46 =	vsel vm14, $0x3F000000, v0;
	v30 =	vadd.f32 v47, v30  }
0x46: {  	v52 =	vsel vm1, $0x3F000000, v0;
	v61 =	vld [tilespmem:s21+$0x420];
	v9 =	vadd.f32 v46, v13;
	v4 =	vadd.f32 v48, v32  }
0x47: {  	vm11 =	vge.f32 v25, $0.0e+00;
	v63 =	vld [tilespmem:s21+$0x430];
	v32 =	vadd.f32 v52, v3;
	v7 =	vadd.f32 v49, v30  }
0x48: {  	vm10 =	vge.f32 v26, $0.0e+00;
	v4 =	vadd.f32 v51, v4;
	v25 =	vadd.f32 $1.258291200e+07, v18  }
0x49: {  	vm7 =	vge.f32 v15, $0.0e+00;
	v26 =	vld [tilespmem:s21+$0x60];
	v29 =	vadd.f32 $1.258291200e+07, v55;
	v15 =	vadd.f32 $1.258291200e+07, v27  }
0x4a: {  	vm8 =	vge.f32 v24, $0.0e+00;
	v57 =	vld [tilespmem:s21+$0x70];
	v24 =	vadd.f32 $1.258291200e+07, v28;
	v62 =	vadd.f32 $1.258291200e+07, v58  }
0x4b: {  	vm3 =	vge.f32 v54, $0.0e+00;
	v50 =	vld [tilespmem:s21+$0x0];
	v44 =	vadd.f32 $1.258291200e+07, v61;
	v5 =	vadd.f32 v6, v7  }
0x4c: {  	v4 =	vadd.f32 v53, v4;
	v7 =	vand.u32 $0x7FFFFFFF, v54;
	v54 =	vadd.f32 $1.258291200e+07, v63  }
0x4d: {  	vm6 =	vge.f32 v16, $0.0e+00;
	v59 =	vadd.f32 $-1.258291200e+07, v25;
	v16 =	vadd.f32 $-1.258291200e+07, v15  }
0x4e: {  	v6 =	vand.u32 $0x7FFFFFFF, v31;
	v15 =	vadd.f32 $-1.258291200e+07, v24;
	v24 =	vadd.f32 $1.258291200e+07, v26  }
0x4f: {  	v30 =	vld [tilespmem:s21+$0x10];
	v25 =	vadd.f32 $1.258291200e+07, v57;
	v5 =	vadd.f32 v6, v5  }
0x50: {  	v4 =	vadd.f32 v7, v4;
	v6 =	vadd.f32 $1.258291200e+07, v50  }
0x51: {  	v42 =	vld [tilespmem:s21+$0x450];
	v35 =	vsub.f32 v18, v59;
	v27 =	vsub.f32 v27, v16  }
0x52: {  	v1 =	vand.u32 $0x7FFFFFFF, v1;
	v28 =	vsub.f32 v28, v15;
	v24 =	vadd.f32 $-1.258291200e+07, v24  }
0x53: {  	v41 =	vld [tilespmem:s21+$0x440];
	v7 =	vand.u32 $0x7FFFFFFF, v2;
	v25 =	vadd.f32 $-1.258291200e+07, v25;
	v1 =	vadd.f32 v1, v5  }
0x54: {  	v4 =	vadd.f32 v7, v4;
	v5 =	vadd.f32 $1.258291200e+07, v30  }
0x55: {  	v7 =	vadd.f32 $-1.258291200e+07, v6;
	v2 =	vsub.f32 v57, v25  }
0x56: {  	v57 =	vadd.f32 $1.258291200e+07, v42;
	v1 =	vadd.f32 v4, v1  }
0x57: {  	v18 =	vld [tilespmem:s21+$0x410];
	v6 =	vadd.f32 $-1.258291200e+07, v5;
	v5 =	vadd.f32 $-1.258291200e+07, v29  }
0x58: {  	vm5 =	vge.f32 v31, $0.0e+00;
	v33 =	vsub.f32 v50, v7;
	v50 =	vadd.f32 $1.258291200e+07, v41  }
0x59: {  	v8 =	vsel vm13, $0x3F000000, v0;
	v36 =	vadd.f32 $-1.258291200e+07, v57;
	v30 =	vsub.f32 v30, v6  }
0x5a: {  	v38 =	vsub.f32 v55, v5;
	v29 =	vand.u32 $0x7FFFFFFF, v33;
	(xrf2) =	vadd.scan.msk.f32 $0xffff, v1;
	v1 =	vand.u32 $0x7FFFFFFF, v35  }
0x5b: {  	v53 =	vand.u32 $0x7FFFFFFF, v27;
	v52 =	vadd.f32 $-1.258291200e+07, v50;
	v1 =	vadd.f32 v1, v29  }
0x5c: {  	v50 =	vsel vm10, $0x3F000000, v0;
	v29 =	vadd.f32 $1.258291200e+07, v18;
	v42 =	vsub.f32 v42, v36  }
0x5d: {  	v11 =	vadd.f32 v50, v20;
	v31 =	vand.u32 $0x7FFFFFFF, v30;
	v40 =	vand.u32 $0x7FFFFFFF, v38  }
0x5e: {  	v43 =	vand.u32 $0x7FFFFFFF, v28;
	v41 =	vsub.f32 v41, v52;
	v31 =	vadd.f32 v40, v31  }
0x5f: {  	v4 =	vimm.s32 $0xF;
	v40 =	vsub.f32 v26, v24;
	v26 =	vadd.f32 $-1.258291200e+07, v62  }
0x60: {  	v48 =	vld [tilespmem:s21+$0x460];
	v55 =	vand.u32 $0x7FFFFFFF, v2;
	v29 =	vadd.f32 $-1.258291200e+07, v29;
	v1 =	vadd.f32 v53, v1  }
0x61: {  	vm1 =	vge.f32 v33, $0.0e+00;
	v43 =	vadd.f32 v43, v31;
	v37 =	vsub.f32 v58, v26  }
0x62: {  	v47 =	vsub.f32 v18, v29;
	v49 =	vand.u32 $0x7FFFFFFF, v40;
	v31 =	vadd.f32 $-1.258291200e+07, v44;
	v44 =	vld [tilespmem:s21+$0x470]  }
0x63: {  	vm14 =	vge.f32 v30, $0.0e+00;
	v18 =	vadd.f32 $-1.258291200e+07, v54;
	v1 =	vadd.f32 v49, v1  }
0x64: {  	v49 =	vsel vm11, $0x3F000000, v0;
	v43 =	vadd.f32 v55, v43;
	v34 =	vsub.f32 v61, v31  }
0x65: {  	v39 =	vsub.f32 v63, v18;
	v51 =	vand.u32 $0x7FFFFFFF, v37;
	v61 =	vadd.f32 $1.258291200e+07, v48  }
0x66: {  	v58 =	vand.u32 $0x7FFFFFFF, v47;
	v49 =	vadd.f32 v49, v19;
	v1 =	vadd.f32 v51, v1  }
0x67: {  	v55 =	vand.u32 $0x7FFFFFFF, v41;
	v43 =	vadd.f32 v58, v43;
	v62 =	vadd.f32 $1.258291200e+07, v44  }
0x68: {  	v63 =	vand.u32 $0x7FFFFFFF, v34;
	v45 =	vand.u32 $0x7FFFFFFF, v39;
	v53 =	vadd.f32 $-1.258291200e+07, v61  }
0x69: {  	v61 =	vsel vm1, $0x3F000000, v0;
	vm1 =	vge.f32 v35, $0.0e+00;
	v56, _, _ =	vpop (xrf2);
	v54 =	vadd.f32 $-1.258291200e+07, v62  }
0x6a: {  	v1 =	vadd.f32 v63, v1;
	v33 =	vperm.xlane v56, v4;
	v43 =	vadd.f32 v45, v43  }
0x6b: {  	v56 =	vand.u32 $0x7FFFFFFF, v42;
	v48 =	vsub.f32 v48, v53;
	v44 =	vsub.f32 v44, v54  }
0x6c: {  	v35 =	vsel vm1, $0x3F000000, v0;
	v1 =	vadd.f32 v55, v1;
	v30 =	vadd.f32 v56, v43  }
0x6d: {  	v35 =	vadd.f32 v35, v59;
	v57 =	vand.u32 $0x7FFFFFFF, v48;
	v58 =	vand.u32 $0x7FFFFFFF, v44  }
0x6e: {  	vm1 =	vge.f32 v27, $0.0e+00;
	v1 =	vadd.f32 v57, v1;
	v30 =	vadd.f32 v58, v30  }
0x6f: {  	v62 =	vsel vm14, $0x3F000000, v0;
	vm14 =	vge.f32 v38, $0.0e+00;
	v55 =	vsel vm0, $0x3F000000, v0  }
0x70: {  	vm13 =	vgt.f32 v33, $6.400000000e+01;
	v33 =	vadd.f32 v62, v6;
	v1 =	vadd.f32 v30, v1  }
0x71: {  	v12 =	vadd.f32 v55, v21;
	v3 =	vsel vm13, v32, v3;
	vm15 =	vmmov vm13  }
0x72: {  	v32 =	vadd.f32 v61, v7;
	v9 =	vsel vm15, v9, v13;
	v30 =	vsel vm14, $0x3F000000, v0;
	(xrf2) =	vadd.scan.msk.f32 $0xffff, v1  }
0x73: {  	vm14 =	vge.f32 v28, $0.0e+00;
	v28 =	vsel vm1, $0x3F000000, v0;
	vm1 =	vge.f32 v40, $0.0e+00  }
0x74: {  	v63 =	vsel vm14, $0x3F000000, v0;
	vm14 =	vge.f32 v2, $0.0e+00;
	v51 =	vadd.f32 v28, v16  }
0x75: {  	v1 =	vsel vm1, $0x3F000000, v0;
	vm1 =	vge.f32 v37, $0.0e+00;
	v2 =	vsel vm14, $0x3F000000, v0  }
0x76: {  	vm14 =	vge.f32 v47, $0.0e+00;
	v47 =	vadd.f32 v30, v5;
	v38 =	vadd.f32 v63, v15  }
0x77: {  	v37 =	vsel vm1, $0x3F000000, v0;
	vm1 =	vge.f32 v34, $0.0e+00;
	v34 =	vsel vm14, $0x3F000000, v0  }
0x78: {  	vm14 =	vge.f32 v39, $0.0e+00;
	v45 =	vadd.f32 v1, v24;
	v39 =	vsel vm1, $0x3F000000, v0  }
0x79: {  	s30 =	simm.s32 $0x100;
	s31 =	simm.s32 $0x200;
	vm1 =	vge.f32 v41, $0.0e+00;
	v40 =	vsel vm14, $0x3F000000, v0;
	vm14 =	vge.f32 v42, $0.0e+00  }
0x7a: {  	s23 =	sand.u32 $0x3800, s31;
	s22 =	sand.u32 $0x300, s30;
	v37 =	vadd.f32 v37, v26;
	v56 =	vadd.f32 v34, v29;
	v41 =	vsel vm1, $0x3F000000, v0  }
0x7b: {  	s22 =	sor.u32 s22, s23;
	[tilespmem:$0x1FF10] =	vst v3;
	vm1 =	vge.f32 v48, $0.0e+00;
	v42 =	vsel vm14, $0x3F000000, v0;
	vm14 =	vge.f32 v44, $0.0e+00  }
0x7c: {  	v61 =	vld [tilespmem:s22+$0x490];
	v44 =	vsel vm9, $0x3F000000, v0;
	v48 =	vsel vm12, $0x3F000000, v0;
	v39 =	vadd.f32 v39, v31;
	v28, _, _ =	vpop (xrf2)  }
0x7d: {  	v62 =	vld [tilespmem:s22+$0xE0];
	v40 =	vadd.f32 v40, v18;
	v3 =	vsel vm1, $0x3F000000, v0;
	v28 =	vperm.xlane v28, v4  }
0x7e: {  	v57 =	vld [tilespmem:s22+$0xC0];
	v43 =	vsel vm14, $0x3F000000, v0;
	v41 =	vadd.f32 v41, v52;
	v44 =	vadd.f32 v44, v10  }
0x7f: {  	v58 =	vld [tilespmem:s22+$0x480];
	v48 =	vadd.f32 v48, v17;
	v4 =	vadd.f32 v2, v25;
	vm11 =	vgt.f32 v28, $6.400000000e+01  }
0x80: {  	v63 =	vld [tilespmem:s22+$0xF0];
	v34 =	vsel vm11, v32, v7;
	v7 =	vadd.f32 v42, v36;
	v1 =	vsel vm11, v47, v5  }
0x81: {  	v42 =	vadd.f32 v3, v53;
	v33 =	vsel vm11, v33, v6;
	v6 =	vadd.f32 v43, v54;
	v43 =	vld [tilespmem:s22+$0xD0];
	[tilespmem:$0x1FF20] =	vst v1  }
0x82: {  	v35 =	vsel vm11, v35, v59;
	v59 =	vadd.f32 v8, v14;
	v51 =	vsel vm11, v51, v16;
	v8 =	vld [tilespmem:s22+$0x80]  }
0x83: {  	v38 =	vsel vm11, v38, v15;
	v50 =	vsel vm11, v45, v24;
	v55 =	vsel vm11, v4, v25;
	v2 =	vld [tilespmem:s22+$0x90]  }
0x84: {  	v3 =	vadd.f32 $1.258291200e+07, v58;
	v4 =	vadd.f32 $1.258291200e+07, v62;
	v5 =	vsel vm11, v39, v31;
	v1 =	vld [tilespmem:s22+$0xA0]  }
0x85: {  	v15 =	vadd.f32 $1.258291200e+07, v61;
	v16 =	vadd.f32 $1.258291200e+07, v57;
	v24 =	vld [tilespmem:s22+$0xB0];
	[tilespmem:$0x1FF30] =	vst v5;
	v5 =	vsel vm11, v40, v18  }
0x86: {  	v25 =	vadd.f32 $1.258291200e+07, v63;
	v3 =	vadd.f32 $-1.258291200e+07, v3;
	[tilespmem:$0x1FF40] =	vst v5;
	v5 =	vsel vm11, v41, v52  }
0x87: {  	[tilespmem:$0x1FF50] =	vst v5;
	v5 =	vsel vm11, v7, v36;
	v7 =	vadd.f32 $-1.258291200e+07, v4;
	v4 =	vsel vm11, v42, v53  }
0x88: {  	v37 =	vsel vm11, v37, v26;
	v18 =	vadd.f32 $1.258291200e+07, v43;
	[tilespmem:$0x1FF70] =	vst v4;
	v4 =	vadd.f32 $-1.258291200e+07, v15  }
0x89: {  	v6 =	vsel vm11, v6, v54;
	[tilespmem:$0x1FF60] =	vst v5;
	v5 =	vadd.f32 $-1.258291200e+07, v16;
	v26 =	vadd.f32 $1.258291200e+07, v8  }
0x8a: {  	v56 =	vsel vm11, v56, v29;
	v29 =	vadd.f32 $1.258291200e+07, v2;
	v31 =	vadd.f32 $1.258291200e+07, v1  }
0x8b: {  	[tilespmem:$0x1FF90] =	vst v9;
	v47 =	vadd.f32 $1.258291200e+07, v24;
	v15 =	vadd.f32 $-1.258291200e+07, v26  }
0x8c: {  	v59 =	vsel vm15, v59, v14;
	[tilespmem:$0x1FF80] =	vst v6;
	v6 =	vmovc v4;
	v4 =	vadd.f32 $-1.258291200e+07, v25;
	v14 =	vadd.f32 $-1.258291200e+07, v31  }
0x8d: {  	v9 =	vadd.f32 $-1.258291200e+07, v18;
	v16 =	vadd.f32 $-1.258291200e+07, v29;
	[tilespmem:$0x1FE70] =	vst v15  }
0x8e: {  	v13 =	vadd.f32 $-1.258291200e+07, v47;
	v27 =	vsub.f32 v8, v15;
	v8 =	vsel vm15, v44, v10;
	[tilespmem:$0x1FE80] =	vst v14  }
0x8f: {  	v32 =	vsub.f32 v57, v5;
	v28 =	vsub.f32 v1, v14;
	[tilespmem:$0x1FFA0] =	vst v8  }
0x90: {  	v26 =	vsub.f32 v2, v16;
	v30 =	vsub.f32 v24, v13;
	v24 =	vld [tilespmem:s22+$0x4A0];
	[tilespmem:$0x1FE90] =	vst v5  }
0x91: {  	v31 =	vsub.f32 v43, v9;
	v8 =	vand.u32 $0x7FFFFFFF, v27;
	[tilespmem:$0x1FEA0] =	vst v9;
	v9 =	vand.u32 $0x7FFFFFFF, v28  }
0x92: {  	v29 =	vand.u32 $0x7FFFFFFF, v26;
	v52 =	vand.u32 $0x7FFFFFFF, v30;
	v1 =	vadd.f32 v9, v8;
	v40 =	vld [tilespmem:s22+$0x4B0]  }
0x93: {  	v43 =	vsub.f32 v62, v7;
	v9 =	vadd.f32 v52, v29;
	v29 =	vand.u32 $0x7FFFFFFF, v32;
	v36 =	vld [tilespmem:s22+$0x4C0]  }
0x94: {  	v57 =	vsub.f32 v63, v4;
	v53 =	vand.u32 $0x7FFFFFFF, v31;
	[tilespmem:$0x1FEB0] =	vst v3;
	v1 =	vadd.f32 v29, v1  }
0x95: {  	v62 =	vsub.f32 v58, v3;
	v41 =	vld [tilespmem:s22+$0x4D0];
	v9 =	vadd.f32 v53, v9;
	v29 =	vand.u32 $0x7FFFFFFF, v43  }
0x96: {  	v63 =	vsub.f32 v61, v6;
	v1 =	vadd.f32 v29, v1;
	v29 =	vand.u32 $0x7FFFFFFF, v57  }
0x97: {  	v58 =	vsel vm15, v48, v17;
	v54 =	vadd.f32 $1.258291200e+07, v24;
	v29 =	vadd.f32 v29, v9  }
0x98: {  	v9 =	vand.u32 $0x7FFFFFFF, v62;
	v17 =	vadd.f32 $1.258291200e+07, v40;
	v61 =	vadd.f32 $1.258291200e+07, v36  }
0x99: {  	v39 =	vand.u32 $0x7FFFFFFF, v63;
	v44 =	vadd.f32 v9, v1;
	v10 =	vadd.f32 $-1.258291200e+07, v54  }
0x9a: {  	v53 =	vsel vm15, v11, v20;
	v11 =	vadd.f32 $1.258291200e+07, v41;
	v5 =	vadd.f32 $-1.258291200e+07, v17  }
0x9b: {  	v52 =	vsel vm15, v49, v19;
	v19 =	vld [tilespmem:s22+$0x4E0];
	v17 =	vadd.f32 v39, v29;
	v1 =	vadd.f32 $-1.258291200e+07, v61  }
0x9c: {  	v25 =	vsub.f32 v24, v10;
	v24 =	vsel vm8, $0x3F000000, v0;
	v48 =	vsub.f32 v40, v5;
	v40 =	vld [tilespmem:s22+$0x4F0]  }
0x9d: {  	v54 =	vsel vm15, v12, v21;
	v14 =	vadd.f32 $-1.258291200e+07, v11;
	v12 =	vadd.f32 v24, v22  }
0x9e: {  	v49 =	vsub.f32 v36, v1;
	v11 =	vand.u32 $0x7FFFFFFF, v25;
	v21 =	vand.u32 $0x7FFFFFFF, v48  }
0x9f: {  	v61 =	vsel vm15, v12, v22;
	v11 =	vadd.f32 v11, v44;
	v44 =	vsub.f32 v41, v14  }
0xa0: {  	v12 =	vadd.f32 v21, v17;
	v17 =	vadd.f32 $1.258291200e+07, v19;
	v21 =	vand.u32 $0x7FFFFFFF, v49  }
0xa1: {  	v3 =	vld [tilespmem:$0x1FEF0];
	v29 =	vadd.f32 v21, v11;
	v21 =	vsel vm7, $0x3F000000, v0;
	v22 =	vadd.f32 $1.258291200e+07, v40  }
0xa2: {  	v46 =	vsel vm5, $0x3F000000, v0;
	v8 =	vmov v4;
	v4 =	vld [tilespmem:$0x1FED0];
	v21 =	vadd.f32 v21, v23  }
0xa3: {  	v9 =	vld [tilespmem:$0x1FEE0];
	[tilespmem:$0x1FEC0] =	vst v1;
	v24 =	vand.u32 $0x7FFFFFFF, v44;
	v17 =	vadd.f32 $-1.258291200e+07, v17;
	v36 =	vadd.f32 $-1.258291200e+07, v22  }
0xa4: {  	v45 =	vsel vm4, $0x3F000000, v0;
	v41 =	vld [tilespmem:s22+$0x10];
	v20 =	vadd.f32 v24, v12;
	v22 =	vsel vm6, $0x3F000000, v0  }
0xa5: {  	v47 =	vsel vm15, v21, v23;
	v19 =	vsub.f32 v19, v17;
	v23 =	vld [tilespmem:s22+$0x0];
	v24 =	vsub.f32 v40, v36  }
0xa6: {  	v11 =	vadd.f32 v46, v3;
	v12 =	vld [tilespmem:s22+$0x20];
	v21 =	vadd.f32 v22, v60;
	v22 =	vsel vm2, $0x3F000000, v0  }
0xa7: {  	v18 =	vld [tilespmem:s22+$0x30];
	v22 =	vadd.f32 v22, v4;
	v1 =	vand.u32 $0x7FFFFFFF, v19;
	v2 =	vand.u32 $0x7FFFFFFF, v24  }
0xa8: {  	vm4 =	vge.f32 v25, $0.0e+00;
	v1 =	vadd.f32 v1, v29;
	v20 =	vadd.f32 v2, v20  }
0xa9: {  	v40 =	vadd.f32 v45, v9;
	vm1 =	vge.f32 v19, $0.0e+00;
	v46 =	vsel vm15, v22, v4  }
0xaa: {  	v4 =	vsel vm15, v11, v3;
	v11 =	vadd.f32 $1.258291200e+07, v23;
	v1 =	vadd.f32 v20, v1  }
0xab: {  	v45 =	vsel vm15, v21, v60;
	v19 =	vadd.f32 $1.258291200e+07, v12;
	v21 =	vadd.f32 $1.258291200e+07, v41  }
0xac: {  	vm7 =	vge.f32 v30, $0.0e+00;
	v30 =	vld [tilespmem:s22+$0x60];
	v25 =	vadd.f32 $1.258291200e+07, v18;
	v22 =	vadd.f32 $-1.258291200e+07, v11;
	(xrf2) =	vadd.scan.msk.f32 $0xffff, v1  }
0xad: {  	v21 =	vadd.f32 $-1.258291200e+07, v21;
	v20 =	vadd.f32 $-1.258291200e+07, v19;
	v1 =	vld [tilespmem:s22+$0x40]  }
0xae: {  	v19 =	vadd.f32 $-1.258291200e+07, v25;
	v11 =	vsub.f32 v23, v22  }
0xaf: {  	vm6 =	vge.f32 v28, $0.0e+00;
	v12 =	vsub.f32 v12, v20  }
0xb0: {  	v28 =	vsub.f32 v41, v21;
	v41 =	vsub.f32 v18, v19;
	v18 =	vand.u32 $0x7FFFFFFF, v11  }
0xb1: {  	v23 =	vand.u32 $0x7FFFFFFF, v12;
	vm0 =	vge.f32 v11, $0.0e+00;
	v11 =	vadd.f32 $1.258291200e+07, v30  }
0xb2: {  	vm9 =	vge.f32 v32, $0.0e+00;
	v32 =	vadd.f32 v23, v18;
	v18 =	vadd.f32 $1.258291200e+07, v1  }
0xb3: {  	v42 =	vsel vm3, $0x3F000000, v0;
	v25 =	vand.u32 $0x7FFFFFFF, v41;
	v23 =	vand.u32 $0x7FFFFFFF, v28  }
0xb4: {  	vm11 =	vge.f32 v57, $0.0e+00;
	v57 =	vadd.f32 v25, v23;
	v25 =	vadd.f32 $-1.258291200e+07, v18  }
0xb5: {  	vm5 =	vge.f32 v43, $0.0e+00;
	vm13 =	vge.f32 v26, $0.0e+00;
	vm8 =	vge.f32 v31, $0.0e+00  }
0xb6: {  	v31 =	vld [tilespmem:s22+$0x70];
	v26 =	vadd.f32 $-1.258291200e+07, v11;
	v29 =	vsub.f32 v1, v25;
	v1 =	vimm.s32 $0xF;
	v11, _, _ =	vpop (xrf2)  }
0xb7: {  	vm10 =	vge.f32 v62, $0.0e+00;
	v62 =	vld [tilespmem:s22+$0x400];
	vm3 =	vge.f32 v24, $0.0e+00;
	v11 =	vperm.xlane v11, v1  }
0xb8: {  	vm12 =	vge.f32 v63, $0.0e+00;
	v43 =	vld [tilespmem:s22+$0x410];
	v63 =	vsub.f32 v30, v26;
	v30 =	vsel vm3, $0x3F000000, v0  }
0xb9: {  	vm2 =	vge.f32 v27, $0.0e+00;
	v27 =	vld [tilespmem:s22+$0x50];
	vm14 =	vgt.f32 v11, $6.400000000e+01;
	v11 =	vadd.f32 v30, v36  }
0xba: {  	v2 =	vld [tilespmem:s22+$0x430]  }
0xbb: {  	v1 =	vld [tilespmem:s22+$0x420];
	v3 =	vsel vm14, v11, v36  }
0xbc: {  	[tilespmem:$0x1FFC0] =	vst v3;
	v3 =	vld [tilespmem:$0x1FF00];
	_ =	sdelay $0x4  }
0xbd: {  	vm3 =	vnez.u8 v3  }
0xbe: {  	v3 =	vsel vm3, $0x3F000000, v0  }
0xbf: {  	[tilespmem:$0x1FFE0] =	vst v3;
	v3 =	vld [tilespmem:$0x1FF10];
	_ =	sdelay $0x1  }
0xc0: {  	[tilespmem:s21+$0x8000] =	vst v34  }
0xc1: {  	[tilespmem:s21+$0x8010] =	vst v33  }
0xc2: {  	[tilespmem:s21+$0x8020] =	vst v35  }
0xc3: {  	[tilespmem:s21+$0x84F0] =	vst v3  }
0xc4: {  	v3 =	vld [tilespmem:$0x1FF20];
	[tilespmem:s21+$0x8040] =	vst v51  }
0xc5: {  	[tilespmem:s21+$0x8050] =	vst v38  }
0xc6: {  	[tilespmem:s21+$0x8060] =	vst v50  }
0xc7: {  	[tilespmem:s21+$0x8070] =	vst v55  }
0xc8: {  	[tilespmem:s21+$0x8400] =	vst v37  }
0xc9: {  	[tilespmem:s21+$0x8410] =	vst v56  }
0xca: {  	[tilespmem:s21+$0x8030] =	vst v3  }
0xcb: {  	v3 =	vld [tilespmem:$0x1FF30]  }
0xcc: {  	v23 =	vadd.f32 $1.258291200e+07, v27;
	_ =	sdelay $0x1  }
0xcd: {  	v39 =	vadd.f32 $1.258291200e+07, v31;
	v23 =	vadd.f32 $-1.258291200e+07, v23;
	_ =	sdelay $0x1  }
0xce: {  	v24 =	vadd.f32 $-1.258291200e+07, v39;
	v60 =	vsub.f32 v27, v23;
	[tilespmem:s21+$0x8420] =	vst v3  }
0xcf: {  	v27 =	vand.u32 $0x7FFFFFFF, v29;
	v3 =	vld [tilespmem:$0x1FF40]  }
0xd0: {  	v39 =	vsub.f32 v31, v24;
	v27 =	vadd.f32 v27, v32;
	v30 =	vand.u32 $0x7FFFFFFF, v60  }
0xd1: {  	v9 =	vsel vm15, v40, v9;
	v31 =	vand.u32 $0x7FFFFFFF, v63;
	v30 =	vadd.f32 v30, v57  }
0xd2: {  	v36 =	vadd.f32 v31, v27;
	v27 =	vadd.f32 $1.258291200e+07, v62;
	v31 =	vand.u32 $0x7FFFFFFF, v39  }
0xd3: {  	v57 =	vadd.f32 v31, v30;
	vm3 =	vge.f32 v28, $0.0e+00;
	v28 =	vadd.f32 $1.258291200e+07, v43  }
0xd4: {  	v40 =	vadd.f32 $1.258291200e+07, v1;
	v31 =	vadd.f32 $-1.258291200e+07, v27;
	v27 =	vsel vm2, $0x3F000000, v0;
	[tilespmem:s21+$0x8430] =	vst v3  }
0xd5: {  	vm2 =	vge.f32 v12, $0.0e+00;
	v12 =	vadd.f32 $1.258291200e+07, v2;
	v30 =	vadd.f32 $-1.258291200e+07, v28;
	v3 =	vld [tilespmem:$0x1FF50]  }
0xd6: {  	v15 =	vadd.f32 $-1.258291200e+07, v40;
	v62 =	vsub.f32 v62, v31;
	v28 =	vsel vm13, $0x3F000000, v0  }
0xd7: {  	v11 =	vld [tilespmem:s22+$0x440];
	vm13 =	vge.f32 v41, $0.0e+00;
	v33 =	vadd.f32 $-1.258291200e+07, v12;
	v41 =	vsub.f32 v43, v30  }
0xd8: {  	v12 =	vsub.f32 v1, v15;
	v1 =	vld [tilespmem:s22+$0x460]  }
0xd9: {  	v18 =	vld [tilespmem:s22+$0x450];
	v43 =	vand.u32 $0x7FFFFFFF, v62;
	v2 =	vsub.f32 v2, v33;
	v38 =	vand.u32 $0x7FFFFFFF, v41  }
0xda: {  	v36 =	vadd.f32 v43, v36;
	v43 =	vld [tilespmem:s22+$0x470];
	v40 =	vadd.f32 v38, v57;
	[tilespmem:s21+$0x8440] =	vst v3;
	v3 =	vsel vm2, $0x3F000000, v0  }
0xdb: {  	v55 =	vand.u32 $0x7FFFFFFF, v2;
	[tilespmem:$0x1FFF0] =	vst v3;
	v3 =	vld [tilespmem:$0x1FF60]  }
0xdc: {  	v57 =	vadd.f32 v55, v40  }
0xdd: {  	v40 =	vsel vm0, $0x3F000000, v0;
	vm0 =	vge.f32 v29, $0.0e+00;
	v29 =	vadd.f32 $1.258291200e+07, v1;
	_ =	sdelay $0x1  }
0xde: {  	v38 =	vadd.f32 $-1.258291200e+07, v29  }
0xdf: {  	[tilespmem:s21+$0x8450] =	vst v3  }
0xe0: {  	v29 =	vsub.f32 v1, v38;
	v1 =	vld [tilespmem:$0x1FF70];
	_ =	sdelay $0x4  }
0xe1: {  	[tilespmem:s21+$0x8460] =	vst v1  }
0xe2: {  	v3 =	vld [tilespmem:$0x1FF80];
	_ =	sdelay $0x2  }
0xe3: {  	v35 =	vadd.f32 $1.258291200e+07, v18  }
0xe4: {  	[tilespmem:s21+$0x8080] =	vst v59  }
0xe5: {  	v35 =	vadd.f32 $-1.258291200e+07, v35;
	v55 =	vadd.f32 $1.258291200e+07, v43;
	[tilespmem:s21+$0x8470] =	vst v3  }
0xe6: {  	v3 =	vld [tilespmem:$0x1FF90]  }
0xe7: {  	v18 =	vsub.f32 v18, v35;
	v37 =	vadd.f32 $-1.258291200e+07, v55;
	_ =	sdelay $0x1  }
0xe8: {  	v43 =	vsub.f32 v43, v37;
	v1 =	vand.u32 $0x7FFFFFFF, v18  }
0xe9: {  	v1 =	vadd.f32 v1, v57  }
0xea: {  	v32 =	vsel vm3, $0x3F000000, v0;
	vm3 =	vge.f32 v60, $0.0e+00;
	v59 =	vand.u32 $0x7FFFFFFF, v43;
	[tilespmem:s21+$0x8090] =	vst v3  }
0xeb: {  	v60 =	vsel vm3, $0x3F000000, v0;
	vm3 =	vge.f32 v41, $0.0e+00;
	v41 =	vadd.f32 v59, v1;
	v1 =	vld [tilespmem:$0x1FFA0];
	[tilespmem:s21+$0x80B0] =	vst v58  }
0xec: {  	[tilespmem:s21+$0x80C0] =	vst v52  }
0xed: {  	[tilespmem:s21+$0x80D0] =	vst v53  }
0xee: {  	[tilespmem:s21+$0x80E0] =	vst v54  }
0xef: {  	[tilespmem:s21+$0x80F0] =	vst v61  }
0xf0: {  	[tilespmem:s21+$0x8480] =	vst v47  }
0xf1: {  	[tilespmem:s21+$0x8490] =	vst v45  }
0xf2: {  	[tilespmem:s21+$0x84A0] =	vst v46  }
0xf3: {  	[tilespmem:s21+$0x80A0] =	vst v1  }
0xf4: {  	v3 =	vld [tilespmem:$0x1FFB0];
	_ =	sdelay $0x1  }
0xf5: {  	v51 =	vadd.f32 $1.258291200e+07, v11  }
0xf6: {  	v50 =	vsel vm13, $0x3F000000, v0;
	vm13 =	vge.f32 v39, $0.0e+00  }
0xf7: {  	v39 =	vsel vm13, $0x3F000000, v0;
	v34 =	vadd.f32 $-1.258291200e+07, v51  }
0xf8: {  	vm13 =	vge.f32 v2, $0.0e+00;
	v51 =	vand.u32 $0x7FFFFFFF, v12;
	[tilespmem:s21+$0x84B0] =	vst v9;
	v2 =	vadd.f32 v42, v3  }
0xf9: {  	v36 =	vadd.f32 v51, v36;
	v11 =	vsub.f32 v11, v34;
	vm2 =	vge.f32 v63, $0.0e+00;
	[tilespmem:s21+$0x84C0] =	vst v4  }
0xfa: {  	v1 =	vsel vm2, $0x3F000000, v0;
	vm2 =	vge.f32 v12, $0.0e+00;
	v12 =	vsel vm15, v2, v3;
	v2 =	vld [tilespmem:$0x1FFC0]  }
0xfb: {  	v56 =	vand.u32 $0x7FFFFFFF, v11  }
0xfc: {  	v36 =	vadd.f32 v56, v36  }
0xfd: {  	v57 =	vand.u32 $0x7FFFFFFF, v29  }
0xfe: {  	v36 =	vadd.f32 v57, v36  }
0xff: {  	v51 =	vsel vm0, $0x3F000000, v0;
	vm0 =	vge.f32 v62, $0.0e+00;
	[tilespmem:s22+$0x84F0] =	vst v2  }
0x100: {  	v59 =	vsel vm0, $0x3F000000, v0;
	vm0 =	vge.f32 v11, $0.0e+00;
	v11 =	vadd.f32 v41, v36;
	v2 =	vld [tilespmem:$0x1FFD0]  }
0x101: {  	v3 =	vld [tilespmem:$0x1FFE0]  }
0x102: {  	v55 =	vsel vm13, $0x3F000000, v0;
	v56 =	vsel vm0, $0x3F000000, v0;
	(xrf2) =	vadd.scan.msk.f32 $0xffff, v11;
	v11 =	vadd.f32 v32, v21  }
0x103: {  	v58 =	vsel vm3, $0x3F000000, v0;
	vm3 =	vge.f32 v18, $0.0e+00;
	v54 =	vsel vm6, $0x3F000000, v0  }
0x104: {  	v52 =	vsel vm7, $0x3F000000, v0;
	v53 =	vsel vm9, $0x3F000000, v0;
	vm9 =	vge.f32 v44, $0.0e+00  }
0x105: {  	v47 =	vsel vm11, $0x3F000000, v0;
	v46 =	vsel vm10, $0x3F000000, v0;
	v45 =	vsel vm12, $0x3F000000, v0  }
0x106: {  	v63 =	vsel vm3, $0x3F000000, v0;
	vm3 =	vge.f32 v43, $0.0e+00;
	v9 =	vadd.f32 v3, v2;
	v2 =	vld [tilespmem:$0x1FFF0]  }
0x107: {  	v44 =	vsel vm4, $0x3F000000, v0;
	v61 =	vsel vm3, $0x3F000000, v0;
	vm3 =	vge.f32 v49, $0.0e+00  }
0x108: {  	v43 =	vsel vm1, $0x3F000000, v0;
	v49 =	vsel vm8, $0x3F000000, v0;
	v41 =	vsel vm3, $0x3F000000, v0  }
0x109: {  	v57 =	vsel vm2, $0x3F000000, v0;
	vm2 =	vge.f32 v29, $0.0e+00;
	v29 =	vadd.f32 v40, v22  }
0x10a: {  	v40 =	vsel vm9, $0x3F000000, v0;
	v62 =	vsel vm2, $0x3F000000, v0;
	vm2 =	vge.f32 v48, $0.0e+00  }
0x10b: {  	s24 =	simm.s32 $0x200;
	s25 =	simm.s32 $0x400;
	s23 =	simm.s32 $0x2;
	v48 =	vsel vm5, $0x3F000000, v0;
	v42 =	vsel vm2, $0x3F000000, v0;
	v2 =	vadd.f32 v2, v20  }
.LBB2_3:
0x10c: {  	v0 =	vld [tilespmem:$0x1FFD0];
	_ =	sdelay $0x4  }
0x10d: {  	s26 =	sand.u32 $0x3800, s25;
	s28 =	sand.u32 $0x300, s24;
	[tilespmem:s21+$0x84D0] =	vst v12;
	v12 =	vsel vm15, v9, v0  }
0x10e: {  	v32, _, _ =	vpop (xrf2);
	v0 =	vimm.s32 $0xF;
	[tilespmem:s21+$0x84E0] =	vst v12;
	s21 =	smov.u32 s22;
	s22 =	sor.u32 s28, s26  }
0x10f: {  	v36 =	vadd.f32 v50, v19;
	v18 =	vadd.f32 v60, v23;
	v60 =	vperm.xlane v32, v0;
	v50 =	vld [tilespmem:s22+$0x4E0]  }
0x110: {  	v3 =	vadd.f32 v51, v25;
	v1 =	vadd.f32 v1, v26;
	v32 =	vmov v13;
	v13 =	vld [tilespmem:s22+$0x4F0]  }
0x111: {  	v59 =	vadd.f32 v59, v31;
	v4 =	vmovc v17;
	v17 =	vadd.f32 v58, v30;
	v51 =	vld [tilespmem:s22+$0x4C0];
	vm1 =	vgt.f32 v60, $6.400000000e+01  }
0x112: {  	v57 =	vadd.f32 v57, v15;
	v58 =	vadd.f32 v55, v33;
	v55 =	vld [tilespmem:s22+$0x4A0];
	v29 =	vsel vm1, v29, v22  }
0x113: {  	v56 =	vadd.f32 v56, v34;
	v60 =	vadd.f32 v63, v35;
	v63 =	vld [tilespmem:$0x1FE80];
	v2 =	vsel vm1, v2, v20;
	[tilespmem:s21+$0x8000] =	vst v29  }
0x114: {  	v12 =	vadd.f32 v39, v24;
	v0 =	vmovc v5;
	v5 =	vmov v10;
	v10 =	vld [tilespmem:$0x1FE90];
	v1 =	vsel vm1, v1, v26;
	[tilespmem:s21+$0x8020] =	vst v2  }
0x115: {  	v62 =	vadd.f32 v62, v38;
	v28 =	vadd.f32 v28, v16;
	v22 =	vld [tilespmem:s22+$0x4D0];
	v2 =	vsel vm1, v36, v19;
	[tilespmem:s21+$0x8060] =	vst v1  }
0x116: {  	v39 =	vadd.f32 v43, v4;
	v11 =	vsel vm1, v11, v21;
	v20 =	vld [tilespmem:s22+$0x4B0];
	v1 =	vsel vm1, v12, v24;
	[tilespmem:s21+$0x8030] =	vst v2  }
0x117: {  	v21 =	vld [tilespmem:s22+$0xF0];
	v29 =	vadd.f32 v61, v37;
	v2 =	vsel vm1, v3, v25;
	[tilespmem:s21+$0x8070] =	vst v1;
	v1 =	vsel vm1, v59, v31  }
0x118: {  	v61 =	vld [tilespmem:$0x1FE70];
	v3 =	vadd.f32 v52, v32;
	[tilespmem:s21+$0x8400] =	vst v1;
	v1 =	vsel vm1, v17, v30;
	v30 =	vadd.f32 $1.258291200e+07, v51  }
0x119: {  	[tilespmem:$0x1FE60] =	vst v14;
	v19 =	vld [tilespmem:s22+$0x490];
	v31 =	vadd.f32 $1.258291200e+07, v13;
	v36 =	vadd.f32 v54, v63  }
0x11a: {  	v59 =	vld [tilespmem:s22+$0x80];
	[tilespmem:s21+$0x8040] =	vst v2;
	v2 =	vsel vm1, v18, v23;
	v52 =	vadd.f32 v53, v10;
	v53 =	vadd.f32 v48, v7  }
0x11b: {  	vm2 =	vmmov vm14;
	v23 =	vmovc v14;
	v14 =	vld [tilespmem:$0x1FEA0];
	[tilespmem:s21+$0x8050] =	vst v2;
	v2 =	vadd.f32 v47, v8;
	v47 =	vadd.f32 v44, v5  }
0x11c: {  	v9 =	vmovc v8;
	[tilespmem:s21+$0x8010] =	vst v11;
	v18 =	vld [tilespmem:$0x1FEC0];
	v8 =	vmov v7;
	v54 =	vadd.f32 v42, v0;
	v17 =	vadd.f32 v40, v23  }
0x11d: {  	v48 =	vld [tilespmem:s22+$0xE0];
	v7 =	vmovc v6;
	[tilespmem:s21+$0x8410] =	vst v1;
	v1 =	vsel vm1, v57, v15;
	v23 =	vsel vm1, v58, v33;
	v33 =	vadd.f32 $1.258291200e+07, v55  }
0x11e: {  	v6 =	vld [tilespmem:$0x1FEB0];
	v12 =	vadd.f32 v45, v7;
	[tilespmem:s21+$0x8420] =	vst v1;
	v1 =	vsel vm1, v56, v34;
	v34 =	vadd.f32 $1.258291200e+07, v22  }
0x11f: {  	[tilespmem:$0x1FD40] =	vst v13;
	v26 =	vsel vm1, v29, v37;
	v44 =	vld [tilespmem:s22+$0xC0];
	v40 =	vadd.f32 $1.258291200e+07, v20;
	v37 =	vadd.f32 $1.258291200e+07, v21  }
0x120: {  	v57 =	vld [tilespmem:s22+$0x90];
	v3 =	vsel vm2, v3, v32;
	[tilespmem:s21+$0x8430] =	vst v23;
	v32 =	vadd.f32 $-1.258291200e+07, v31;
	v11 =	vadd.f32 v27, v61  }
0x121: {  	v24 =	vsel vm1, v60, v35;
	v58 =	vld [tilespmem:s22+$0xB0];
	[tilespmem:$0x1FE50] =	vst v17;
	v17 =	vadd.f32 $1.258291200e+07, v50;
	v42 =	vadd.f32 $1.258291200e+07, v19  }
0x122: {  	v45 =	vld [tilespmem:s22+$0xD0];
	[tilespmem:s21+$0x8440] =	vst v1;
	v1 =	vsel vm1, v62, v38;
	v13 =	vadd.f32 $-1.258291200e+07, v33;
	v40 =	vadd.f32 $-1.258291200e+07, v40  }
0x123: {  	v2 =	vsel vm2, v2, v9;
	v23 =	vld [tilespmem:s22+$0x0];
	[tilespmem:s21+$0x8450] =	vst v24;
	v9 =	vadd.f32 $-1.258291200e+07, v37;
	v49 =	vadd.f32 v49, v14  }
0x124: {  	v41 =	vadd.f32 v41, v18;
	v24 =	vld [tilespmem:s22+$0x10];
	[tilespmem:s21+$0x8460] =	vst v1;
	v1 =	vsel vm2, v11, v61;
	v11 =	vadd.f32 $1.258291200e+07, v59  }
0x125: {  	v56 =	vld [tilespmem:s22+$0xA0];
	v17 =	vadd.f32 $-1.258291200e+07, v17;
	v46 =	vadd.f32 v46, v6  }
0x126: {  	v15 =	vsel vm2, v28, v16;
	v27 =	vld [tilespmem:s22+$0x480];
	v38 =	vadd.f32 $1.258291200e+07, v48;
	v29 =	vadd.f32 $1.258291200e+07, v44  }
0x127: {  	[tilespmem:s21+$0x8090] =	vst v15;
	v16 =	vadd.f32 $1.258291200e+07, v57;
	v62 =	vadd.f32 $1.258291200e+07, v58  }
0x128: {  	[tilespmem:s21+$0x8080] =	vst v1;
	v1 =	vsel vm2, v36, v63;
	v63 =	vadd.f32 $-1.258291200e+07, v30;
	v36 =	vadd.f32 $-1.258291200e+07, v34  }
0x129: {  	[tilespmem:s21+$0x80F0] =	vst v2;
	v2 =	vsel vm2, v12, v7;
	v21 =	vsub.f32 v21, v9;
	v60 =	vadd.f32 $1.258291200e+07, v45  }
0x12a: {  	[tilespmem:s21+$0x80B0] =	vst v3;
	v61 =	vadd.f32 $1.258291200e+07, v56;
	v3 =	vsel vm2, v49, v14;
	v14 =	vadd.f32 $-1.258291200e+07, v42  }
0x12b: {  	[tilespmem:s21+$0x80A0] =	vst v1;
	v1 =	vsel vm2, v52, v10;
	v15 =	vadd.f32 $-1.258291200e+07, v11;
	v35 =	vadd.f32 $1.258291200e+07, v27  }
0x12c: {  	[tilespmem:s21+$0x80C0] =	vst v1;
	v1 =	vsel vm2, v53, v8;
	v8 =	vadd.f32 $-1.258291200e+07, v38;
	v49 =	vadd.f32 $-1.258291200e+07, v29  }
0x12d: {  	[tilespmem:s21+$0x80D0] =	vst v3;
	v16 =	vadd.f32 $-1.258291200e+07, v16;
	v3 =	vsub.f32 v50, v17  }
0x12e: {  	[tilespmem:s21+$0x8490] =	vst v2;
	v12 =	vsub.f32 v51, v63;
	v2 =	vmovc v63;
	v52 =	vsub.f32 v22, v36;
	vm11 =	vge.f32 v21, $0.0e+00  }
0x12f: {  	[tilespmem:s21+$0x80E0] =	vst v1;
	v1 =	vsel vm2, v46, v6;
	v60 =	vadd.f32 $-1.258291200e+07, v60;
	v6 =	vmovc v14;
	v14 =	vsel vm2, v54, v0  }
0x130: {  	v25 =	vld [tilespmem:s22+$0x20];
	v0 =	vimm.f32 $-5.000000000e-01;
	[tilespmem:$0x1FEC0] =	vst v2;
	v2 =	vsub.f32 v59, v15;
	v10 =	vadd.f32 $-1.258291200e+07, v35  }
0x131: {  	v7 =	vmovc v8;
	v8 =	vadd.f32 $-1.258291200e+07, v61;
	[tilespmem:s21+$0x8480] =	vst v1;
	v1 =	vsel vm2, v47, v5;
	v54 =	vsub.f32 v57, v16  }
0x132: {  	vm0 =	vge.f32 v3, $0.0e+00;
	v44 =	vsub.f32 v44, v49;
	v19 =	vsub.f32 v19, v6  }
0x133: {  	v5 =	vmovc v40;
	[tilespmem:s21+$0x84B0] =	vst v14;
	v22 =	vand.u32 $0x7FFFFFFF, v52;
	v3 =	vand.u32 $0x7FFFFFFF, v3;
	v14 =	vimm.s32 $0xF  }
0x134: {  	[tilespmem:s21+$0x84A0] =	vst v1;
	v1 =	vsel vm2, v41, v18;
	v29 =	vsub.f32 v48, v7;
	v45 =	vsub.f32 v45, v60  }
0x135: {  	vm1 =	vge.f32 v2, $0.0e+00;
	v20 =	vsub.f32 v20, v5;
	v53 =	vadd.f32 $1.258291200e+07, v25  }
0x136: {  	[tilespmem:s21+$0x84C0] =	vst v1;
	v1 =	vsub.f32 v56, v8;
	v56 =	vand.u32 $0x7FFFFFFF, v2;
	v57 =	vand.u32 $0x7FFFFFFF, v54  }
0x137: {  	[tilespmem:$0x1FFD0] =	vst v4;
	v4 =	vmovc v10;
	v61 =	vand.u32 $0x7FFFFFFF, v44;
	v51 =	vand.u32 $0x7FFFFFFF, v19;
	vm9 =	vge.f32 v44, $0.0e+00  }
0x138: {  	[tilespmem:$0x1FEB0] =	vst v4;
	v27 =	vsub.f32 v27, v4;
	v4 =	vimm.s32 $0x0;
	vm7 =	vge.f32 v29, $0.0e+00  }
0x139: {  	[tilespmem:s21+$0x8470] =	vst v26;
	v29 =	vand.u32 $0x7FFFFFFF, v29;
	vm10 =	vge.f32 v45, $0.0e+00;
	v10 =	vmovc v13;
	v13 =	vadd.f32 $-1.258291200e+07, v62  }
0x13a: {  	[tilespmem:$0x1FE80] =	vst v8;
	v4 =	vsel vm0, $0xFFFFFFFF, v4;
	v62 =	vand.u32 $0x7FFFFFFF, v45;
	v8 =	vmovc v9;
	v9 =	vmovc v39;
	v39 =	vand.u32 $0x7FFFFFFF, v21  }
0x13b: {  	v33 =	vld [tilespmem:s22+$0x400];
	vm3 =	vge.f32 v1, $0.0e+00;
	v11 =	vsub.f32 v55, v10;
	[tilespmem:$0x1FE40] =	vst v4;
	v4 =	vimm.s32 $0x0  }
0x13c: {  	v42 =	vld [tilespmem:s22+$0x410];
	v55 =	vsub.f32 v58, v13;
	v58 =	vand.u32 $0x7FFFFFFF, v1;
	v1 =	vimm.s32 $0x0  }
0x13d: {  	v28 =	vld [tilespmem:s22+$0x30];
	vm6 =	vge.f32 v11, $0.0e+00;
	v2 =	vadd.f32 v58, v56;
	v1 =	vsel vm3, $0xFFFFFFFF, v1  }
0x13e: {  	v34 =	vld [tilespmem:s22+$0x420];
	v11 =	vand.u32 $0x7FFFFFFF, v11;
	v4 =	vsel vm6, $0xFFFFFFFF, v4;
	v59 =	vand.u32 $0x7FFFFFFF, v55  }
0x13f: {  	[tilespmem:$0x1FEA0] =	vst v60;
	vm8 =	vge.f32 v55, $0.0e+00;
	vm6 =	vge.f32 v27, $0.0e+00;
	v60 =	vadd.f32 v59, v57  }
0x140: {  	[tilespmem:$0x1FE00] =	vst v4;
	v4 =	vimm.s32 $0x0;
	v2 =	vadd.f32 v61, v2;
	v57 =	vadd.f32 $1.258291200e+07, v33  }
0x141: {  	v59 =	vadd.f32 $1.258291200e+07, v42;
	v4 =	vsel vm7, $0xFFFFFFFF, v4;
	vm7 =	vge.f32 v19, $0.0e+00  }
0x142: {  	[tilespmem:$0x1FD80] =	vst v1;
	v63 =	vadd.f32 v62, v60;
	v1 =	vadd.f32 v29, v2;
	v29 =	vand.u32 $0x7FFFFFFF, v27  }
0x143: {  	[tilespmem:$0x1FDC0] =	vst v4;
	v4 =	vimm.s32 $0x0;
	v27 =	vadd.f32 $1.258291200e+07, v28;
	v62 =	vadd.f32 $1.258291200e+07, v34  }
0x144: {  	v4 =	vsel vm8, $0xFFFFFFFF, v4;
	vm8 =	vge.f32 v20, $0.0e+00;
	v2 =	vadd.f32 v39, v63  }
0x145: {  	[tilespmem:$0x1FD90] =	vst v4;
	v1 =	vadd.f32 v29, v1;
	v29 =	vand.u32 $0x7FFFFFFF, v20;
	v4 =	vimm.s32 $0x0  }
0x146: {  	[tilespmem:$0x1FE70] =	vst v15;
	v20 =	vadd.f32 $-1.258291200e+07, v53;
	v19 =	vadd.f32 $-1.258291200e+07, v27;
	v4 =	vsel vm9, $0xFFFFFFFF, v4  }
0x147: {  	v15 =	vadd.f32 $-1.258291200e+07, v62;
	vm9 =	vge.f32 v12, $0.0e+00;
	[tilespmem:$0x1FDA0] =	vst v4;
	v1 =	vadd.f32 v11, v1;
	v4 =	vld [tilespmem:$0x1FD40]  }
0x148: {  	v2 =	vadd.f32 v51, v2;
	v11 =	vand.u32 $0x7FFFFFFF, v12;
	v12 =	vsub.f32 v25, v20  }
0x149: {  	vm0 =	vge.f32 v54, $0.0e+00;
	v39 =	vsub.f32 v28, v19;
	v1 =	vadd.f32 v11, v1  }
0x14a: {  	v2 =	vadd.f32 v29, v2;
	v11 =	vadd.f32 $1.258291200e+07, v23;
	v55 =	vand.u32 $0x7FFFFFFF, v12  }
0x14b: {  	v56 =	vand.u32 $0x7FFFFFFF, v39;
	v1 =	vadd.f32 v3, v1;
	v3 =	vadd.f32 $1.258291200e+07, v24  }
0x14c: {  	v31 =	vld [tilespmem:s22+$0x70];
	v2 =	vadd.f32 v22, v2;
	v29 =	vsub.f32 v4, v32;
	v4 =	vimm.s32 $0x0  }
0x14d: {  	v4 =	vsel vm10, $0xFFFFFFFF, v4;
	v21 =	vadd.f32 $-1.258291200e+07, v3;
	vm10 =	vge.f32 v52, $0.0e+00  }
0x14e: {  	v3 =	vimm.s32 $0x0;
	[tilespmem:$0x1FDB0] =	vst v4;
	v22 =	vand.u32 $0x7FFFFFFF, v29;
	v4 =	vimm.s32 $0x0  }
0x14f: {  	v3 =	vsel vm10, $0xFFFFFFFF, v3;
	vm4 =	vge.f32 v29, $0.0e+00;
	v2 =	vadd.f32 v22, v2  }
0x150: {  	v26 =	vld [tilespmem:s22+$0x40];
	v4 =	vsel vm11, $0xFFFFFFFF, v4;
	v22 =	vadd.f32 $-1.258291200e+07, v11;
	v11 =	vsub.f32 v24, v21  }
0x151: {  	v43 =	vld [tilespmem:s22+$0x50];
	v24 =	vadd.f32 $1.258291200e+07, v31;
	[tilespmem:$0x1FDD0] =	vst v4;
	v4 =	vimm.s32 $0x0;
	v1 =	vadd.f32 v2, v1  }
0x152: {  	v40 =	vld [tilespmem:s22+$0x460];
	[tilespmem:$0x1FE30] =	vst v3;
	v4 =	vsel vm6, $0xFFFFFFFF, v4;
	v2 =	vimm.s32 $0x0;
	v3 =	vsub.f32 v23, v22  }
0x153: {  	v24 =	vadd.f32 $-1.258291200e+07, v24;
	vm6 =	vge.f32 v12, $0.0e+00;
	v12 =	vimm.s32 $0x0;
	(xrf2) =	vadd.scan.msk.f32 $0xffff, v1  }
0x154: {  	v30 =	vld [tilespmem:s22+$0x60];
	[tilespmem:$0x1FE90] =	vst v49;
	vm5 =	vge.f32 v11, $0.0e+00;
	v2 =	vsel vm8, $0xFFFFFFFF, v2;
	v12 =	vsel vm6, $0xFFFFFFFF, v12  }
0x155: {  	v38 =	vld [tilespmem:s22+$0x450];
	[tilespmem:$0x1FE10] =	vst v2;
	v2 =	vimm.s32 $0x0;
	v1 =	vadd.f32 $1.258291200e+07, v26;
	v49 =	vsub.f32 v31, v24  }
0x156: {  	v31 =	vadd.f32 $-1.258291200e+07, v57;
	[tilespmem:$0x1FD70] =	vst v12;
	v12 =	vsub.f32 v34, v15;
	v2 =	vsel vm9, $0xFFFFFFFF, v2  }
0x157: {  	v54 =	vand.u32 $0x7FFFFFFF, v3;
	v57 =	vadd.f32 $1.258291200e+07, v40;
	[tilespmem:$0x1FE20] =	vst v2;
	v2 =	vadd.f32 $1.258291200e+07, v43  }
0x158: {  	vm11 =	vge.f32 v3, $0.0e+00;
	v44 =	vadd.f32 v55, v54;
	v25 =	vadd.f32 $-1.258291200e+07, v1  }
0x159: {  	v3 =	vimm.s32 $0x0;
	v23 =	vadd.f32 $-1.258291200e+07, v2;
	v2 =	vadd.f32 $1.258291200e+07, v30  }
0x15a: {  	v3 =	vsel vm11, $0xFFFFFFFF, v3;
	v55 =	vadd.f32 $1.258291200e+07, v38;
	v47 =	vsub.f32 v26, v25  }
0x15b: {  	v35 =	vld [tilespmem:s22+$0x430];
	v1 =	vand.u32 $0x7FFFFFFF, v11;
	v52 =	vsub.f32 v33, v31;
	v26 =	vadd.f32 $-1.258291200e+07, v2  }
0x15c: {  	v41 =	vld [tilespmem:s22+$0x470];
	[tilespmem:$0x1FD50] =	vst v3;
	v1 =	vadd.f32 v56, v1;
	v3 =	vsub.f32 v43, v23;
	v2 =	vand.u32 $0x7FFFFFFF, v47  }
0x15d: {  	v37 =	vld [tilespmem:s22+$0x440];
	v2 =	vadd.f32 v2, v44;
	v46 =	vsub.f32 v30, v26;
	v30 =	vsel vm4, $0x3F000000, v0;
	v29, _, _ =	vpop (xrf2)  }
0x15e: {  	v58 =	vand.u32 $0x7FFFFFFF, v3;
	v61 =	vadd.f32 v30, v32;
	v29 =	vperm.xlane v29, v14  }
0x15f: {  	v63 =	vand.u32 $0x7FFFFFFF, v49;
	v30 =	vadd.f32 $-1.258291200e+07, v59;
	v1 =	vadd.f32 v58, v1  }
0x160: {  	v60 =	vand.u32 $0x7FFFFFFF, v46;
	vm15 =	vgt.f32 v29, $6.400000000e+01;
	v29 =	vadd.f32 $1.258291200e+07, v35  }
0x161: {  	v11 =	vimm.s32 $0x0;
	v59 =	vadd.f32 $1.258291200e+07, v41;
	v2 =	vadd.f32 v60, v2  }
0x162: {  	v11 =	vsel vm5, $0xFFFFFFFF, v11;
	v33 =	vadd.f32 $-1.258291200e+07, v29;
	v29 =	vadd.f32 $1.258291200e+07, v37  }
0x163: {  	[tilespmem:$0x1FD60] =	vst v11;
	v53 =	vand.u32 $0x7FFFFFFF, v52;
	v11 =	vsub.f32 v42, v30;
	v1 =	vadd.f32 v63, v1  }
0x164: {  	vm5 =	vge.f32 v3, $0.0e+00;
	v2 =	vadd.f32 v53, v2;
	v34 =	vadd.f32 $-1.258291200e+07, v29  }
0x165: {  	v54 =	vand.u32 $0x7FFFFFFF, v11;
	v56 =	vsub.f32 v35, v33;
	v35 =	vadd.f32 $-1.258291200e+07, v55  }
0x166: {  	v32 =	vsel vm15, v61, v32;
	v1 =	vadd.f32 v54, v1;
	v60 =	vsub.f32 v37, v34  }
0x167: {  	v29 =	vand.u32 $0x7FFFFFFF, v12;
	v3 =	vsub.f32 v38, v35;
	v38 =	vadd.f32 $-1.258291200e+07, v57  }
0x168: {  	v2 =	vadd.f32 v29, v2;
	v58 =	vand.u32 $0x7FFFFFFF, v56;
	v37 =	vadd.f32 $-1.258291200e+07, v59  }
0x169: {  	v1 =	vadd.f32 v58, v1;
	v29 =	vand.u32 $0x7FFFFFFF, v60;
	v40 =	vsub.f32 v40, v38  }
0x16a: {  	v61 =	vand.u32 $0x7FFFFFFF, v3;
	v2 =	vadd.f32 v29, v2;
	v29 =	vsub.f32 v41, v37  }
0x16b: {  	v1 =	vadd.f32 v61, v1  }
0x16c: {  	v62 =	vand.u32 $0x7FFFFFFF, v40;
	v63 =	vand.u32 $0x7FFFFFFF, v29  }
0x16d: {  	v2 =	vadd.f32 v62, v2;
	v1 =	vadd.f32 v63, v1;
	_ =	sdelay $0x1  }
0x16e: {  	v1 =	vadd.f32 v1, v2;
	v2 =	vld [tilespmem:$0x1FD50]  }
0x16f: {  	vm13 =	vge.f32 v3, $0.0e+00;
	v3 =	vld [tilespmem:$0x1FD60]  }
0x170: {  	vm9 =	vge.f32 v11, $0.0e+00;
	v11 =	vld [tilespmem:$0x1FD70];
	_ =	sdelay $0x2  }
0x171: {  	v27 =	vsel vm1, $0x3F000000, v0;
	vm1 =	vnez.u8 v2  }
0x172: {  	v2 =	vsel vm1, $0x3F000000, v0;
	vm1 =	vnez.u8 v3  }
0x173: {  	v3 =	vsel vm1, $0x3F000000, v0;
	vm1 =	vnez.u8 v11;
	v11 =	vld [tilespmem:$0x1FD80];
	_ =	sdelay $0x2  }
0x174: {  	[tilespmem:$0x1FDE0] =	vst v4;
	v4 =	vimm.s32 $0x0  }
0x175: {  	v4 =	vsel vm7, $0xFFFFFFFF, v4;
	vm7 =	vge.f32 v49, $0.0e+00  }
0x176: {  	vm3 =	vge.f32 v39, $0.0e+00;
	v39 =	vsel vm7, $0x3F000000, v0;
	vm7 =	vnez.u8 v11;
	v11 =	vld [tilespmem:$0x1FD90];
	_ =	sdelay $0x3  }
0x177: {  	vm8 =	vge.f32 v52, $0.0e+00  }
0x178: {  	v59 =	vsel vm8, $0x3F000000, v0;
	vm8 =	vnez.u8 v11;
	v11 =	vld [tilespmem:$0x1FDA0];
	_ =	sdelay $0x4  }
0x179: {  	v58 =	vsel vm9, $0x3F000000, v0;
	vm9 =	vnez.u8 v11;
	v11 =	vld [tilespmem:$0x1FDB0];
	_ =	sdelay $0x3  }
0x17a: {  	vm10 =	vge.f32 v12, $0.0e+00  }
0x17b: {  	v57 =	vsel vm10, $0x3F000000, v0;
	vm10 =	vnez.u8 v11;
	v11 =	vld [tilespmem:$0x1FDC0];
	_ =	sdelay $0x3  }
0x17c: {  	vm11 =	vge.f32 v56, $0.0e+00  }
0x17d: {  	v55 =	vsel vm11, $0x3F000000, v0;
	vm11 =	vnez.u8 v11;
	v11 =	vld [tilespmem:$0x1FDD0];
	_ =	sdelay $0x3  }
0x17e: {  	vm4 =	vge.f32 v47, $0.0e+00  }
0x17f: {  	v51 =	vsel vm4, $0x3F000000, v0;
	vm4 =	vnez.u8 v11;
	v11 =	vld [tilespmem:$0x1FDE0];
	_ =	sdelay $0x3  }
0x180: {  	[tilespmem:$0x1FDF0] =	vst v4  }
0x181: {  	vm12 =	vge.f32 v60, $0.0e+00;
	v60 =	vsel vm5, $0x3F000000, v0;
	vm5 =	vnez.u8 v11;
	v11 =	vld [tilespmem:$0x1FDF0];
	_ =	sdelay $0x3  }
0x182: {  	vm6 =	vge.f32 v46, $0.0e+00  }
0x183: {  	(xrf2) =	vadd.scan.msk.f32 $0xffff, v1;
	v1 =	vsel vm6, $0x3F000000, v0;
	vm6 =	vnez.u8 v11;
	v11 =	vld [tilespmem:$0x1FE00];
	_ =	sdelay $0x3  }
0x184: {  	v28 =	vsel vm0, $0x3F000000, v0;
	vm0 =	vge.f32 v29, $0.0e+00;
	v29 =	vadd.f32 v2, v22;
	v2 =	vld [tilespmem:$0x1FE30]  }
0x185: {  	v54 =	vsel vm7, $0x3F000000, v0;
	vm7 =	vnez.u8 v11;
	v11 =	vld [tilespmem:$0x1FE10];
	_ =	sdelay $0x3  }
0x186: {  	v49 =	vsel vm10, $0x3F000000, v0;
	vm10 =	vnez.u8 v2;
	v2 =	vld [tilespmem:$0x1FE40]  }
0x187: {  	v52 =	vsel vm8, $0x3F000000, v0;
	vm8 =	vnez.u8 v11;
	v11 =	vld [tilespmem:$0x1FE20];
	_ =	sdelay $0x1  }
0x188: {  	v50 =	vsel vm3, $0x3F000000, v0  }
0x189: {  	v4 =	vimm.s32 $0xF;
	vm14 =	vge.f32 v40, $0.0e+00;
	v12 =	vsel vm1, $0x3F000000, v0  }
0x18a: {  	s23 =	sadd.s32 $0x2, s23;
	v48 =	vsel vm11, $0x3F000000, v0;
	vm11 =	vnez.u8 v2;
	v2 =	vadd.f32 v12, v20;
	v12 =	vld [tilespmem:$0x1FE60]  }
0x18b: {  	p1 =	slt.u32 s23, $0x3E;
	v53 =	vsel vm9, $0x3F000000, v0;
	vm9 =	vnez.u8 v11;
	v11 =	vadd.f32 v3, v21;
	v3 =	vld [tilespmem:$0x1FE50]  }
.Ltmp0:
0x18c: {  	v56 =	vsel vm12, $0x3F000000, v0;
	v62 =	vsel vm14, $0x3F000000, v0;
	vm14 =	vmmov vm15;
	(pc) =	sbr.rel @p1 .LBB2_3-.Ltmp0, $4  }
0x18d: {  	vm15 =	vmmov vm2;
	v63 =	vsel vm13, $0x3F000000, v0;
	v61 =	vsel vm0, $0x3F000000, v0  }
0x18e: {  	v40 =	vsel vm10, $0x3F000000, v0;
	v43 =	vsel vm11, $0x3F000000, v0;
	v47 =	vsel vm4, $0x3F000000, v0  }
0x18f: {  	v46 =	vsel vm5, $0x3F000000, v0;
	v45 =	vsel vm6, $0x3F000000, v0;
	v44 =	vsel vm7, $0x3F000000, v0  }
0x190: {  	s24 =	sadd.s32 $0x100, s24;
	s25 =	sadd.s32 $0x200, s25;
	v14 =	vmovc v36;
	[tilespmem:s22+$0x84F0] =	vst v32;
	v42 =	vsel vm8, $0x3F000000, v0;
	v41 =	vsel vm9, $0x3F000000, v0;
	v12 =	vsel vm2, v3, v12  }
0x191: {  	v3, _, _ =	vpop (xrf2)  }
0x192: {  	v3 =	vperm.xlane v3, v4;
	_ =	sdelay $0x1  }
0x193: {  	vm0 =	vgt.f32 v3, $6.400000000e+01  }
0x194: {  	[tilespmem:s21+$0x84D0] =	vst v12;
	v3 =	vsel vm0, v29, v22  }
0x195: {  	v1 =	vadd.f32 v1, v26;
	v32 =	vld [tilespmem:$0x1FFD0];
	v2 =	vsel vm0, v2, v20;
	[tilespmem:s22+$0x8000] =	vst v3  }
0x196: {  	v50 =	vadd.f32 v50, v19;
	v3 =	vsel vm0, v11, v21;
	[tilespmem:s22+$0x8020] =	vst v2  }
0x197: {  	v1 =	vsel vm0, v1, v26;
	[tilespmem:s22+$0x8010] =	vst v3;
	v3 =	vadd.f32 v51, v25  }
0x198: {  	v2 =	vsel vm0, v50, v19;
	[tilespmem:s22+$0x8060] =	vst v1;
	v51 =	vadd.f32 v60, v23  }
0x199: {  	[tilespmem:s22+$0x8030] =	vst v2;
	v2 =	vsel vm0, v3, v25  }
0x19a: {  	v3 =	vadd.f32 v39, v24;
	[tilespmem:s22+$0x8040] =	vst v2;
	v2 =	vsel vm0, v51, v23  }
0x19b: {  	v36 =	vsel vm15, v9, v32;
	[tilespmem:s22+$0x8050] =	vst v2;
	v2 =	vadd.f32 v59, v31  }
0x19c: {  	[tilespmem:s21+$0x84E0] =	vst v36;
	v1 =	vsel vm0, v3, v24;
	v3 =	vadd.f32 v58, v30  }
0x19d: {  	[tilespmem:s22+$0x8070] =	vst v1;
	v1 =	vsel vm0, v2, v31;
	v2 =	vadd.f32 v57, v15  }
0x19e: {  	[tilespmem:s22+$0x8400] =	vst v1;
	v1 =	vsel vm0, v3, v30;
	v3 =	vadd.f32 v55, v33  }
0x19f: {  	[tilespmem:s22+$0x8410] =	vst v1;
	v1 =	vsel vm0, v2, v15;
	v2 =	vadd.f32 v56, v34  }
0x1a0: {  	v3 =	vsel vm0, v3, v33;
	[tilespmem:s22+$0x8420] =	vst v1;
	v1 =	vadd.f32 v63, v35  }
0x1a1: {  	v2 =	vsel vm0, v2, v34;
	[tilespmem:s22+$0x8430] =	vst v3;
	v3 =	vadd.f32 v62, v38  }
0x1a2: {  	v1 =	vsel vm0, v1, v35;
	[tilespmem:s22+$0x8440] =	vst v2;
	v2 =	vadd.f32 v61, v37  }
0x1a3: {  	v3 =	vsel vm0, v3, v38;
	[tilespmem:s22+$0x8450] =	vst v1  }
0x1a4: {  	v58 =	vld [tilespmem:$0x1FE70];
	v2 =	vsel vm0, v2, v37;
	[tilespmem:s22+$0x8460] =	vst v3  }
0x1a5: {  	[tilespmem:s22+$0x8470] =	vst v2  }
0x1a6: {  	v59 =	vld [tilespmem:$0x1FE80];
	_ =	sdelay $0x2  }
0x1a7: {  	v3 =	vadd.f32 v28, v16  }
0x1a8: {  	vm15 =	vmmov vm14;
	v1 =	vadd.f32 v27, v58  }
0x1a9: {  	v3 =	vsel vm15, v3, v16;
	v2 =	vadd.f32 v54, v59  }
0x1aa: {  	[tilespmem:s22+$0x8090] =	vst v3;
	v1 =	vsel vm15, v1, v58  }
0x1ab: {  	[tilespmem:s22+$0x8080] =	vst v1;
	v2 =	vsel vm15, v2, v59  }
0x1ac: {  	v60 =	vld [tilespmem:$0x1FE90];
	[tilespmem:s22+$0x80A0] =	vst v2  }
0x1ad: {  	v61 =	vld [tilespmem:$0x1FEA0];
	_ =	sdelay $0x2  }
0x1ae: {  	v1 =	vadd.f32 v52, v13  }
0x1af: {  	v3 =	vadd.f32 v53, v60  }
0x1b0: {  	v1 =	vsel vm15, v1, v13;
	v2 =	vadd.f32 v49, v61  }
0x1b1: {  	[tilespmem:s22+$0x80B0] =	vst v1;
	v3 =	vsel vm15, v3, v60  }
0x1b2: {  	[tilespmem:s22+$0x80C0] =	vst v3;
	v2 =	vsel vm15, v2, v61  }
0x1b3: {  	[tilespmem:s22+$0x80D0] =	vst v2  }
0x1b4: {  	v62 =	vld [tilespmem:$0x1FEB0]  }
0x1b5: {  	v1 =	vadd.f32 v48, v7;
	_ =	sdelay $0x1  }
0x1b6: {  	v1 =	vsel vm15, v1, v7;
	v3 =	vadd.f32 v47, v8  }
0x1b7: {  	[tilespmem:s22+$0x80E0] =	vst v1;
	v1 =	vadd.f32 v45, v6  }
0x1b8: {  	v3 =	vsel vm15, v3, v8;
	v2 =	vadd.f32 v46, v62  }
0x1b9: {  	[tilespmem:s22+$0x80F0] =	vst v3;
	v1 =	vsel vm15, v1, v6  }
0x1ba: {  	[tilespmem:s22+$0x8490] =	vst v1;
	v2 =	vsel vm15, v2, v62  }
0x1bb: {  	[tilespmem:s22+$0x8480] =	vst v2  }
0x1bc: {  	v63 =	vld [tilespmem:$0x1FEC0];
	_ =	sdelay $0x2  }
0x1bd: {  	v3 =	vadd.f32 v44, v10  }
0x1be: {  	v2 =	vadd.f32 v42, v5  }
0x1bf: {  	v3 =	vsel vm15, v3, v10;
	v1 =	vadd.f32 v41, v63  }
0x1c0: {  	p1 =	sne.s32 s18, $0x3F;
	[tilespmem:s22+$0x84A0] =	vst v3;
	v3 =	vadd.f32 v40, v14;
	v2 =	vsel vm15, v2, v5  }
.Ltmp1:
0x1c1: {  	[tilespmem:s22+$0x84B0] =	vst v2;
	v2 =	vadd.f32 v43, v17;
	v1 =	vsel vm15, v1, v63;
	(pc) =	sbr.rel @p1 .LBB2_6-.Ltmp1, $4  }
0x1c2: {  	[tilespmem:s22+$0x84C0] =	vst v1;
	v1 =	vsel vm15, v3, v14  }
0x1c3: {  	[tilespmem:s22+$0x84D0] =	vst v1;
	v1 =	vsel vm15, v2, v17  }
0x1c4: {  	s31 =	sadd.s32 s20, s7;
	[tilespmem:s22+$0x84E0] =	vst v1  }
0x1c5: {  	[hbm4b:s31+s4] =	stream.linear.scatter [tilespmem:s12], [sflag:$0x3], $0x4000, $0x38;
	[tilespmem:$0x10000] =	vst v63  }
.Ltmp2:
0x1c6: {  	(pc) =	sbr.rel .LBB2_7-.Ltmp2, $4  }
0x1c7: {  	_ = 	snop  }
0x1c8: {  	_ =	swait.ge [sflag:s13], $0x4000  }
0x1c9: {  	[sflag:s13] =	ssyncset.done $0x0  }
0x1ca: {  	[sflag:s13] =	ssyncadd.s32 $0xFFFFC000  }
.LBB2_6:
.Ltmp3:
0x1cb: {  	s20 =	sadd.s32 s20, s8;
	(pc) =	sbr.rel @p0 .LBB2_8-.Ltmp3, $4  }
0x1cc: {  	[tilespmem:s4], [sflag:$0x1] =	stream.linear.gather [hbm4b:s20+s4], $0x4000, $0x38;
	[tilespmem:$0x10000] =	vst v63  }
0x1cd: {  	_ =	swait.ge [sflag:s13], $0x4000  }
0x1ce: {  	[sflag:s13] =	ssyncset.done $0x0  }
0x1cf: {  	[sflag:s13] =	ssyncadd.s32 $0xFFFFC000  }
.LBB2_7:
0x1d0: {  	_ =	swait.ge [sflag:s14], $0x4000  }
0x1d1: {  	[sflag:s14] =	ssyncset.done $0x0  }
0x1d2: {  	[sflag:s14] =	ssyncadd.s32 $0xFFFFC000  }
.LBB2_8:
0x1d3: {  	s20 =	simm.s32 $0x0  }
0x1d4: {  	s21 =	sand.u32 $0x3800, s20;
	s20 =	sand.u32 $0x300, s20  }
0x1d5: {  	s20 =	sor.u32 s20, s21  }
0x1d6: {  	v1 =	vld [tilespmem:s20+$0x44E0]  }
0x1d7: {  	v2 =	vld [tilespmem:s20+$0x44F0]  }
0x1d8: {  	v4 =	vld [tilespmem:s20+$0x44C0]  }
0x1d9: {  	v5 =	vld [tilespmem:s20+$0x44D0]  }
0x1da: {  	v6 =	vld [tilespmem:s20+$0x44A0]  }
0x1db: {  	v7 =	vld [tilespmem:s20+$0x44B0]  }
0x1dc: {  	v15 =	vld [tilespmem:s20+$0x4480]  }
0x1dd: {  	v16 =	vld [tilespmem:s20+$0x4490]  }
0x1de: {  	v18 =	vld [tilespmem:s20+$0x40E0]  }
0x1df: {  	v24 =	vld [tilespmem:s20+$0x40F0]  }
0x1e0: {  	v25 =	vld [tilespmem:s20+$0x40C0]  }
0x1e1: {  	v26 =	vld [tilespmem:s20+$0x40D0]  }
0x1e2: {  	v27 =	vld [tilespmem:s20+$0x4080];
	v3 =	vadd.f32 $1.258291200e+07, v1  }
0x1e3: {  	v28 =	vld [tilespmem:s20+$0x4090];
	v8 =	vadd.f32 $1.258291200e+07, v4;
	v9 =	vadd.f32 $1.258291200e+07, v2  }
0x1e4: {  	v29 =	vld [tilespmem:s20+$0x40A0];
	v10 =	vadd.f32 $1.258291200e+07, v6;
	v11 =	vadd.f32 $1.258291200e+07, v5  }
0x1e5: {  	v30 =	vld [tilespmem:s20+$0x40B0];
	v12 =	vadd.f32 $1.258291200e+07, v15;
	v13 =	vadd.f32 $1.258291200e+07, v7  }
0x1e6: {  	v14 =	vadd.f32 $1.258291200e+07, v18;
	v17 =	vadd.f32 $1.258291200e+07, v16  }
0x1e7: {  	v31 =	vadd.f32 $1.258291200e+07, v25;
	v32 =	vadd.f32 $1.258291200e+07, v24  }
0x1e8: {  	v33 =	vadd.f32 $1.258291200e+07, v27;
	v34 =	vadd.f32 $1.258291200e+07, v26  }
0x1e9: {  	v35 =	vadd.f32 $1.258291200e+07, v28;
	v36 =	vadd.f32 $1.258291200e+07, v29  }
0x1ea: {  	v37 =	vadd.f32 $1.258291200e+07, v30;
	v38 =	vadd.f32 $-1.258291200e+07, v3  }
0x1eb: {  	v39 =	vadd.f32 $-1.258291200e+07, v8;
	v3 =	vadd.f32 $-1.258291200e+07, v9  }
0x1ec: {  	v9 =	vadd.f32 $-1.258291200e+07, v10;
	v8 =	vadd.f32 $-1.258291200e+07, v11  }
0x1ed: {  	v23 =	vadd.f32 $-1.258291200e+07, v12;
	v11 =	vadd.f32 $-1.258291200e+07, v13  }
0x1ee: {  	v21 =	vadd.f32 $-1.258291200e+07, v14;
	v60 =	vadd.f32 $-1.258291200e+07, v17  }
0x1ef: {  	v19 =	vadd.f32 $-1.258291200e+07, v31;
	v22 =	vadd.f32 $-1.258291200e+07, v32  }
0x1f0: {  	v14 =	vadd.f32 $-1.258291200e+07, v33;
	v20 =	vadd.f32 $-1.258291200e+07, v34  }
0x1f1: {  	v13 =	vadd.f32 $-1.258291200e+07, v35;
	v10 =	vadd.f32 $-1.258291200e+07, v36  }
0x1f2: {  	v17 =	vadd.f32 $-1.258291200e+07, v37;
	v1 =	vsub.f32 v1, v38  }
0x1f3: {  	v6 =	vsub.f32 v6, v9;
	v31 =	vsub.f32 v4, v39  }
0x1f4: {  	v4 =	vsub.f32 v18, v21;
	v18 =	vsub.f32 v27, v14  }
0x1f5: {  	v15 =	vsub.f32 v15, v23;
	v27 =	vsub.f32 v29, v10  }
0x1f6: {  	v28 =	vsub.f32 v28, v13;
	v29 =	vsub.f32 v30, v17  }
0x1f7: {  	v25 =	vsub.f32 v25, v19;
	v26 =	vsub.f32 v26, v20  }
0x1f8: {  	[tilespmem:$0x1FD10] =	vst v38;
	v24 =	vsub.f32 v24, v22;
	v16 =	vsub.f32 v16, v60  }
0x1f9: {  	[tilespmem:$0x1FC10] =	vst v9;
	v9 =	vimm.s32 $0x0;
	v52 =	vsub.f32 v7, v11;
	v54 =	vsub.f32 v5, v8  }
0x1fa: {  	[tilespmem:$0x1FC30] =	vst v39;
	v2 =	vsub.f32 v2, v3;
	v30 =	vand.u32 $0x7FFFFFFF, v18;
	v41 =	vand.u32 $0x7FFFFFFF, v27  }
0x1fb: {  	[tilespmem:$0x1FCF0] =	vst v8;
	v42 =	vand.u32 $0x7FFFFFFF, v28;
	v43 =	vand.u32 $0x7FFFFFFF, v29;
	vm0 =	vge.f32 v1, $0.0e+00  }
0x1fc: {  	[tilespmem:$0x1FC20] =	vst v11;
	v45 =	vand.u32 $0x7FFFFFFF, v25;
	v46 =	vand.u32 $0x7FFFFFFF, v26;
	v9 =	vsel vm0, $0xFFFFFFFF, v9  }
0x1fd: {  	vm2 =	vge.f32 v6, $0.0e+00;
	v47 =	vand.u32 $0x7FFFFFFF, v4;
	v48 =	vand.u32 $0x7FFFFFFF, v24;
	[tilespmem:$0x1FC40] =	vst v9  }
0x1fe: {  	v49 =	vand.u32 $0x7FFFFFFF, v15;
	v51 =	vand.u32 $0x7FFFFFFF, v16;
	vm13 =	vge.f32 v18, $0.0e+00;
	v18 =	vld [tilespmem:s20+$0x4020]  }
0x1ff: {  	v53 =	vand.u32 $0x7FFFFFFF, v52;
	v30 =	vadd.f32 v41, v30;
	v44 =	vadd.f32 v43, v42;
	v55 =	vld [tilespmem:s20+$0x4030]  }
0x200: {  	vm14 =	vge.f32 v28, $0.0e+00;
	vm9 =	vge.f32 v27, $0.0e+00;
	vm12 =	vge.f32 v29, $0.0e+00;
	v27 =	vld [tilespmem:s20+$0x4040]  }
0x201: {  	vm1 =	vge.f32 v2, $0.0e+00;
	v30 =	vadd.f32 v45, v30;
	v32 =	vadd.f32 v46, v44;
	v28 =	vld [tilespmem:s20+$0x4050]  }
0x202: {  	vm4 =	vge.f32 v52, $0.0e+00;
	vm0 =	vge.f32 v4, $0.0e+00;
	v52 =	vsel vm1, $0x3F000000, v0;
	v58 =	vld [tilespmem:s20+$0x4400]  }
0x203: {  	v61 =	vld [tilespmem:s20+$0x4420];
	v46 =	vsel vm14, $0x3F000000, v0;
	v30 =	vadd.f32 v47, v30;
	v4 =	vadd.f32 v48, v32  }
0x204: {  	vm11 =	vge.f32 v25, $0.0e+00;
	v9 =	vadd.f32 v46, v13;
	v32 =	vadd.f32 v52, v3  }
0x205: {  	vm10 =	vge.f32 v26, $0.0e+00;
	v63 =	vld [tilespmem:s20+$0x4430];
	v7 =	vadd.f32 v49, v30;
	v4 =	vadd.f32 v51, v4  }
0x206: {  	vm8 =	vge.f32 v24, $0.0e+00;
	v26 =	vld [tilespmem:s20+$0x4060];
	v25 =	vadd.f32 $1.258291200e+07, v18;
	v29 =	vadd.f32 $1.258291200e+07, v55  }
0x207: {  	vm7 =	vge.f32 v15, $0.0e+00;
	v57 =	vld [tilespmem:s20+$0x4070];
	v15 =	vadd.f32 $1.258291200e+07, v27;
	v24 =	vadd.f32 $1.258291200e+07, v28  }
0x208: {  	v6 =	vand.u32 $0x7FFFFFFF, v6;
	v62 =	vadd.f32 $1.258291200e+07, v58;
	v44 =	vadd.f32 $1.258291200e+07, v61  }
0x209: {  	vm3 =	vge.f32 v54, $0.0e+00;
	v50 =	vld [tilespmem:s20+$0x4000];
	v5 =	vadd.f32 v6, v7;
	v4 =	vadd.f32 v53, v4  }
0x20a: {  	v7 =	vand.u32 $0x7FFFFFFF, v54;
	v54 =	vadd.f32 $1.258291200e+07, v63;
	v59 =	vadd.f32 $-1.258291200e+07, v25  }
0x20b: {  	vm6 =	vge.f32 v16, $0.0e+00;
	v16 =	vadd.f32 $-1.258291200e+07, v15;
	v15 =	vadd.f32 $-1.258291200e+07, v24  }
0x20c: {  	v6 =	vand.u32 $0x7FFFFFFF, v31;
	v24 =	vadd.f32 $1.258291200e+07, v26;
	v25 =	vadd.f32 $1.258291200e+07, v57  }
0x20d: {  	v30 =	vld [tilespmem:s20+$0x4010];
	v5 =	vadd.f32 v6, v5;
	v4 =	vadd.f32 v7, v4  }
0x20e: {  	v42 =	vld [tilespmem:s20+$0x4450];
	v6 =	vadd.f32 $1.258291200e+07, v50;
	v35 =	vsub.f32 v18, v59  }
0x20f: {  	v1 =	vand.u32 $0x7FFFFFFF, v1;
	v27 =	vsub.f32 v27, v16;
	v28 =	vsub.f32 v28, v15  }
0x210: {  	v7 =	vand.u32 $0x7FFFFFFF, v2;
	v24 =	vadd.f32 $-1.258291200e+07, v24;
	v25 =	vadd.f32 $-1.258291200e+07, v25  }
0x211: {  	v41 =	vld [tilespmem:s20+$0x4440];
	v1 =	vadd.f32 v1, v5;
	v4 =	vadd.f32 v7, v4  }
0x212: {  	v5 =	vadd.f32 $1.258291200e+07, v30;
	v7 =	vadd.f32 $-1.258291200e+07, v6  }
0x213: {  	v2 =	vsub.f32 v57, v25;
	v57 =	vadd.f32 $1.258291200e+07, v42  }
0x214: {  	v18 =	vld [tilespmem:s20+$0x4410];
	v1 =	vadd.f32 v4, v1;
	v6 =	vadd.f32 $-1.258291200e+07, v5  }
0x215: {  	v5 =	vadd.f32 $-1.258291200e+07, v29;
	v33 =	vsub.f32 v50, v7  }
0x216: {  	vm5 =	vge.f32 v31, $0.0e+00;
	v50 =	vadd.f32 $1.258291200e+07, v41;
	v36 =	vadd.f32 $-1.258291200e+07, v57  }
0x217: {  	v8 =	vsel vm13, $0x3F000000, v0;
	v30 =	vsub.f32 v30, v6;
	v38 =	vsub.f32 v55, v5  }
0x218: {  	v29 =	vand.u32 $0x7FFFFFFF, v33;
	(xrf2) =	vadd.scan.msk.f32 $0xffff, v1;
	v1 =	vand.u32 $0x7FFFFFFF, v35;
	v52 =	vadd.f32 $-1.258291200e+07, v50  }
0x219: {  	v50 =	vsel vm10, $0x3F000000, v0;
	v1 =	vadd.f32 v1, v29;
	v29 =	vadd.f32 $1.258291200e+07, v18  }
0x21a: {  	v53 =	vand.u32 $0x7FFFFFFF, v27;
	v42 =	vsub.f32 v42, v36;
	v11 =	vadd.f32 v50, v20  }
0x21b: {  	v31 =	vand.u32 $0x7FFFFFFF, v30;
	v40 =	vand.u32 $0x7FFFFFFF, v38;
	v41 =	vsub.f32 v41, v52  }
0x21c: {  	v43 =	vand.u32 $0x7FFFFFFF, v28;
	v31 =	vadd.f32 v40, v31;
	v40 =	vsub.f32 v26, v24  }
0x21d: {  	v4 =	vimm.s32 $0xF;
	v26 =	vadd.f32 $-1.258291200e+07, v62;
	v29 =	vadd.f32 $-1.258291200e+07, v29  }
0x21e: {  	v48 =	vld [tilespmem:s20+$0x4460];
	v55 =	vand.u32 $0x7FFFFFFF, v2;
	v1 =	vadd.f32 v53, v1;
	v43 =	vadd.f32 v43, v31  }
0x21f: {  	vm1 =	vge.f32 v33, $0.0e+00;
	v37 =	vsub.f32 v58, v26;
	v47 =	vsub.f32 v18, v29  }
0x220: {  	v49 =	vand.u32 $0x7FFFFFFF, v40;
	v31 =	vadd.f32 $-1.258291200e+07, v44;
	v18 =	vadd.f32 $-1.258291200e+07, v54;
	v44 =	vld [tilespmem:s20+$0x4470]  }
0x221: {  	vm14 =	vge.f32 v30, $0.0e+00;
	v1 =	vadd.f32 v49, v1;
	v43 =	vadd.f32 v55, v43  }
0x222: {  	v49 =	vsel vm11, $0x3F000000, v0;
	v34 =	vsub.f32 v61, v31;
	v39 =	vsub.f32 v63, v18  }
0x223: {  	v51 =	vand.u32 $0x7FFFFFFF, v37;
	v58 =	vand.u32 $0x7FFFFFFF, v47;
	v61 =	vadd.f32 $1.258291200e+07, v48  }
0x224: {  	v55 =	vand.u32 $0x7FFFFFFF, v41;
	v49 =	vadd.f32 v49, v19;
	v1 =	vadd.f32 v51, v1  }
0x225: {  	v43 =	vadd.f32 v58, v43;
	v63 =	vand.u32 $0x7FFFFFFF, v34;
	v62 =	vadd.f32 $1.258291200e+07, v44  }
0x226: {  	v45 =	vand.u32 $0x7FFFFFFF, v39;
	v53 =	vadd.f32 $-1.258291200e+07, v61;
	v61 =	vsel vm1, $0x3F000000, v0  }
0x227: {  	vm1 =	vge.f32 v35, $0.0e+00;
	v56, _, _ =	vpop (xrf2);
	v1 =	vadd.f32 v63, v1;
	v54 =	vadd.f32 $-1.258291200e+07, v62  }
0x228: {  	v35 =	vsel vm1, $0x3F000000, v0;
	v33 =	vperm.xlane v56, v4;
	v43 =	vadd.f32 v45, v43  }
0x229: {  	v56 =	vand.u32 $0x7FFFFFFF, v42;
	v48 =	vsub.f32 v48, v53;
	v44 =	vsub.f32 v44, v54  }
0x22a: {  	vm1 =	vge.f32 v27, $0.0e+00;
	v1 =	vadd.f32 v55, v1;
	v30 =	vadd.f32 v56, v43  }
0x22b: {  	v35 =	vadd.f32 v35, v59;
	v57 =	vand.u32 $0x7FFFFFFF, v48;
	v58 =	vand.u32 $0x7FFFFFFF, v44  }
0x22c: {  	v4 =	vimm.s32 $0xF;
	v1 =	vadd.f32 v57, v1;
	v30 =	vadd.f32 v58, v30  }
0x22d: {  	v62 =	vsel vm14, $0x3F000000, v0;
	vm14 =	vge.f32 v38, $0.0e+00;
	v55 =	vsel vm0, $0x3F000000, v0  }
0x22e: {  	vm13 =	vgt.f32 v33, $6.400000000e+01;
	v33 =	vadd.f32 v62, v6;
	v1 =	vadd.f32 v30, v1  }
0x22f: {  	v12 =	vadd.f32 v55, v21;
	v3 =	vsel vm13, v32, v3;
	vm15 =	vmmov vm13  }
0x230: {  	v32 =	vadd.f32 v61, v7;
	v9 =	vsel vm15, v9, v13;
	v30 =	vsel vm14, $0x3F000000, v0;
	(xrf2) =	vadd.scan.msk.f32 $0xffff, v1  }
0x231: {  	vm14 =	vge.f32 v28, $0.0e+00;
	v28 =	vsel vm1, $0x3F000000, v0;
	vm1 =	vge.f32 v40, $0.0e+00  }
0x232: {  	v63 =	vsel vm14, $0x3F000000, v0;
	vm14 =	vge.f32 v2, $0.0e+00;
	v51 =	vadd.f32 v28, v16  }
0x233: {  	v1 =	vsel vm1, $0x3F000000, v0;
	vm1 =	vge.f32 v37, $0.0e+00;
	v2 =	vsel vm14, $0x3F000000, v0  }
0x234: {  	vm14 =	vge.f32 v47, $0.0e+00;
	v47 =	vadd.f32 v30, v5;
	v38 =	vadd.f32 v63, v15  }
0x235: {  	v37 =	vsel vm1, $0x3F000000, v0;
	vm1 =	vge.f32 v34, $0.0e+00;
	v34 =	vsel vm14, $0x3F000000, v0  }
0x236: {  	vm14 =	vge.f32 v39, $0.0e+00;
	v45 =	vadd.f32 v1, v24;
	v39 =	vsel vm1, $0x3F000000, v0  }
0x237: {  	s31 =	simm.s32 $0x100;
	s22 =	simm.s32 $0x200;
	vm1 =	vge.f32 v41, $0.0e+00;
	v40 =	vsel vm14, $0x3F000000, v0;
	vm14 =	vge.f32 v42, $0.0e+00  }
0x238: {  	s22 =	sand.u32 $0x3800, s22;
	s21 =	sand.u32 $0x300, s31;
	v37 =	vadd.f32 v37, v26;
	v56 =	vadd.f32 v34, v29;
	v41 =	vsel vm1, $0x3F000000, v0  }
0x239: {  	s21 =	sor.u32 s21, s22;
	[tilespmem:$0x1FC50] =	vst v3;
	vm1 =	vge.f32 v48, $0.0e+00;
	v42 =	vsel vm14, $0x3F000000, v0;
	vm14 =	vge.f32 v44, $0.0e+00  }
0x23a: {  	v61 =	vld [tilespmem:s21+$0x4490];
	v44 =	vsel vm9, $0x3F000000, v0;
	v48 =	vsel vm12, $0x3F000000, v0;
	v39 =	vadd.f32 v39, v31;
	v28, _, _ =	vpop (xrf2)  }
0x23b: {  	v62 =	vld [tilespmem:s21+$0x40E0];
	v40 =	vadd.f32 v40, v18;
	v3 =	vsel vm1, $0x3F000000, v0;
	v28 =	vperm.xlane v28, v4  }
0x23c: {  	v57 =	vld [tilespmem:s21+$0x40C0];
	v43 =	vsel vm14, $0x3F000000, v0;
	v41 =	vadd.f32 v41, v52;
	v44 =	vadd.f32 v44, v10  }
0x23d: {  	v58 =	vld [tilespmem:s21+$0x4480];
	v48 =	vadd.f32 v48, v17;
	v4 =	vadd.f32 v2, v25;
	vm11 =	vgt.f32 v28, $6.400000000e+01  }
0x23e: {  	v63 =	vld [tilespmem:s21+$0x40F0];
	v34 =	vsel vm11, v32, v7;
	v7 =	vadd.f32 v42, v36;
	v1 =	vsel vm11, v47, v5  }
0x23f: {  	v42 =	vadd.f32 v3, v53;
	v33 =	vsel vm11, v33, v6;
	v6 =	vadd.f32 v43, v54;
	v43 =	vld [tilespmem:s21+$0x40D0];
	[tilespmem:$0x1FC60] =	vst v1  }
0x240: {  	v35 =	vsel vm11, v35, v59;
	v59 =	vadd.f32 v8, v14;
	v51 =	vsel vm11, v51, v16;
	v8 =	vld [tilespmem:s21+$0x4080]  }
0x241: {  	v38 =	vsel vm11, v38, v15;
	v50 =	vsel vm11, v45, v24;
	v55 =	vsel vm11, v4, v25;
	v2 =	vld [tilespmem:s21+$0x4090]  }
0x242: {  	v3 =	vadd.f32 $1.258291200e+07, v58;
	v4 =	vadd.f32 $1.258291200e+07, v62;
	v5 =	vsel vm11, v39, v31;
	v1 =	vld [tilespmem:s21+$0x40A0]  }
0x243: {  	v15 =	vadd.f32 $1.258291200e+07, v61;
	v16 =	vadd.f32 $1.258291200e+07, v57;
	v24 =	vld [tilespmem:s21+$0x40B0];
	[tilespmem:$0x1FC70] =	vst v5;
	v5 =	vsel vm11, v40, v18  }
0x244: {  	v25 =	vadd.f32 $1.258291200e+07, v63;
	v3 =	vadd.f32 $-1.258291200e+07, v3;
	[tilespmem:$0x1FC80] =	vst v5;
	v5 =	vsel vm11, v41, v52  }
0x245: {  	[tilespmem:$0x1FC90] =	vst v5;
	v5 =	vsel vm11, v7, v36;
	v7 =	vadd.f32 $-1.258291200e+07, v4;
	v4 =	vsel vm11, v42, v53  }
0x246: {  	v37 =	vsel vm11, v37, v26;
	v18 =	vadd.f32 $1.258291200e+07, v43;
	[tilespmem:$0x1FCB0] =	vst v4;
	v4 =	vadd.f32 $-1.258291200e+07, v15  }
0x247: {  	v6 =	vsel vm11, v6, v54;
	[tilespmem:$0x1FCA0] =	vst v5;
	v5 =	vadd.f32 $-1.258291200e+07, v16;
	v26 =	vadd.f32 $1.258291200e+07, v8  }
0x248: {  	v56 =	vsel vm11, v56, v29;
	v29 =	vadd.f32 $1.258291200e+07, v2;
	v31 =	vadd.f32 $1.258291200e+07, v1  }
0x249: {  	[tilespmem:$0x1FCD0] =	vst v9;
	v47 =	vadd.f32 $1.258291200e+07, v24;
	v15 =	vadd.f32 $-1.258291200e+07, v26  }
0x24a: {  	v59 =	vsel vm15, v59, v14;
	[tilespmem:$0x1FCC0] =	vst v6;
	v6 =	vmovc v4;
	v4 =	vadd.f32 $-1.258291200e+07, v25;
	v14 =	vadd.f32 $-1.258291200e+07, v31  }
0x24b: {  	v9 =	vadd.f32 $-1.258291200e+07, v18;
	v16 =	vadd.f32 $-1.258291200e+07, v29;
	[tilespmem:$0x1FBB0] =	vst v15  }
0x24c: {  	v13 =	vadd.f32 $-1.258291200e+07, v47;
	v27 =	vsub.f32 v8, v15;
	v8 =	vsel vm15, v44, v10;
	[tilespmem:$0x1FBC0] =	vst v14  }
0x24d: {  	v32 =	vsub.f32 v57, v5;
	v28 =	vsub.f32 v1, v14;
	[tilespmem:$0x1FCE0] =	vst v8  }
0x24e: {  	v26 =	vsub.f32 v2, v16;
	v30 =	vsub.f32 v24, v13;
	v24 =	vld [tilespmem:s21+$0x44A0];
	[tilespmem:$0x1FBD0] =	vst v5  }
0x24f: {  	v31 =	vsub.f32 v43, v9;
	v8 =	vand.u32 $0x7FFFFFFF, v27;
	[tilespmem:$0x1FBE0] =	vst v9;
	v9 =	vand.u32 $0x7FFFFFFF, v28  }
0x250: {  	v29 =	vand.u32 $0x7FFFFFFF, v26;
	v52 =	vand.u32 $0x7FFFFFFF, v30;
	v1 =	vadd.f32 v9, v8;
	v40 =	vld [tilespmem:s21+$0x44B0]  }
0x251: {  	v43 =	vsub.f32 v62, v7;
	v9 =	vadd.f32 v52, v29;
	v29 =	vand.u32 $0x7FFFFFFF, v32;
	v36 =	vld [tilespmem:s21+$0x44C0]  }
0x252: {  	v57 =	vsub.f32 v63, v4;
	v53 =	vand.u32 $0x7FFFFFFF, v31;
	[tilespmem:$0x1FBF0] =	vst v3;
	v1 =	vadd.f32 v29, v1  }
0x253: {  	v62 =	vsub.f32 v58, v3;
	v41 =	vld [tilespmem:s21+$0x44D0];
	v9 =	vadd.f32 v53, v9;
	v29 =	vand.u32 $0x7FFFFFFF, v43  }
0x254: {  	v63 =	vsub.f32 v61, v6;
	v1 =	vadd.f32 v29, v1;
	v29 =	vand.u32 $0x7FFFFFFF, v57  }
0x255: {  	v58 =	vsel vm15, v48, v17;
	v54 =	vadd.f32 $1.258291200e+07, v24;
	v29 =	vadd.f32 v29, v9  }
0x256: {  	v9 =	vand.u32 $0x7FFFFFFF, v62;
	v17 =	vadd.f32 $1.258291200e+07, v40;
	v61 =	vadd.f32 $1.258291200e+07, v36  }
0x257: {  	v39 =	vand.u32 $0x7FFFFFFF, v63;
	v44 =	vadd.f32 v9, v1;
	v10 =	vadd.f32 $-1.258291200e+07, v54  }
0x258: {  	v53 =	vsel vm15, v11, v20;
	v11 =	vadd.f32 $1.258291200e+07, v41;
	v5 =	vadd.f32 $-1.258291200e+07, v17  }
0x259: {  	v52 =	vsel vm15, v49, v19;
	v19 =	vld [tilespmem:s21+$0x44E0];
	v17 =	vadd.f32 v39, v29;
	v1 =	vadd.f32 $-1.258291200e+07, v61  }
0x25a: {  	v25 =	vsub.f32 v24, v10;
	v24 =	vsel vm8, $0x3F000000, v0;
	v48 =	vsub.f32 v40, v5;
	v40 =	vld [tilespmem:s21+$0x44F0]  }
0x25b: {  	v54 =	vsel vm15, v12, v21;
	v14 =	vadd.f32 $-1.258291200e+07, v11;
	v12 =	vadd.f32 v24, v22  }
0x25c: {  	v49 =	vsub.f32 v36, v1;
	v11 =	vand.u32 $0x7FFFFFFF, v25;
	v21 =	vand.u32 $0x7FFFFFFF, v48  }
0x25d: {  	v61 =	vsel vm15, v12, v22;
	v11 =	vadd.f32 v11, v44;
	v44 =	vsub.f32 v41, v14  }
0x25e: {  	v12 =	vadd.f32 v21, v17;
	v17 =	vadd.f32 $1.258291200e+07, v19;
	v21 =	vand.u32 $0x7FFFFFFF, v49  }
0x25f: {  	v3 =	vld [tilespmem:$0x1FC30];
	v29 =	vadd.f32 v21, v11;
	v21 =	vsel vm7, $0x3F000000, v0;
	v22 =	vadd.f32 $1.258291200e+07, v40  }
0x260: {  	v46 =	vsel vm5, $0x3F000000, v0;
	v8 =	vmov v4;
	v4 =	vld [tilespmem:$0x1FC10];
	v21 =	vadd.f32 v21, v23  }
0x261: {  	v9 =	vld [tilespmem:$0x1FC20];
	[tilespmem:$0x1FC00] =	vst v1;
	v24 =	vand.u32 $0x7FFFFFFF, v44;
	v17 =	vadd.f32 $-1.258291200e+07, v17;
	v36 =	vadd.f32 $-1.258291200e+07, v22  }
0x262: {  	v45 =	vsel vm4, $0x3F000000, v0;
	v41 =	vld [tilespmem:s21+$0x4010];
	v20 =	vadd.f32 v24, v12;
	v22 =	vsel vm6, $0x3F000000, v0  }
0x263: {  	v47 =	vsel vm15, v21, v23;
	v19 =	vsub.f32 v19, v17;
	v23 =	vld [tilespmem:s21+$0x4000];
	v24 =	vsub.f32 v40, v36  }
0x264: {  	v11 =	vadd.f32 v46, v3;
	v12 =	vld [tilespmem:s21+$0x4020];
	v21 =	vadd.f32 v22, v60;
	v22 =	vsel vm2, $0x3F000000, v0  }
0x265: {  	v18 =	vld [tilespmem:s21+$0x4030];
	v22 =	vadd.f32 v22, v4;
	v1 =	vand.u32 $0x7FFFFFFF, v19;
	v2 =	vand.u32 $0x7FFFFFFF, v24  }
0x266: {  	vm4 =	vge.f32 v25, $0.0e+00;
	v1 =	vadd.f32 v1, v29;
	v20 =	vadd.f32 v2, v20  }
0x267: {  	v40 =	vadd.f32 v45, v9;
	vm1 =	vge.f32 v19, $0.0e+00;
	v46 =	vsel vm15, v22, v4  }
0x268: {  	v4 =	vsel vm15, v11, v3;
	v11 =	vadd.f32 $1.258291200e+07, v23;
	v1 =	vadd.f32 v20, v1  }
0x269: {  	v45 =	vsel vm15, v21, v60;
	v19 =	vadd.f32 $1.258291200e+07, v12;
	v21 =	vadd.f32 $1.258291200e+07, v41  }
0x26a: {  	vm7 =	vge.f32 v30, $0.0e+00;
	v30 =	vld [tilespmem:s21+$0x4060];
	v25 =	vadd.f32 $1.258291200e+07, v18;
	v22 =	vadd.f32 $-1.258291200e+07, v11;
	(xrf2) =	vadd.scan.msk.f32 $0xffff, v1  }
0x26b: {  	v21 =	vadd.f32 $-1.258291200e+07, v21;
	v20 =	vadd.f32 $-1.258291200e+07, v19;
	v1 =	vld [tilespmem:s21+$0x4040]  }
0x26c: {  	v19 =	vadd.f32 $-1.258291200e+07, v25;
	v11 =	vsub.f32 v23, v22  }
0x26d: {  	vm6 =	vge.f32 v28, $0.0e+00;
	v12 =	vsub.f32 v12, v20  }
0x26e: {  	v28 =	vsub.f32 v41, v21;
	v41 =	vsub.f32 v18, v19;
	v18 =	vand.u32 $0x7FFFFFFF, v11  }
0x26f: {  	v23 =	vand.u32 $0x7FFFFFFF, v12;
	vm0 =	vge.f32 v11, $0.0e+00;
	v11 =	vadd.f32 $1.258291200e+07, v30  }
0x270: {  	vm9 =	vge.f32 v32, $0.0e+00;
	v32 =	vadd.f32 v23, v18;
	v18 =	vadd.f32 $1.258291200e+07, v1  }
0x271: {  	v42 =	vsel vm3, $0x3F000000, v0;
	v25 =	vand.u32 $0x7FFFFFFF, v41;
	v23 =	vand.u32 $0x7FFFFFFF, v28  }
0x272: {  	vm11 =	vge.f32 v57, $0.0e+00;
	v57 =	vadd.f32 v25, v23;
	v25 =	vadd.f32 $-1.258291200e+07, v18  }
0x273: {  	vm5 =	vge.f32 v43, $0.0e+00;
	vm13 =	vge.f32 v26, $0.0e+00;
	vm8 =	vge.f32 v31, $0.0e+00  }
0x274: {  	v31 =	vld [tilespmem:s21+$0x4070];
	v26 =	vadd.f32 $-1.258291200e+07, v11;
	v29 =	vsub.f32 v1, v25;
	v1 =	vimm.s32 $0xF;
	v11, _, _ =	vpop (xrf2)  }
0x275: {  	vm10 =	vge.f32 v62, $0.0e+00;
	v62 =	vld [tilespmem:s21+$0x4400];
	vm3 =	vge.f32 v24, $0.0e+00;
	v11 =	vperm.xlane v11, v1  }
0x276: {  	vm12 =	vge.f32 v63, $0.0e+00;
	v43 =	vld [tilespmem:s21+$0x4410];
	v63 =	vsub.f32 v30, v26;
	v30 =	vsel vm3, $0x3F000000, v0  }
0x277: {  	vm2 =	vge.f32 v27, $0.0e+00;
	v27 =	vld [tilespmem:s21+$0x4050];
	vm14 =	vgt.f32 v11, $6.400000000e+01;
	v11 =	vadd.f32 v30, v36  }
0x278: {  	v2 =	vld [tilespmem:s21+$0x4430]  }
0x279: {  	v1 =	vld [tilespmem:s21+$0x4420];
	v3 =	vsel vm14, v11, v36  }
0x27a: {  	[tilespmem:$0x1FD00] =	vst v3;
	v3 =	vld [tilespmem:$0x1FC40];
	_ =	sdelay $0x4  }
0x27b: {  	vm3 =	vnez.u8 v3  }
0x27c: {  	v3 =	vsel vm3, $0x3F000000, v0  }
0x27d: {  	[tilespmem:$0x1FD20] =	vst v3;
	v3 =	vld [tilespmem:$0x1FC50];
	_ =	sdelay $0x1  }
0x27e: {  	[tilespmem:s20+$0xC000] =	vst v34  }
0x27f: {  	[tilespmem:s20+$0xC010] =	vst v33  }
0x280: {  	[tilespmem:s20+$0xC020] =	vst v35  }
0x281: {  	[tilespmem:s20+$0xC4F0] =	vst v3  }
0x282: {  	v3 =	vld [tilespmem:$0x1FC60];
	[tilespmem:s20+$0xC040] =	vst v51  }
0x283: {  	[tilespmem:s20+$0xC050] =	vst v38  }
0x284: {  	[tilespmem:s20+$0xC060] =	vst v50  }
0x285: {  	[tilespmem:s20+$0xC070] =	vst v55  }
0x286: {  	[tilespmem:s20+$0xC400] =	vst v37  }
0x287: {  	[tilespmem:s20+$0xC410] =	vst v56  }
0x288: {  	[tilespmem:s20+$0xC030] =	vst v3  }
0x289: {  	v3 =	vld [tilespmem:$0x1FC70]  }
0x28a: {  	v23 =	vadd.f32 $1.258291200e+07, v27;
	_ =	sdelay $0x1  }
0x28b: {  	v39 =	vadd.f32 $1.258291200e+07, v31;
	v23 =	vadd.f32 $-1.258291200e+07, v23;
	_ =	sdelay $0x1  }
0x28c: {  	v24 =	vadd.f32 $-1.258291200e+07, v39;
	v60 =	vsub.f32 v27, v23;
	[tilespmem:s20+$0xC420] =	vst v3  }
0x28d: {  	v27 =	vand.u32 $0x7FFFFFFF, v29;
	v3 =	vld [tilespmem:$0x1FC80]  }
0x28e: {  	v39 =	vsub.f32 v31, v24;
	v27 =	vadd.f32 v27, v32;
	v30 =	vand.u32 $0x7FFFFFFF, v60  }
0x28f: {  	v9 =	vsel vm15, v40, v9;
	v31 =	vand.u32 $0x7FFFFFFF, v63;
	v30 =	vadd.f32 v30, v57  }
0x290: {  	v36 =	vadd.f32 v31, v27;
	v27 =	vadd.f32 $1.258291200e+07, v62;
	v31 =	vand.u32 $0x7FFFFFFF, v39  }
0x291: {  	v57 =	vadd.f32 v31, v30;
	vm3 =	vge.f32 v28, $0.0e+00;
	v28 =	vadd.f32 $1.258291200e+07, v43  }
0x292: {  	v40 =	vadd.f32 $1.258291200e+07, v1;
	v31 =	vadd.f32 $-1.258291200e+07, v27;
	v27 =	vsel vm2, $0x3F000000, v0;
	[tilespmem:s20+$0xC430] =	vst v3  }
0x293: {  	vm2 =	vge.f32 v12, $0.0e+00;
	v12 =	vadd.f32 $1.258291200e+07, v2;
	v30 =	vadd.f32 $-1.258291200e+07, v28;
	v3 =	vld [tilespmem:$0x1FC90]  }
0x294: {  	v15 =	vadd.f32 $-1.258291200e+07, v40;
	v62 =	vsub.f32 v62, v31;
	v28 =	vsel vm13, $0x3F000000, v0  }
0x295: {  	v11 =	vld [tilespmem:s21+$0x4440];
	vm13 =	vge.f32 v41, $0.0e+00;
	v33 =	vadd.f32 $-1.258291200e+07, v12;
	v41 =	vsub.f32 v43, v30  }
0x296: {  	v12 =	vsub.f32 v1, v15;
	v1 =	vld [tilespmem:s21+$0x4460]  }
0x297: {  	v18 =	vld [tilespmem:s21+$0x4450];
	v43 =	vand.u32 $0x7FFFFFFF, v62;
	v2 =	vsub.f32 v2, v33;
	v38 =	vand.u32 $0x7FFFFFFF, v41  }
0x298: {  	v36 =	vadd.f32 v43, v36;
	v43 =	vld [tilespmem:s21+$0x4470];
	v40 =	vadd.f32 v38, v57;
	[tilespmem:s20+$0xC440] =	vst v3;
	v3 =	vsel vm2, $0x3F000000, v0  }
0x299: {  	v55 =	vand.u32 $0x7FFFFFFF, v2;
	[tilespmem:$0x1FD30] =	vst v3;
	v3 =	vld [tilespmem:$0x1FCA0]  }
0x29a: {  	v57 =	vadd.f32 v55, v40  }
0x29b: {  	v40 =	vsel vm0, $0x3F000000, v0;
	vm0 =	vge.f32 v29, $0.0e+00;
	v29 =	vadd.f32 $1.258291200e+07, v1;
	_ =	sdelay $0x1  }
0x29c: {  	v38 =	vadd.f32 $-1.258291200e+07, v29  }
0x29d: {  	[tilespmem:s20+$0xC450] =	vst v3  }
0x29e: {  	v29 =	vsub.f32 v1, v38;
	v1 =	vld [tilespmem:$0x1FCB0];
	_ =	sdelay $0x4  }
0x29f: {  	[tilespmem:s20+$0xC460] =	vst v1  }
0x2a0: {  	v3 =	vld [tilespmem:$0x1FCC0];
	_ =	sdelay $0x2  }
0x2a1: {  	v35 =	vadd.f32 $1.258291200e+07, v18  }
0x2a2: {  	[tilespmem:s20+$0xC080] =	vst v59  }
0x2a3: {  	v35 =	vadd.f32 $-1.258291200e+07, v35;
	v55 =	vadd.f32 $1.258291200e+07, v43;
	[tilespmem:s20+$0xC470] =	vst v3  }
0x2a4: {  	v3 =	vld [tilespmem:$0x1FCD0]  }
0x2a5: {  	v18 =	vsub.f32 v18, v35;
	v37 =	vadd.f32 $-1.258291200e+07, v55;
	_ =	sdelay $0x1  }
0x2a6: {  	v43 =	vsub.f32 v43, v37;
	v1 =	vand.u32 $0x7FFFFFFF, v18  }
0x2a7: {  	v1 =	vadd.f32 v1, v57  }
0x2a8: {  	v32 =	vsel vm3, $0x3F000000, v0;
	vm3 =	vge.f32 v60, $0.0e+00;
	v59 =	vand.u32 $0x7FFFFFFF, v43;
	[tilespmem:s20+$0xC090] =	vst v3  }
0x2a9: {  	v60 =	vsel vm3, $0x3F000000, v0;
	vm3 =	vge.f32 v41, $0.0e+00;
	v41 =	vadd.f32 v59, v1;
	v1 =	vld [tilespmem:$0x1FCE0];
	[tilespmem:s20+$0xC0B0] =	vst v58  }
0x2aa: {  	[tilespmem:s20+$0xC0C0] =	vst v52  }
0x2ab: {  	[tilespmem:s20+$0xC0D0] =	vst v53  }
0x2ac: {  	[tilespmem:s20+$0xC0E0] =	vst v54  }
0x2ad: {  	[tilespmem:s20+$0xC0F0] =	vst v61  }
0x2ae: {  	[tilespmem:s20+$0xC480] =	vst v47  }
0x2af: {  	[tilespmem:s20+$0xC490] =	vst v45  }
0x2b0: {  	[tilespmem:s20+$0xC4A0] =	vst v46  }
0x2b1: {  	[tilespmem:s20+$0xC0A0] =	vst v1  }
0x2b2: {  	v3 =	vld [tilespmem:$0x1FCF0];
	_ =	sdelay $0x1  }
0x2b3: {  	v51 =	vadd.f32 $1.258291200e+07, v11  }
0x2b4: {  	v50 =	vsel vm13, $0x3F000000, v0;
	vm13 =	vge.f32 v39, $0.0e+00  }
0x2b5: {  	v39 =	vsel vm13, $0x3F000000, v0;
	v34 =	vadd.f32 $-1.258291200e+07, v51  }
0x2b6: {  	vm13 =	vge.f32 v2, $0.0e+00;
	v51 =	vand.u32 $0x7FFFFFFF, v12;
	[tilespmem:s20+$0xC4B0] =	vst v9;
	v2 =	vadd.f32 v42, v3  }
0x2b7: {  	v36 =	vadd.f32 v51, v36;
	v11 =	vsub.f32 v11, v34;
	vm2 =	vge.f32 v63, $0.0e+00;
	[tilespmem:s20+$0xC4C0] =	vst v4  }
0x2b8: {  	v1 =	vsel vm2, $0x3F000000, v0;
	vm2 =	vge.f32 v12, $0.0e+00;
	v12 =	vsel vm15, v2, v3;
	v2 =	vld [tilespmem:$0x1FD00]  }
0x2b9: {  	v56 =	vand.u32 $0x7FFFFFFF, v11  }
0x2ba: {  	v36 =	vadd.f32 v56, v36  }
0x2bb: {  	v57 =	vand.u32 $0x7FFFFFFF, v29  }
0x2bc: {  	v36 =	vadd.f32 v57, v36  }
0x2bd: {  	v51 =	vsel vm0, $0x3F000000, v0;
	vm0 =	vge.f32 v62, $0.0e+00;
	[tilespmem:s21+$0xC4F0] =	vst v2  }
0x2be: {  	v59 =	vsel vm0, $0x3F000000, v0;
	vm0 =	vge.f32 v11, $0.0e+00;
	v11 =	vadd.f32 v41, v36;
	v2 =	vld [tilespmem:$0x1FD10]  }
0x2bf: {  	v3 =	vld [tilespmem:$0x1FD20]  }
0x2c0: {  	v55 =	vsel vm13, $0x3F000000, v0;
	v56 =	vsel vm0, $0x3F000000, v0;
	(xrf2) =	vadd.scan.msk.f32 $0xffff, v11;
	v11 =	vadd.f32 v32, v21  }
0x2c1: {  	v58 =	vsel vm3, $0x3F000000, v0;
	vm3 =	vge.f32 v18, $0.0e+00;
	v54 =	vsel vm6, $0x3F000000, v0  }
0x2c2: {  	v52 =	vsel vm7, $0x3F000000, v0;
	v53 =	vsel vm9, $0x3F000000, v0;
	vm9 =	vge.f32 v44, $0.0e+00  }
0x2c3: {  	v47 =	vsel vm11, $0x3F000000, v0;
	v46 =	vsel vm10, $0x3F000000, v0;
	v45 =	vsel vm12, $0x3F000000, v0  }
0x2c4: {  	v63 =	vsel vm3, $0x3F000000, v0;
	vm3 =	vge.f32 v43, $0.0e+00;
	v9 =	vadd.f32 v3, v2;
	v2 =	vld [tilespmem:$0x1FD30]  }
0x2c5: {  	v44 =	vsel vm4, $0x3F000000, v0;
	v61 =	vsel vm3, $0x3F000000, v0;
	vm3 =	vge.f32 v49, $0.0e+00  }
0x2c6: {  	v43 =	vsel vm1, $0x3F000000, v0;
	v49 =	vsel vm8, $0x3F000000, v0;
	v41 =	vsel vm3, $0x3F000000, v0  }
0x2c7: {  	v57 =	vsel vm2, $0x3F000000, v0;
	vm2 =	vge.f32 v29, $0.0e+00;
	v29 =	vadd.f32 v40, v22  }
0x2c8: {  	v40 =	vsel vm9, $0x3F000000, v0;
	v62 =	vsel vm2, $0x3F000000, v0;
	vm2 =	vge.f32 v48, $0.0e+00  }
0x2c9: {  	s23 =	simm.s32 $0x200;
	s24 =	simm.s32 $0x400;
	s22 =	simm.s32 $0x2;
	v48 =	vsel vm5, $0x3F000000, v0;
	v42 =	vsel vm2, $0x3F000000, v0;
	v2 =	vadd.f32 v2, v20  }
.LBB2_9:
0x2ca: {  	v4 =	vld [tilespmem:$0x1FD10];
	_ =	sdelay $0x4  }
0x2cb: {  	s25 =	sand.u32 $0x3800, s24;
	s26 =	sand.u32 $0x300, s23;
	v32, _, _ =	vpop (xrf2);
	[tilespmem:s20+$0xC4D0] =	vst v12;
	v12 =	vsel vm15, v9, v4;
	v9 =	vimm.s32 $0xF  }
0x2cc: {  	v18 =	vadd.f32 v60, v23;
	v60 =	vperm.xlane v32, v9;
	[tilespmem:s20+$0xC4E0] =	vst v12;
	s20 =	smov.u32 s21;
	s21 =	sor.u32 s26, s25  }
0x2cd: {  	v36 =	vadd.f32 v50, v19;
	v50 =	vld [tilespmem:s21+$0x44E0]  }
0x2ce: {  	v3 =	vadd.f32 v51, v25;
	v1 =	vadd.f32 v1, v26;
	v4 =	vmovc v17;
	v32 =	vmovc v13;
	v13 =	vld [tilespmem:s21+$0x44F0];
	vm1 =	vgt.f32 v60, $6.400000000e+01  }
0x2cf: {  	v59 =	vadd.f32 v59, v31;
	v57 =	vadd.f32 v57, v15;
	[tilespmem:$0x1FD10] =	vst v4;
	v51 =	vld [tilespmem:s21+$0x44C0];
	v29 =	vsel vm1, v29, v22  }
0x2d0: {  	v56 =	vadd.f32 v56, v34;
	v12 =	vadd.f32 v39, v24;
	v39 =	vld [tilespmem:s21+$0x44D0];
	v2 =	vsel vm1, v2, v20;
	[tilespmem:s20+$0xC000] =	vst v29  }
0x2d1: {  	v17 =	vadd.f32 v58, v30;
	v58 =	vadd.f32 v55, v33;
	v55 =	vld [tilespmem:s21+$0x44A0];
	v1 =	vsel vm1, v1, v26;
	[tilespmem:s20+$0xC020] =	vst v2  }
0x2d2: {  	v62 =	vadd.f32 v62, v38;
	v60 =	vadd.f32 v63, v35;
	v63 =	vld [tilespmem:$0x1FBC0];
	v2 =	vsel vm1, v36, v19;
	[tilespmem:s20+$0xC060] =	vst v1  }
0x2d3: {  	v28 =	vadd.f32 v28, v16;
	v4 =	vadd.f32 v43, v4;
	v22 =	vld [tilespmem:s21+$0x44B0];
	v1 =	vsel vm1, v12, v24;
	[tilespmem:s20+$0xC030] =	vst v2  }
0x2d4: {  	v11 =	vsel vm1, v11, v21;
	v20 =	vld [tilespmem:s21+$0x4490];
	v29 =	vadd.f32 v61, v37;
	v2 =	vsel vm1, v3, v25;
	[tilespmem:s20+$0xC070] =	vst v1  }
0x2d5: {  	v21 =	vld [tilespmem:s21+$0x40F0];
	v3 =	vadd.f32 v52, v32;
	v1 =	vsel vm1, v59, v31;
	[tilespmem:s20+$0xC040] =	vst v2;
	v2 =	vsel vm1, v18, v23  }
0x2d6: {  	v61 =	vld [tilespmem:$0x1FBB0];
	[tilespmem:s20+$0xC400] =	vst v1;
	v1 =	vsel vm1, v17, v30;
	v30 =	vadd.f32 $1.258291200e+07, v51;
	v31 =	vadd.f32 $1.258291200e+07, v13  }
0x2d7: {  	v19 =	vmovc v5;
	v5 =	vmov v10;
	v10 =	vld [tilespmem:$0x1FBD0];
	v36 =	vadd.f32 v54, v63;
	[tilespmem:s20+$0xC050] =	vst v2;
	v2 =	vadd.f32 v47, v8  }
0x2d8: {  	vm2 =	vmmov vm14;
	[tilespmem:$0x1FBA0] =	vst v14;
	v59 =	vld [tilespmem:s21+$0x4080];
	v23 =	vmovc v14;
	v47 =	vadd.f32 v44, v5;
	v54 =	vadd.f32 v42, v19  }
0x2d9: {  	v14 =	vld [tilespmem:$0x1FBE0];
	v17 =	vadd.f32 v40, v23;
	[tilespmem:s20+$0xC410] =	vst v1;
	v1 =	vsel vm1, v57, v15;
	v23 =	vsel vm1, v58, v33  }
0x2da: {  	v18 =	vld [tilespmem:$0x1FC00];
	v33 =	vadd.f32 $1.258291200e+07, v55;
	[tilespmem:s20+$0xC420] =	vst v1;
	v1 =	vsel vm1, v56, v34;
	v34 =	vadd.f32 $1.258291200e+07, v39  }
0x2db: {  	v26 =	vsel vm1, v29, v37;
	v44 =	vld [tilespmem:s21+$0x40C0];
	v40 =	vadd.f32 $1.258291200e+07, v22;
	v42 =	vadd.f32 $1.258291200e+07, v20  }
0x2dc: {  	[tilespmem:s20+$0xC010] =	vst v11;
	v57 =	vld [tilespmem:s21+$0x4090];
	v3 =	vsel vm2, v3, v32;
	v37 =	vadd.f32 $1.258291200e+07, v21;
	v32 =	vadd.f32 $-1.258291200e+07, v31  }
0x2dd: {  	[tilespmem:$0x1FA80] =	vst v13;
	v58 =	vld [tilespmem:s21+$0x40B0];
	v11 =	vadd.f32 v27, v61;
	v52 =	vadd.f32 v53, v10  }
0x2de: {  	v9 =	vmovc v8;
	v8 =	vmovc v7;
	v56 =	vld [tilespmem:s21+$0x40A0];
	v53 =	vadd.f32 v48, v7;
	v7 =	vmov v6;
	[tilespmem:$0x1FB90] =	vst v17;
	v17 =	vadd.f32 $1.258291200e+07, v50  }
0x2df: {  	v24 =	vsel vm1, v60, v35;
	[tilespmem:s20+$0xC430] =	vst v23;
	v27 =	vld [tilespmem:s21+$0x4480];
	v13 =	vadd.f32 $-1.258291200e+07, v33;
	v12 =	vadd.f32 v45, v7  }
0x2e0: {  	v6 =	vld [tilespmem:$0x1FBF0];
	[tilespmem:s20+$0xC440] =	vst v1;
	v2 =	vsel vm2, v2, v9;
	v40 =	vadd.f32 $-1.258291200e+07, v40;
	v9 =	vadd.f32 $-1.258291200e+07, v37  }
0x2e1: {  	v1 =	vsel vm1, v62, v38;
	v23 =	vld [tilespmem:s21+$0x4000];
	[tilespmem:s20+$0xC450] =	vst v24;
	v49 =	vadd.f32 v49, v14;
	v41 =	vadd.f32 v41, v18  }
0x2e2: {  	v24 =	vld [tilespmem:s21+$0x4010];
	[tilespmem:s20+$0xC460] =	vst v1;
	v1 =	vsel vm2, v11, v61;
	v11 =	vadd.f32 $1.258291200e+07, v59;
	v17 =	vadd.f32 $-1.258291200e+07, v17  }
0x2e3: {  	v15 =	vsel vm2, v28, v16;
	v48 =	vld [tilespmem:s21+$0x40E0];
	v29 =	vadd.f32 $1.258291200e+07, v44;
	v16 =	vadd.f32 $1.258291200e+07, v57  }
0x2e4: {  	v45 =	vld [tilespmem:s21+$0x40D0];
	[tilespmem:s20+$0xC080] =	vst v1;
	v1 =	vsel vm2, v36, v63;
	v62 =	vadd.f32 $1.258291200e+07, v58;
	v63 =	vadd.f32 $-1.258291200e+07, v30  }
0x2e5: {  	[tilespmem:s20+$0xC090] =	vst v15;
	v36 =	vadd.f32 $-1.258291200e+07, v34;
	v21 =	vsub.f32 v21, v9  }
0x2e6: {  	[tilespmem:s20+$0xC0B0] =	vst v3;
	v61 =	vadd.f32 $1.258291200e+07, v56;
	v3 =	vsel vm2, v49, v14;
	v14 =	vadd.f32 $-1.258291200e+07, v42  }
0x2e7: {  	[tilespmem:s20+$0xC0F0] =	vst v2;
	v15 =	vadd.f32 $-1.258291200e+07, v11;
	v46 =	vadd.f32 v46, v6  }
0x2e8: {  	[tilespmem:s20+$0xC0A0] =	vst v1;
	v1 =	vsel vm2, v52, v10;
	v35 =	vadd.f32 $1.258291200e+07, v27;
	v38 =	vadd.f32 $1.258291200e+07, v48  }
0x2e9: {  	v2 =	vsel vm2, v12, v7;
	[tilespmem:s20+$0xC0C0] =	vst v1;
	v49 =	vadd.f32 $-1.258291200e+07, v29;
	v16 =	vadd.f32 $-1.258291200e+07, v16  }
0x2ea: {  	v1 =	vsel vm2, v53, v8;
	[tilespmem:s20+$0xC0D0] =	vst v3;
	v3 =	vsub.f32 v50, v17;
	v12 =	vsub.f32 v51, v63  }
0x2eb: {  	v25 =	vld [tilespmem:s21+$0x4020];
	[tilespmem:s20+$0xC490] =	vst v2;
	v52 =	vsub.f32 v39, v36;
	vm11 =	vge.f32 v21, $0.0e+00;
	v60 =	vadd.f32 $1.258291200e+07, v45  }
0x2ec: {  	[tilespmem:s20+$0xC0E0] =	vst v1;
	v2 =	vmovc v63;
	v10 =	vadd.f32 $-1.258291200e+07, v35;
	v8 =	vadd.f32 $-1.258291200e+07, v38;
	v1 =	vsel vm2, v46, v6  }
0x2ed: {  	v6 =	vmovc v14;
	v14 =	vsel vm2, v54, v19;
	vm0 =	vge.f32 v3, $0.0e+00;
	[tilespmem:$0x1FC00] =	vst v2;
	v2 =	vsub.f32 v59, v15  }
0x2ee: {  	[tilespmem:$0x1FA70] =	vst v4;
	v63 =	vsub.f32 v57, v16;
	v44 =	vsub.f32 v44, v49;
	v3 =	vand.u32 $0x7FFFFFFF, v3  }
0x2ef: {  	v60 =	vadd.f32 $-1.258291200e+07, v60;
	[tilespmem:s20+$0xC480] =	vst v1;
	v1 =	vsel vm2, v47, v5;
	v19 =	vsub.f32 v20, v6  }
0x2f0: {  	v5 =	vmovc v40;
	[tilespmem:s20+$0xC4B0] =	vst v14;
	v53 =	vadd.f32 $1.258291200e+07, v25;
	v14 =	vimm.s32 $0xF;
	v7 =	vmovc v8;
	v8 =	vadd.f32 $-1.258291200e+07, v61  }
0x2f1: {  	[tilespmem:s20+$0xC4A0] =	vst v1;
	v1 =	vsel vm2, v41, v18;
	vm1 =	vge.f32 v2, $0.0e+00;
	v20 =	vsub.f32 v22, v5  }
0x2f2: {  	[tilespmem:s20+$0xC470] =	vst v26;
	v4 =	vmovc v10;
	vm9 =	vge.f32 v44, $0.0e+00;
	v22 =	vand.u32 $0x7FFFFFFF, v52;
	v29 =	vsub.f32 v48, v7  }
0x2f3: {  	[tilespmem:$0x1FBF0] =	vst v4;
	v27 =	vsub.f32 v27, v4;
	v4 =	vimm.s32 $0x0;
	v45 =	vsub.f32 v45, v60  }
0x2f4: {  	[tilespmem:$0x1FBE0] =	vst v60;
	v60 =	vand.u32 $0x7FFFFFFF, v44;
	v51 =	vand.u32 $0x7FFFFFFF, v19;
	v10 =	vmovc v13;
	v13 =	vadd.f32 $-1.258291200e+07, v62  }
0x2f5: {  	[tilespmem:s20+$0xC4C0] =	vst v1;
	v4 =	vsel vm0, $0xFFFFFFFF, v4;
	v1 =	vsub.f32 v56, v8;
	v56 =	vand.u32 $0x7FFFFFFF, v63  }
0x2f6: {  	v33 =	vld [tilespmem:s21+$0x4400];
	vm0 =	vge.f32 v63, $0.0e+00;
	v63 =	vand.u32 $0x7FFFFFFF, v21;
	v11 =	vsub.f32 v55, v10  }
0x2f7: {  	[tilespmem:$0x1FB80] =	vst v4;
	v4 =	vimm.s32 $0x0;
	vm7 =	vge.f32 v29, $0.0e+00;
	v55 =	vand.u32 $0x7FFFFFFF, v2  }
0x2f8: {  	v61 =	vand.u32 $0x7FFFFFFF, v45;
	v29 =	vand.u32 $0x7FFFFFFF, v29;
	v54 =	vsub.f32 v58, v13  }
0x2f9: {  	v57 =	vand.u32 $0x7FFFFFFF, v1;
	vm3 =	vge.f32 v1, $0.0e+00;
	v1 =	vimm.s32 $0x0  }
0x2fa: {  	v28 =	vld [tilespmem:s21+$0x4030];
	vm6 =	vge.f32 v11, $0.0e+00;
	v2 =	vadd.f32 v57, v55;
	v1 =	vsel vm3, $0xFFFFFFFF, v1  }
0x2fb: {  	v42 =	vld [tilespmem:s21+$0x4410];
	v11 =	vand.u32 $0x7FFFFFFF, v11;
	v57 =	vadd.f32 $1.258291200e+07, v33;
	v58 =	vand.u32 $0x7FFFFFFF, v54  }
0x2fc: {  	v4 =	vsel vm6, $0xFFFFFFFF, v4;
	vm8 =	vge.f32 v54, $0.0e+00;
	v59 =	vadd.f32 v58, v56  }
0x2fd: {  	vm6 =	vge.f32 v27, $0.0e+00;
	[tilespmem:$0x1FB40] =	vst v4;
	v4 =	vimm.s32 $0x0;
	v2 =	vadd.f32 v60, v2  }
0x2fe: {  	v34 =	vld [tilespmem:s21+$0x4420];
	[tilespmem:$0x1FAC0] =	vst v1;
	v4 =	vsel vm7, $0xFFFFFFFF, v4;
	vm7 =	vge.f32 v19, $0.0e+00;
	v62 =	vadd.f32 v61, v59  }
0x2ff: {  	[tilespmem:$0x1FB00] =	vst v4;
	v1 =	vadd.f32 v29, v2;
	v29 =	vand.u32 $0x7FFFFFFF, v27;
	v4 =	vimm.s32 $0x0  }
0x300: {  	v27 =	vadd.f32 $1.258291200e+07, v28;
	v59 =	vadd.f32 $1.258291200e+07, v42;
	v4 =	vsel vm8, $0xFFFFFFFF, v4  }
0x301: {  	vm8 =	vge.f32 v20, $0.0e+00;
	v2 =	vadd.f32 v63, v62;
	v1 =	vadd.f32 v29, v1  }
0x302: {  	[tilespmem:$0x1FAD0] =	vst v4;
	v29 =	vand.u32 $0x7FFFFFFF, v20;
	v4 =	vimm.s32 $0x0;
	v20 =	vadd.f32 $-1.258291200e+07, v53  }
0x303: {  	v19 =	vadd.f32 $-1.258291200e+07, v27;
	v62 =	vadd.f32 $1.258291200e+07, v34;
	v4 =	vsel vm9, $0xFFFFFFFF, v4  }
0x304: {  	vm9 =	vge.f32 v12, $0.0e+00;
	v2 =	vadd.f32 v51, v2;
	[tilespmem:$0x1FAE0] =	vst v4;
	v1 =	vadd.f32 v11, v1;
	v4 =	vld [tilespmem:$0x1FA80]  }
0x305: {  	v11 =	vand.u32 $0x7FFFFFFF, v12;
	v12 =	vsub.f32 v25, v20;
	v39 =	vsub.f32 v28, v19  }
0x306: {  	[tilespmem:$0x1FBB0] =	vst v15;
	vm10 =	vge.f32 v45, $0.0e+00;
	v15 =	vadd.f32 $-1.258291200e+07, v62;
	v1 =	vadd.f32 v11, v1  }
0x307: {  	v2 =	vadd.f32 v29, v2;
	v11 =	vadd.f32 $1.258291200e+07, v23;
	v55 =	vand.u32 $0x7FFFFFFF, v12  }
0x308: {  	v56 =	vand.u32 $0x7FFFFFFF, v39;
	v1 =	vadd.f32 v3, v1;
	v3 =	vadd.f32 $1.258291200e+07, v24  }
0x309: {  	v31 =	vld [tilespmem:s21+$0x4070];
	v2 =	vadd.f32 v22, v2;
	v29 =	vsub.f32 v4, v32;
	v4 =	vimm.s32 $0x0  }
0x30a: {  	v4 =	vsel vm10, $0xFFFFFFFF, v4;
	v21 =	vadd.f32 $-1.258291200e+07, v3;
	vm10 =	vge.f32 v52, $0.0e+00  }
0x30b: {  	v3 =	vimm.s32 $0x0;
	[tilespmem:$0x1FAF0] =	vst v4;
	v22 =	vand.u32 $0x7FFFFFFF, v29;
	v4 =	vimm.s32 $0x0  }
0x30c: {  	v3 =	vsel vm10, $0xFFFFFFFF, v3;
	vm4 =	vge.f32 v29, $0.0e+00;
	v2 =	vadd.f32 v22, v2  }
0x30d: {  	v26 =	vld [tilespmem:s21+$0x4040];
	v4 =	vsel vm11, $0xFFFFFFFF, v4;
	v22 =	vadd.f32 $-1.258291200e+07, v11;
	v11 =	vsub.f32 v24, v21  }
0x30e: {  	v43 =	vld [tilespmem:s21+$0x4050];
	v24 =	vadd.f32 $1.258291200e+07, v31;
	[tilespmem:$0x1FB10] =	vst v4;
	v4 =	vimm.s32 $0x0;
	v1 =	vadd.f32 v2, v1  }
0x30f: {  	v40 =	vld [tilespmem:s21+$0x4460];
	[tilespmem:$0x1FB70] =	vst v3;
	v4 =	vsel vm6, $0xFFFFFFFF, v4;
	v2 =	vimm.s32 $0x0;
	v3 =	vsub.f32 v23, v22  }
0x310: {  	v24 =	vadd.f32 $-1.258291200e+07, v24;
	vm6 =	vge.f32 v12, $0.0e+00;
	v12 =	vimm.s32 $0x0;
	(xrf2) =	vadd.scan.msk.f32 $0xffff, v1  }
0x311: {  	v30 =	vld [tilespmem:s21+$0x4060];
	[tilespmem:$0x1FBD0] =	vst v49;
	vm5 =	vge.f32 v11, $0.0e+00;
	v2 =	vsel vm8, $0xFFFFFFFF, v2;
	v12 =	vsel vm6, $0xFFFFFFFF, v12  }
0x312: {  	v38 =	vld [tilespmem:s21+$0x4450];
	[tilespmem:$0x1FB50] =	vst v2;
	v2 =	vimm.s32 $0x0;
	v1 =	vadd.f32 $1.258291200e+07, v26;
	v49 =	vsub.f32 v31, v24  }
0x313: {  	v31 =	vadd.f32 $-1.258291200e+07, v57;
	[tilespmem:$0x1FAB0] =	vst v12;
	v12 =	vsub.f32 v34, v15;
	v2 =	vsel vm9, $0xFFFFFFFF, v2  }
0x314: {  	v54 =	vand.u32 $0x7FFFFFFF, v3;
	v57 =	vadd.f32 $1.258291200e+07, v40;
	[tilespmem:$0x1FB60] =	vst v2;
	v2 =	vadd.f32 $1.258291200e+07, v43  }
0x315: {  	vm11 =	vge.f32 v3, $0.0e+00;
	v44 =	vadd.f32 v55, v54;
	v25 =	vadd.f32 $-1.258291200e+07, v1  }
0x316: {  	v3 =	vimm.s32 $0x0;
	v23 =	vadd.f32 $-1.258291200e+07, v2;
	v2 =	vadd.f32 $1.258291200e+07, v30  }
0x317: {  	v3 =	vsel vm11, $0xFFFFFFFF, v3;
	v55 =	vadd.f32 $1.258291200e+07, v38;
	v47 =	vsub.f32 v26, v25  }
0x318: {  	v35 =	vld [tilespmem:s21+$0x4430];
	v1 =	vand.u32 $0x7FFFFFFF, v11;
	v52 =	vsub.f32 v33, v31;
	v26 =	vadd.f32 $-1.258291200e+07, v2  }
0x319: {  	v41 =	vld [tilespmem:s21+$0x4470];
	[tilespmem:$0x1FA90] =	vst v3;
	v1 =	vadd.f32 v56, v1;
	v3 =	vsub.f32 v43, v23;
	v2 =	vand.u32 $0x7FFFFFFF, v47  }
0x31a: {  	v37 =	vld [tilespmem:s21+$0x4440];
	v2 =	vadd.f32 v2, v44;
	v46 =	vsub.f32 v30, v26;
	v30 =	vsel vm4, $0x3F000000, v0;
	v29, _, _ =	vpop (xrf2)  }
0x31b: {  	v58 =	vand.u32 $0x7FFFFFFF, v3;
	v61 =	vadd.f32 v30, v32;
	v29 =	vperm.xlane v29, v14  }
0x31c: {  	v63 =	vand.u32 $0x7FFFFFFF, v49;
	v30 =	vadd.f32 $-1.258291200e+07, v59;
	v1 =	vadd.f32 v58, v1  }
0x31d: {  	v60 =	vand.u32 $0x7FFFFFFF, v46;
	vm15 =	vgt.f32 v29, $6.400000000e+01;
	v29 =	vadd.f32 $1.258291200e+07, v35  }
0x31e: {  	v11 =	vimm.s32 $0x0;
	v59 =	vadd.f32 $1.258291200e+07, v41;
	v2 =	vadd.f32 v60, v2  }
0x31f: {  	v11 =	vsel vm5, $0xFFFFFFFF, v11;
	v33 =	vadd.f32 $-1.258291200e+07, v29;
	v29 =	vadd.f32 $1.258291200e+07, v37  }
0x320: {  	[tilespmem:$0x1FAA0] =	vst v11;
	v53 =	vand.u32 $0x7FFFFFFF, v52;
	v11 =	vsub.f32 v42, v30;
	v1 =	vadd.f32 v63, v1  }
0x321: {  	vm5 =	vge.f32 v3, $0.0e+00;
	v2 =	vadd.f32 v53, v2;
	v34 =	vadd.f32 $-1.258291200e+07, v29  }
0x322: {  	v54 =	vand.u32 $0x7FFFFFFF, v11;
	v56 =	vsub.f32 v35, v33;
	v35 =	vadd.f32 $-1.258291200e+07, v55  }
0x323: {  	v32 =	vsel vm15, v61, v32;
	v1 =	vadd.f32 v54, v1;
	v60 =	vsub.f32 v37, v34  }
0x324: {  	v29 =	vand.u32 $0x7FFFFFFF, v12;
	v3 =	vsub.f32 v38, v35;
	v38 =	vadd.f32 $-1.258291200e+07, v57  }
0x325: {  	v2 =	vadd.f32 v29, v2;
	v58 =	vand.u32 $0x7FFFFFFF, v56;
	v37 =	vadd.f32 $-1.258291200e+07, v59  }
0x326: {  	v1 =	vadd.f32 v58, v1;
	v29 =	vand.u32 $0x7FFFFFFF, v60;
	v40 =	vsub.f32 v40, v38  }
0x327: {  	v61 =	vand.u32 $0x7FFFFFFF, v3;
	v2 =	vadd.f32 v29, v2;
	v29 =	vsub.f32 v41, v37  }
0x328: {  	v1 =	vadd.f32 v61, v1  }
0x329: {  	v62 =	vand.u32 $0x7FFFFFFF, v40;
	v63 =	vand.u32 $0x7FFFFFFF, v29  }
0x32a: {  	v2 =	vadd.f32 v62, v2;
	v1 =	vadd.f32 v63, v1;
	_ =	sdelay $0x1  }
0x32b: {  	v1 =	vadd.f32 v1, v2;
	v2 =	vld [tilespmem:$0x1FA90]  }
0x32c: {  	vm13 =	vge.f32 v3, $0.0e+00;
	v3 =	vld [tilespmem:$0x1FAA0]  }
0x32d: {  	vm9 =	vge.f32 v11, $0.0e+00;
	v11 =	vld [tilespmem:$0x1FAB0];
	_ =	sdelay $0x2  }
0x32e: {  	v27 =	vsel vm1, $0x3F000000, v0;
	vm1 =	vnez.u8 v2  }
0x32f: {  	v2 =	vsel vm1, $0x3F000000, v0;
	vm1 =	vnez.u8 v3  }
0x330: {  	v3 =	vsel vm1, $0x3F000000, v0;
	vm1 =	vnez.u8 v11;
	v11 =	vld [tilespmem:$0x1FAC0];
	_ =	sdelay $0x2  }
0x331: {  	[tilespmem:$0x1FB20] =	vst v4;
	v4 =	vimm.s32 $0x0  }
0x332: {  	v4 =	vsel vm7, $0xFFFFFFFF, v4;
	vm7 =	vge.f32 v49, $0.0e+00  }
0x333: {  	vm3 =	vge.f32 v39, $0.0e+00;
	v39 =	vsel vm7, $0x3F000000, v0;
	vm7 =	vnez.u8 v11;
	v11 =	vld [tilespmem:$0x1FAD0];
	_ =	sdelay $0x3  }
0x334: {  	vm8 =	vge.f32 v52, $0.0e+00  }
0x335: {  	v59 =	vsel vm8, $0x3F000000, v0;
	vm8 =	vnez.u8 v11;
	v11 =	vld [tilespmem:$0x1FAE0];
	_ =	sdelay $0x4  }
0x336: {  	v58 =	vsel vm9, $0x3F000000, v0;
	vm9 =	vnez.u8 v11;
	v11 =	vld [tilespmem:$0x1FAF0];
	_ =	sdelay $0x3  }
0x337: {  	vm10 =	vge.f32 v12, $0.0e+00  }
0x338: {  	v57 =	vsel vm10, $0x3F000000, v0;
	vm10 =	vnez.u8 v11;
	v11 =	vld [tilespmem:$0x1FB00];
	_ =	sdelay $0x3  }
0x339: {  	vm11 =	vge.f32 v56, $0.0e+00  }
0x33a: {  	v55 =	vsel vm11, $0x3F000000, v0;
	vm11 =	vnez.u8 v11;
	v11 =	vld [tilespmem:$0x1FB10];
	_ =	sdelay $0x3  }
0x33b: {  	vm4 =	vge.f32 v47, $0.0e+00  }
0x33c: {  	v51 =	vsel vm4, $0x3F000000, v0;
	vm4 =	vnez.u8 v11;
	v11 =	vld [tilespmem:$0x1FB20];
	_ =	sdelay $0x3  }
0x33d: {  	[tilespmem:$0x1FB30] =	vst v4  }
0x33e: {  	vm12 =	vge.f32 v60, $0.0e+00;
	v60 =	vsel vm5, $0x3F000000, v0;
	vm5 =	vnez.u8 v11;
	v11 =	vld [tilespmem:$0x1FB30];
	_ =	sdelay $0x3  }
0x33f: {  	vm6 =	vge.f32 v46, $0.0e+00  }
0x340: {  	(xrf2) =	vadd.scan.msk.f32 $0xffff, v1;
	v1 =	vsel vm6, $0x3F000000, v0;
	vm6 =	vnez.u8 v11;
	v11 =	vld [tilespmem:$0x1FB40];
	_ =	sdelay $0x3  }
0x341: {  	v28 =	vsel vm0, $0x3F000000, v0;
	vm0 =	vge.f32 v29, $0.0e+00;
	v29 =	vadd.f32 v2, v22;
	v2 =	vld [tilespmem:$0x1FB70]  }
0x342: {  	v54 =	vsel vm7, $0x3F000000, v0;
	vm7 =	vnez.u8 v11;
	v11 =	vld [tilespmem:$0x1FB50];
	_ =	sdelay $0x3  }
0x343: {  	v49 =	vsel vm10, $0x3F000000, v0;
	vm10 =	vnez.u8 v2;
	v2 =	vld [tilespmem:$0x1FB80]  }
0x344: {  	v52 =	vsel vm8, $0x3F000000, v0;
	vm8 =	vnez.u8 v11;
	v11 =	vld [tilespmem:$0x1FB60];
	_ =	sdelay $0x1  }
0x345: {  	v50 =	vsel vm3, $0x3F000000, v0  }
0x346: {  	v4 =	vimm.s32 $0xF;
	vm14 =	vge.f32 v40, $0.0e+00;
	v12 =	vsel vm1, $0x3F000000, v0  }
0x347: {  	s22 =	sadd.s32 $0x2, s22;
	v48 =	vsel vm11, $0x3F000000, v0;
	vm11 =	vnez.u8 v2;
	v2 =	vadd.f32 v12, v20;
	v12 =	vld [tilespmem:$0x1FBA0]  }
0x348: {  	p0 =	slt.u32 s22, $0x3E;
	v53 =	vsel vm9, $0x3F000000, v0;
	vm9 =	vnez.u8 v11;
	v11 =	vadd.f32 v3, v21;
	v3 =	vld [tilespmem:$0x1FB90]  }
.Ltmp4:
0x349: {  	v56 =	vsel vm12, $0x3F000000, v0;
	v62 =	vsel vm14, $0x3F000000, v0;
	vm14 =	vmmov vm15;
	(pc) =	sbr.rel @p0 .LBB2_9-.Ltmp4, $4  }
0x34a: {  	vm15 =	vmmov vm2;
	v63 =	vsel vm13, $0x3F000000, v0;
	v61 =	vsel vm0, $0x3F000000, v0  }
0x34b: {  	v40 =	vsel vm10, $0x3F000000, v0;
	v43 =	vsel vm11, $0x3F000000, v0;
	v47 =	vsel vm4, $0x3F000000, v0  }
0x34c: {  	[tilespmem:$0x1FBC0] =	vst v8;
	v46 =	vsel vm5, $0x3F000000, v0;
	v45 =	vsel vm6, $0x3F000000, v0;
	v44 =	vsel vm7, $0x3F000000, v0  }
0x34d: {  	s23 =	sadd.s32 $0x100, s23;
	s24 =	sadd.s32 $0x200, s24;
	v8 =	vmovc v9;
	v9 =	vld [tilespmem:$0x1FA70];
	v14 =	vmovc v36;
	[tilespmem:s21+$0xC4F0] =	vst v32;
	v42 =	vsel vm8, $0x3F000000, v0;
	v41 =	vsel vm9, $0x3F000000, v0;
	v12 =	vsel vm2, v3, v12  }
0x34e: {  	v3, _, _ =	vpop (xrf2)  }
0x34f: {  	v3 =	vperm.xlane v3, v4;
	_ =	sdelay $0x1  }
0x350: {  	vm0 =	vgt.f32 v3, $6.400000000e+01  }
0x351: {  	[tilespmem:s20+$0xC4D0] =	vst v12;
	v3 =	vsel vm0, v29, v22  }
0x352: {  	v1 =	vadd.f32 v1, v26;
	v32 =	vld [tilespmem:$0x1FD10];
	v2 =	vsel vm0, v2, v20;
	[tilespmem:s21+$0xC000] =	vst v3  }
0x353: {  	v50 =	vadd.f32 v50, v19;
	v3 =	vsel vm0, v11, v21;
	[tilespmem:s21+$0xC020] =	vst v2  }
0x354: {  	v1 =	vsel vm0, v1, v26;
	[tilespmem:s21+$0xC010] =	vst v3;
	v3 =	vadd.f32 v51, v25  }
0x355: {  	v2 =	vsel vm0, v50, v19;
	[tilespmem:s21+$0xC060] =	vst v1;
	v51 =	vadd.f32 v60, v23  }
0x356: {  	[tilespmem:s21+$0xC030] =	vst v2;
	v2 =	vsel vm0, v3, v25  }
0x357: {  	v3 =	vadd.f32 v39, v24;
	[tilespmem:s21+$0xC040] =	vst v2;
	v2 =	vsel vm0, v51, v23  }
0x358: {  	v36 =	vsel vm15, v9, v32;
	[tilespmem:s21+$0xC050] =	vst v2;
	v2 =	vadd.f32 v59, v31  }
0x359: {  	[tilespmem:s20+$0xC4E0] =	vst v36;
	v1 =	vsel vm0, v3, v24;
	v3 =	vadd.f32 v58, v30  }
0x35a: {  	[tilespmem:s21+$0xC070] =	vst v1;
	v1 =	vsel vm0, v2, v31;
	v2 =	vadd.f32 v57, v15  }
0x35b: {  	[tilespmem:s21+$0xC400] =	vst v1;
	v1 =	vsel vm0, v3, v30;
	v3 =	vadd.f32 v55, v33  }
0x35c: {  	[tilespmem:s21+$0xC410] =	vst v1;
	v1 =	vsel vm0, v2, v15;
	v2 =	vadd.f32 v56, v34  }
0x35d: {  	v3 =	vsel vm0, v3, v33;
	[tilespmem:s21+$0xC420] =	vst v1;
	v1 =	vadd.f32 v63, v35  }
0x35e: {  	v2 =	vsel vm0, v2, v34;
	[tilespmem:s21+$0xC430] =	vst v3;
	v3 =	vadd.f32 v62, v38  }
0x35f: {  	v1 =	vsel vm0, v1, v35;
	[tilespmem:s21+$0xC440] =	vst v2;
	v2 =	vadd.f32 v61, v37  }
0x360: {  	v3 =	vsel vm0, v3, v38;
	[tilespmem:s21+$0xC450] =	vst v1  }
0x361: {  	v58 =	vld [tilespmem:$0x1FBB0];
	v2 =	vsel vm0, v2, v37;
	[tilespmem:s21+$0xC460] =	vst v3  }
0x362: {  	[tilespmem:s21+$0xC470] =	vst v2  }
0x363: {  	v59 =	vld [tilespmem:$0x1FBC0];
	_ =	sdelay $0x2  }
0x364: {  	v3 =	vadd.f32 v28, v16  }
0x365: {  	vm15 =	vmmov vm14;
	v1 =	vadd.f32 v27, v58  }
0x366: {  	v3 =	vsel vm15, v3, v16;
	v2 =	vadd.f32 v54, v59  }
0x367: {  	[tilespmem:s21+$0xC090] =	vst v3;
	v1 =	vsel vm15, v1, v58  }
0x368: {  	[tilespmem:s21+$0xC080] =	vst v1;
	v2 =	vsel vm15, v2, v59  }
0x369: {  	v60 =	vld [tilespmem:$0x1FBD0];
	[tilespmem:s21+$0xC0A0] =	vst v2  }
0x36a: {  	v61 =	vld [tilespmem:$0x1FBE0];
	_ =	sdelay $0x2  }
0x36b: {  	v1 =	vadd.f32 v52, v13  }
0x36c: {  	v3 =	vadd.f32 v53, v60  }
0x36d: {  	v1 =	vsel vm15, v1, v13;
	v2 =	vadd.f32 v49, v61  }
0x36e: {  	[tilespmem:s21+$0xC0B0] =	vst v1;
	v3 =	vsel vm15, v3, v60  }
0x36f: {  	[tilespmem:s21+$0xC0C0] =	vst v3;
	v2 =	vsel vm15, v2, v61  }
0x370: {  	[tilespmem:s21+$0xC0D0] =	vst v2  }
0x371: {  	v62 =	vld [tilespmem:$0x1FBF0]  }
0x372: {  	v1 =	vadd.f32 v48, v7;
	_ =	sdelay $0x1  }
0x373: {  	v1 =	vsel vm15, v1, v7;
	v3 =	vadd.f32 v47, v8  }
0x374: {  	[tilespmem:s21+$0xC0E0] =	vst v1;
	v1 =	vadd.f32 v45, v6  }
0x375: {  	v3 =	vsel vm15, v3, v8;
	v2 =	vadd.f32 v46, v62  }
0x376: {  	[tilespmem:s21+$0xC0F0] =	vst v3;
	v1 =	vsel vm15, v1, v6  }
0x377: {  	[tilespmem:s21+$0xC490] =	vst v1;
	v2 =	vsel vm15, v2, v62  }
0x378: {  	[tilespmem:s21+$0xC480] =	vst v2  }
0x379: {  	v63 =	vld [tilespmem:$0x1FC00];
	_ =	sdelay $0x2  }
0x37a: {  	v3 =	vadd.f32 v44, v10  }
0x37b: {  	v2 =	vadd.f32 v42, v5  }
0x37c: {  	s18 =	sadd.s32 $0x1, s18;
	v3 =	vsel vm15, v3, v10;
	v1 =	vadd.f32 v41, v63  }
0x37d: {  	p0 =	sne.s32 s18, $0x40;
	[tilespmem:s21+$0xC4A0] =	vst v3;
	v3 =	vadd.f32 v40, v14;
	v2 =	vsel vm15, v2, v5  }
.Ltmp5:
0x37e: {  	[tilespmem:s21+$0xC4B0] =	vst v2;
	v2 =	vadd.f32 v43, v17;
	v1 =	vsel vm15, v1, v63;
	(pc) =	sbr.rel @p0 .LBB2_2-.Ltmp5, $4  }
0x37f: {  	[tilespmem:s21+$0xC4C0] =	vst v1;
	v1 =	vsel vm15, v3, v14  }
0x380: {  	[tilespmem:s21+$0xC4D0] =	vst v1;
	v1 =	vsel vm15, v2, v17  }
0x381: {  	s19 =	sadd.s32 s3, s19;
	[tilespmem:s21+$0xC4E0] =	vst v1  }
0x382: {  	[hbm4b:s19+s4] =	stream.linear.scatter [tilespmem:s15], [sflag:$0x4], $0x4000, $0x38;
	[tilespmem:$0x10000] =	vst v63  }
0x383: {  	s17 =	sadd.s32 $0x1, s17  }
0x384: {  	_ =	swait.ge [sflag:s16], $0x4000;
	p0 =	sne.s32 s17, s9  }
.Ltmp6:
0x385: {  	[sflag:s16] =	ssyncset.done $0x0;
	(pc) =	sbr.rel @p0 .LBB2_1-.Ltmp6, $4  }
0x386: {  	[sflag:s16] =	ssyncadd.s32 $0xFFFFC000  }
0x387: {  	_ =	swait.ge [sflag:s14], $0x4000  }
0x388: {  	[sflag:s14] =	ssyncset.done $0x0  }
0x389: {  	[sflag:s14] =	ssyncadd.s32 $0xFFFFC000  }
0x38a: {  	_ =	sfence.sel $0x180000  }
0x38b: {  	[bflag:$0x0] =	sbarrier.arrive $0xFFFF  }
0x38c: {  	p0 =	sne.s32 s2, $0x0;
	_ =	strace $0x90000047  }
0x38d: {  	s0 =	sadd.s32 @!p0 $0x100000, s0;
	[bflag:$0x2] =	sbarrier.arrive $0xFFFF  }
0x38e: {  	[sflag:s0] =	ssyncadd.tile.s32 @!p0 $0x1;
	_ =	shalt  }
.Lfunc_end2:
_tile_overlayer_lowered:
.L_overlay_start_2:
0x38f: {  	(tag) =	ssettag $0x2  }
0x390: {  	s0 =	rddreg [dreg:$0x0];
	s2 =	stileid.u32  }
0x391: {  	s1 =	rddreg [dreg:$0x1];
	p0 =	sne.s32 s2, $0x0  }
0x392: {  	s3 =	rddreg [dreg:$0x2];
	[bflag:$0x3] =	sbarrier.arrive $0xFFFF;
	s2 =	simm.s32 @!p0 $0x1C05  }
0x393: {  	[timem:s3], [sflag:s2] =	dma.local @!p0 [hbm:s0], s1  }
0x394: {  	s0 =	simm.s32 @!p0 $0x5  }
0x395: {  	_ =	swait.ge @!p0 [sflag:s0], s1  }
0x396: {  	s1 =	ssub.s32 @!p0 $0x0, s1;
	[sflag:s0] =	ssyncset.done @!p0 $0x0  }
0x397: {  	[sflag:s0] =	ssyncadd.s32 @!p0 s1  }
0x398: {  	[bflag:$0x3] =	sbarrier.arrive $0xFFFF  }
0x399: {  	_ =	shalt  }

</sc_bundles>
